<compile_context>
chip_gen: v7x
topology: tpu7x:2x2x1
jax: 0.10.2.dev20260603
libtpu: 0.0.44.dev20260713+nightly
codegen_flags: <defaults>
</compile_context>

<pallas_src>
import jax
import jax.numpy as jnp
from jax import lax
from jax.experimental import pallas as pl
from jax.experimental.pallas import tpu as pltpu
from jax.experimental.pallas import tpu_sc as plsc

_N = 10000
_E = 320000
_D = 128

_NC = 2
_NS = 16
_NW = _NC * _NS
_CHUNK = 128
_CPT = 80
_E_PAD = _NW * _CPT * _CHUNK
_NBUF = 2
_LEAD = 1
_STAGE = 40
_NROW = 640
_N_PAD = _NS * _NROW

_LANES = 16

_sc_mesh = plsc.VectorSubcoreMesh(core_axis_name="c", subcore_axis_name="s")


def _make_sc_agg(with_deg):
  out_type = [jax.ShapeDtypeStruct((_NC * _N_PAD, _D), jnp.float32)]
  if with_deg:
    out_type.append(jax.ShapeDtypeStruct((_NC * _N_PAD,), jnp.float32))

  scratch = (
      [pltpu.VMEM((_STAGE, _CHUNK), jnp.int32),
       pltpu.VMEM((_STAGE, _CHUNK), jnp.int32)]
      + [pltpu.VMEM((_CHUNK, _D), jnp.float32) for _ in range(_NBUF)]
      + [pltpu.VMEM((_CHUNK,), jnp.float32),
         pltpu.VMEM((_CHUNK,), jnp.float32),
         pltpu.VMEM_SHARED((_N_PAD, _D), jnp.float32),
         pltpu.VMEM_SHARED((_N_PAD,), jnp.float32)]
      + [pltpu.SemaphoreType.DMA for _ in range(2 * _NBUF + 1)]
  )

  def body(x_hbm, srcr_hbm, dstr_hbm, *rest):
    if with_deg:
      agg_hbm, deg_hbm = rest[0], rest[1]
      rest = rest[2:]
    else:
      agg_hbm = rest[0]
      rest = rest[1:]
    idx_s, idx_d = rest[0], rest[1]
    rows = rest[2:2 + _NBUF]
    vec1d, z1d, agg_sh, deg_sh = rest[2 + _NBUF:6 + _NBUF]
    semg = rest[6 + _NBUF:6 + 2 * _NBUF]
    sems = rest[6 + 2 * _NBUF:6 + 3 * _NBUF]
    semd = rest[6 + 3 * _NBUF]

    cid = lax.axis_index("c")
    sid = lax.axis_index("s")
    wid = cid * _NS + sid
    zero16 = jnp.zeros((_LANES,), jnp.float32)
    one16 = jnp.ones((_LANES,), jnp.float32)

    def zrow(r, _):
      for c in range(_D // _LANES):
        rows[0][r, pl.ds(c * _LANES, _LANES)] = zero16
      return _
    lax.fori_loop(0, _CHUNK, zrow, 0)

    if with_deg:
      def fill1d(r, _):
        vec1d[pl.ds(r * _LANES, _LANES)] = one16
        z1d[pl.ds(r * _LANES, _LANES)] = zero16
        return _
      lax.fori_loop(0, _CHUNK // _LANES, fill1d, 0)

    row0 = sid * _NROW
    for k in range(_NROW // _CHUNK):
      pltpu.sync_copy(rows[0], agg_sh.at[pl.ds(row0 + k * _CHUNK, _CHUNK)])
      if with_deg:
        pltpu.sync_copy(z1d, deg_sh.at[pl.ds(row0 + k * _CHUNK, _CHUNK)])

    plsc.subcore_barrier()

    def gather(j, b):
      pltpu.async_copy(x_hbm.at[idx_s.at[j]], rows[b], semg[b])

    def wait_gather(j, b):
      pltpu.make_async_copy(x_hbm.at[idx_s.at[j]], rows[b], semg[b]).wait()

    def scatter(j, b):
      pltpu.async_copy(rows[b], agg_sh.at[idx_d.at[j]], sems[b], add=True)
      if with_deg:
        pltpu.async_copy(vec1d, deg_sh.at[idx_d.at[j]], semd, add=True)

    def wait_scatter(j, b):
      pltpu.make_async_copy(rows[b], agg_sh.at[idx_d.at[j]], sems[b]).wait()

    for s in range(_CPT // _STAGE):
      base = wid * _CPT + s * _STAGE
      pltpu.sync_copy(srcr_hbm.at[pl.ds(base, _STAGE)], idx_s)
      pltpu.sync_copy(dstr_hbm.at[pl.ds(base, _STAGE)], idx_d)

      for b in range(_NBUF):
        gather(b, b)
        if b >= _LEAD:
          wait_gather(b - _LEAD, b - _LEAD)
          scatter(b - _LEAD, b - _LEAD)

      def group(g, _):
        for b in range(_NBUF):
          j = g * _NBUF + b
          wait_scatter(j - _NBUF, b)
          gather(j, b)
          bb = (b - _LEAD) % _NBUF
          wait_gather(j - _LEAD, bb)
          scatter(j - _LEAD, bb)
        return _
      lax.fori_loop(1, _STAGE // _NBUF, group, 0)

      for jj in range(_STAGE - _LEAD, _STAGE):
        b = jj % _NBUF
        wait_gather(jj, b)
        scatter(jj, b)
      for jj in range(_STAGE - _NBUF, _STAGE):
        wait_scatter(jj, jj % _NBUF)
      if with_deg:
        def dwait(j, _):
          pltpu.make_async_copy(vec1d, deg_sh.at[idx_d.at[0]], semd).wait()
          return _
        lax.fori_loop(0, _STAGE, dwait, 0)

    plsc.subcore_barrier()

    off = cid * _N_PAD + row0
    pltpu.sync_copy(agg_sh.at[pl.ds(row0, _NROW)], agg_hbm.at[pl.ds(off, _NROW)])
    if with_deg:
      pltpu.sync_copy(deg_sh.at[pl.ds(row0, _NROW)],
                      deg_hbm.at[pl.ds(off, _NROW)])

  return pl.kernel(body, out_type=out_type, mesh=_sc_mesh,
                   scratch_types=scratch)


_sc_agg_deg = _make_sc_agg(True)
_sc_agg = _make_sc_agg(False)

_BLK = 512
_GRID = _N_PAD // _BLK


def _dot(a, w):
  return lax.dot_general(a, w, (((1,), (0,)), ((), ())),
                         precision=lax.Precision.HIGHEST,
                         preferred_element_type=jnp.float32)


def _tc_mid_body(ap, dp, w, bb, o):
  a = ap[0] + ap[1]
  dg = jnp.clip(dp[0] + dp[1], 1.0, None)
  s = a / dg
  o[...] = jnp.tanh(_dot(s, w[...]) + bb[...])


def _tc_final_body(ap, dp, w, bb, xb, gb, betab, o):
  a = ap[0] + ap[1]
  dg = jnp.clip(dp[0] + dp[1], 1.0, None)
  s = a / dg
  h = jnp.tanh(_dot(s, w[...]) + bb[...])
  r = xb[...] + h
  m = jnp.mean(r, axis=1, keepdims=True)
  c = r - m
  v = jnp.mean(c * c, axis=1, keepdims=True)
  o[...] = c * lax.rsqrt(v + 1e-5) * gb[...] + betab[...]


_spec_agg = pl.BlockSpec((2, _BLK, _D), lambda i: (0, i, 0))
_spec_deg = pl.BlockSpec((2, _BLK, 1), lambda i: (0, i, 0))
_spec_w = pl.BlockSpec((_D, _D), lambda i: (0, 0))
_spec_row = pl.BlockSpec((1, _D), lambda i: (0, 0))
_spec_x = pl.BlockSpec((_BLK, _D), lambda i: (i, 0))

_tc_mid = pl.pallas_call(
    _tc_mid_body,
    grid=(_GRID,),
    in_specs=[_spec_agg, _spec_deg, _spec_w, _spec_row],
    out_specs=_spec_x,
    out_shape=jax.ShapeDtypeStruct((_N_PAD, _D), jnp.float32),
)

_BLK2 = 400
_spec_agg2 = pl.BlockSpec((2, _BLK2, _D), lambda i: (0, i, 0))
_spec_deg2 = pl.BlockSpec((2, _BLK2, 1), lambda i: (0, i, 0))
_spec_x2 = pl.BlockSpec((_BLK2, _D), lambda i: (i, 0))

_tc_final = pl.pallas_call(
    _tc_final_body,
    grid=(_N // _BLK2,),
    in_specs=[_spec_agg2, _spec_deg2, _spec_w, _spec_row, _spec_x2,
              _spec_row, _spec_row],
    out_specs=_spec_x2,
    out_shape=jax.ShapeDtypeStruct((_N, _D), jnp.float32),
)


def kernel(x, edge_index, W1, b1, W2, b2, gamma, beta):
  src = edge_index[0]
  dst = edge_index[1]
  ept = _E // _NW
  ppt = _E_PAD // _NW - ept
  src_p = jnp.concatenate(
      [src.reshape(_NW, ept), jnp.zeros((_NW, ppt), jnp.int32)], axis=1)
  src_p = src_p.reshape(_E_PAD // _CHUNK, _CHUNK)
  dump = (_N + jnp.arange(_NW, dtype=jnp.int32)[:, None] * 7
          + jnp.arange(ppt, dtype=jnp.int32)[None, :] % 7)
  dst_p = jnp.concatenate([dst.reshape(_NW, ept), dump], axis=1)
  dst_p = dst_p.reshape(_E_PAD // _CHUNK, _CHUNK)

  agg1, deg = _sc_agg_deg(x, src_p, dst_p)
  agg1 = agg1.reshape(_NC, _N_PAD, _D)
  deg = deg.reshape(_NC, _N_PAD, 1)

  h1 = _tc_mid(agg1, deg, W1, b1.reshape(1, _D))

  agg2, = _sc_agg(h1, src_p, dst_p)
  agg2 = agg2.reshape(_NC, _N_PAD, _D)

  return _tc_final(agg2, deg, W2, b2.reshape(1, _D), x,
                   gamma.reshape(1, _D), beta.reshape(1, _D))

# --- scband reference (transcript-rebuilt; emitter-appended) ---
"""Pipeline reference for scband-gcn-layers-3521873183316 (READ-ONLY COPY).

The authoritative reference and input builder live on the scoring server;
editing this copy changes nothing except your own understanding.
"""

import jax, jax.numpy as jnp
import numpy as np

N = 10000
E = 320000
D = 128

def setup_inputs(seed: int = 0) -> dict:
    key = jax.random.key(seed)
    ks = jax.random.split(key, 8)
    x = jax.random.normal(ks[0], (N, D), dtype=jnp.float32)
    edge_index = jax.random.randint(ks[1], (2, E), 0, N, dtype=jnp.int32)
    scale = 1.0 / np.sqrt(D)
    W1 = jax.random.normal(ks[2], (D, D), dtype=jnp.float32) * scale
    b1 = jnp.zeros((D,), dtype=jnp.float32)
    W2 = jax.random.normal(ks[3], (D, D), dtype=jnp.float32) * scale
    b2 = jnp.zeros((D,), dtype=jnp.float32)
    gamma = jnp.ones((D,), dtype=jnp.float32)
    beta = jnp.zeros((D,), dtype=jnp.float32)
    return {"x": x, "edge_index": edge_index, "W1": W1, "b1": b1, "W2": W2, "b2": b2, "gamma": gamma, "beta": beta}


def _gcn_layer(h, W, b, src, dst, n_nodes):
    # DGL-style GCN layer: mean-aggregate neighbor messages, then linear + tanh
    msgs = jnp.take(h, src, axis=0)
    agg = jax.ops.segment_sum(msgs, dst, num_segments=n_nodes)
    deg = jax.ops.segment_sum(jnp.ones((src.shape[0],), dtype=h.dtype), dst, num_segments=n_nodes)
    agg = agg / jnp.clip(deg, 1.0, None)[:, None]
    return jnp.tanh(agg @ W + b)


def _layer_norm(x, gamma, beta, eps=1e-5):
    mean = jnp.mean(x, axis=-1, keepdims=True)
    var = jnp.mean((x - mean) ** 2, axis=-1, keepdims=True)
    return (x - mean) / jnp.sqrt(var + eps) * gamma + beta


def reference(x, edge_index, W1, b1, W2, b2, gamma, beta):
    src = edge_index[0]
    dst = edge_index[1]
    out = x
    out = _gcn_layer(out, W1, b1, src, dst, N)
    out = _gcn_layer(out, W2, b2, src, dst, N)
    # residual + layer norm, matching ln(h + output) in forward
    h = _layer_norm(x + out, gamma, beta)
    return h

if __name__ == "__main__":
    import jax
    _d = setup_inputs()
    print(jax.jit(kernel)(*tuple(_d.values())))

</pallas_src>

<mosaic_0001>
#map = affine_map<(d0, d1) -> (0, 0)>
#map1 = affine_map<(d0, d1) -> (0)>
module attributes {stable_mosaic.version = 14 : i64} {
  func.func @body(%arg0: i32, %arg1: i32, %arg2: memref<10000x128xf32, #tpu.memory_space<hbm>>, %arg3: memref<2560x128xi32, #tpu.memory_space<hbm>>, %arg4: memref<2560x128xi32, #tpu.memory_space<hbm>>, %arg5: memref<20480x128xf32, #tpu.memory_space<hbm>>, %arg6: memref<20480xf32, #tpu.memory_space<hbm>>, %arg7: memref<40x128xi32, #tpu.memory_space<vmem>>, %arg8: memref<40x128xi32, #tpu.memory_space<vmem>>, %arg9: memref<128x128xf32, #tpu.memory_space<vmem>>, %arg10: memref<128x128xf32, #tpu.memory_space<vmem>>, %arg11: memref<128xf32, #tpu.memory_space<vmem>>, %arg12: memref<128xf32, #tpu.memory_space<vmem>>, %arg13: memref<10240x128xf32, #tpu.memory_space<vmem_shared>>, %arg14: memref<10240xf32, #tpu.memory_space<vmem_shared>>, %arg15: memref<!tpu.dma_semaphore, #tpu.memory_space<semaphore_mem>>, %arg16: memref<!tpu.dma_semaphore, #tpu.memory_space<semaphore_mem>>, %arg17: memref<!tpu.dma_semaphore, #tpu.memory_space<semaphore_mem>>, %arg18: memref<!tpu.dma_semaphore, #tpu.memory_space<semaphore_mem>>, %arg19: memref<!tpu.dma_semaphore, #tpu.memory_space<semaphore_mem>>) attributes {dimension_semantics = [#tpu.dimension_semantics<core_parallel>, #tpu.dimension_semantics<subcore_parallel>], iteration_bounds = array<i64: 2, 16>, scalar_prefetch = 0 : i64, scratch_operands = 13 : i64, tpu.core_type = #tpu.core_type<sc_vector_subcore>, window_params = [{transform_indices = #map}, {transform_indices = #map}, {transform_indices = #map}, {transform_indices = #map}, {transform_indices = #map1}]} {
    %mul3A = arith.constant 16 : i32
    %mul3A_0 = arith.muli %arg0, %mul3A : i32
    %add3A = arith.addi %mul3A_0, %arg1 : i32
    %broadcast_in_dim3A = arith.constant 0.000000e+00 : f32
    %broadcast_in_dim3A_1 = vector.broadcast %broadcast_in_dim3A : f32 to vector<16xf32>
    %broadcast_in_dim3A_2 = arith.constant 1.000000e+00 : f32
    %broadcast_in_dim3A_3 = vector.broadcast %broadcast_in_dim3A_2 : f32 to vector<16xf32>
    %scan3A = arith.constant 0 : i32
    %scan3A_4 = arith.constant 0 : i32
    %scan3A_5 = arith.constant 128 : i32
    %scan3A_6 = arith.addi %scan3A_4, %scan3A_5 : i32
    %scan3A_7 = arith.constant 1 : i32
    scf.for %scan3A_207 = %scan3A_4 to %scan3A_6 step %scan3A_7  : i32 {
      %swap3A = arith.index_cast %scan3A_207 : i32 to index
      %swap3A_208 = arith.constant 0 : index
      %swap3A_209 = tpu.vector_load %arg9[%swap3A, %swap3A_208] {strides = array<i32>} : memref<128x128xf32, #tpu.memory_space<vmem>>, vector<1x16xf32>,
      %swap3A_210 = vector.shape_cast %swap3A_209 : vector<1x16xf32> to vector<16xf32>
      %swap3A_211 = vector.shape_cast %broadcast_in_dim3A_1 : vector<16xf32> to vector<1x16xf32>
      tpu.vector_store %arg9[%swap3A, %swap3A_208], %swap3A_211 {strides = array<i32>} : memref<128x128xf32, #tpu.memory_space<vmem>>, vector<1x16xf32>,
      %swap3A_212 = arith.index_cast %scan3A_207 : i32 to index
      %swap3A_213 = arith.constant 16 : index
      %swap3A_214 = tpu.vector_load %arg9[%swap3A_212, %swap3A_213] {strides = array<i32>} : memref<128x128xf32, #tpu.memory_space<vmem>>, vector<1x16xf32>,
      %swap3A_215 = vector.shape_cast %swap3A_214 : vector<1x16xf32> to vector<16xf32>
      %swap3A_216 = vector.shape_cast %broadcast_in_dim3A_1 : vector<16xf32> to vector<1x16xf32>
      tpu.vector_store %arg9[%swap3A_212, %swap3A_213], %swap3A_216 {strides = array<i32>} : memref<128x128xf32, #tpu.memory_space<vmem>>, vector<1x16xf32>,
      %swap3A_217 = arith.index_cast %scan3A_207 : i32 to index
      %swap3A_218 = arith.constant 32 : index
      %swap3A_219 = tpu.vector_load %arg9[%swap3A_217, %swap3A_218] {strides = array<i32>} : memref<128x128xf32, #tpu.memory_space<vmem>>, vector<1x16xf32>,
      %swap3A_220 = vector.shape_cast %swap3A_219 : vector<1x16xf32> to vector<16xf32>
      %swap3A_221 = vector.shape_cast %broadcast_in_dim3A_1 : vector<16xf32> to vector<1x16xf32>
      tpu.vector_store %arg9[%swap3A_217, %swap3A_218], %swap3A_221 {strides = array<i32>} : memref<128x128xf32, #tpu.memory_space<vmem>>, vector<1x16xf32>,
      %swap3A_222 = arith.index_cast %scan3A_207 : i32 to index
      %swap3A_223 = arith.constant 48 : index
      %swap3A_224 = tpu.vector_load %arg9[%swap3A_222, %swap3A_223] {strides = array<i32>} : memref<128x128xf32, #tpu.memory_space<vmem>>, vector<1x16xf32>,
      %swap3A_225 = vector.shape_cast %swap3A_224 : vector<1x16xf32> to vector<16xf32>
      %swap3A_226 = vector.shape_cast %broadcast_in_dim3A_1 : vector<16xf32> to vector<1x16xf32>
      tpu.vector_store %arg9[%swap3A_222, %swap3A_223], %swap3A_226 {strides = array<i32>} : memref<128x128xf32, #tpu.memory_space<vmem>>, vector<1x16xf32>,
      %swap3A_227 = arith.index_cast %scan3A_207 : i32 to index
      %swap3A_228 = arith.constant 64 : index
      %swap3A_229 = tpu.vector_load %arg9[%swap3A_227, %swap3A_228] {strides = array<i32>} : memref<128x128xf32, #tpu.memory_space<vmem>>, vector<1x16xf32>,
      %swap3A_230 = vector.shape_cast %swap3A_229 : vector<1x16xf32> to vector<16xf32>
      %swap3A_231 = vector.shape_cast %broadcast_in_dim3A_1 : vector<16xf32> to vector<1x16xf32>
      tpu.vector_store %arg9[%swap3A_227, %swap3A_228], %swap3A_231 {strides = array<i32>} : memref<128x128xf32, #tpu.memory_space<vmem>>, vector<1x16xf32>,
      %swap3A_232 = arith.index_cast %scan3A_207 : i32 to index
      %swap3A_233 = arith.constant 80 : index
      %swap3A_234 = tpu.vector_load %arg9[%swap3A_232, %swap3A_233] {strides = array<i32>} : memref<128x128xf32, #tpu.memory_space<vmem>>, vector<1x16xf32>,
      %swap3A_235 = vector.shape_cast %swap3A_234 : vector<1x16xf32> to vector<16xf32>
      %swap3A_236 = vector.shape_cast %broadcast_in_dim3A_1 : vector<16xf32> to vector<1x16xf32>
      tpu.vector_store %arg9[%swap3A_232, %swap3A_233], %swap3A_236 {strides = array<i32>} : memref<128x128xf32, #tpu.memory_space<vmem>>, vector<1x16xf32>,
      %swap3A_237 = arith.index_cast %scan3A_207 : i32 to index
      %swap3A_238 = arith.constant 96 : index
      %swap3A_239 = tpu.vector_load %arg9[%swap3A_237, %swap3A_238] {strides = array<i32>} : memref<128x128xf32, #tpu.memory_space<vmem>>, vector<1x16xf32>,
      %swap3A_240 = vector.shape_cast %swap3A_239 : vector<1x16xf32> to vector<16xf32>
      %swap3A_241 = vector.shape_cast %broadcast_in_dim3A_1 : vector<16xf32> to vector<1x16xf32>
      tpu.vector_store %arg9[%swap3A_237, %swap3A_238], %swap3A_241 {strides = array<i32>} : memref<128x128xf32, #tpu.memory_space<vmem>>, vector<1x16xf32>,
      %swap3A_242 = arith.index_cast %scan3A_207 : i32 to index
      %swap3A_243 = arith.constant 112 : index
      %swap3A_244 = tpu.vector_load %arg9[%swap3A_242, %swap3A_243] {strides = array<i32>} : memref<128x128xf32, #tpu.memory_space<vmem>>, vector<1x16xf32>,
      %swap3A_245 = vector.shape_cast %swap3A_244 : vector<1x16xf32> to vector<16xf32>
      %swap3A_246 = vector.shape_cast %broadcast_in_dim3A_1 : vector<16xf32> to vector<1x16xf32>
      tpu.vector_store %arg9[%swap3A_242, %swap3A_243], %swap3A_246 {strides = array<i32>} : memref<128x128xf32, #tpu.memory_space<vmem>>, vector<1x16xf32>,
    }
    %scan3A_8 = arith.constant 128 : i32
    %scan3A_9 = arith.constant 0 : i32
    %scan3A_10 = arith.constant 0 : i32
    %scan3A_11 = arith.constant 8 : i32
    %scan3A_12 = arith.addi %scan3A_10, %scan3A_11 : i32
    %scan3A_13 = arith.constant 1 : i32
    scf.for %scan3A_207 = %scan3A_10 to %scan3A_12 step %scan3A_13  : i32 {
      %mul3A_208 = arith.constant 16 : i32
      %mul3A_209 = arith.muli %scan3A_207, %mul3A_208 : i32
      %swap3A = arith.index_cast %mul3A_209 : i32 to index
      %swap3A_210 = tpu.vector_load %arg11[%swap3A] {strides = array<i32>} : memref<128xf32, #tpu.memory_space<vmem>>, vector<16xf32>,
      %swap3A_211 = vector.shape_cast %swap3A_210 : vector<16xf32> to vector<16xf32>
      %swap3A_212 = vector.shape_cast %broadcast_in_dim3A_3 : vector<16xf32> to vector<16xf32>
      tpu.vector_store %arg11[%swap3A], %swap3A_212 {strides = array<i32>} : memref<128xf32, #tpu.memory_space<vmem>>, vector<16xf32>,
      %mul3A_213 = arith.constant 16 : i32
      %mul3A_214 = arith.muli %scan3A_207, %mul3A_213 : i32
      %swap3A_215 = arith.index_cast %mul3A_214 : i32 to index
      %swap3A_216 = tpu.vector_load %arg12[%swap3A_215] {strides = array<i32>} : memref<128xf32, #tpu.memory_space<vmem>>, vector<16xf32>,
      %swap3A_217 = vector.shape_cast %swap3A_216 : vector<16xf32> to vector<16xf32>
      %swap3A_218 = vector.shape_cast %broadcast_in_dim3A_1 : vector<16xf32> to vector<16xf32>
      tpu.vector_store %arg12[%swap3A_215], %swap3A_218 {strides = array<i32>} : memref<128xf32, #tpu.memory_space<vmem>>, vector<16xf32>,
    }
    %scan3A_14 = arith.constant 8 : i32
    %mul3A_15 = arith.constant 640 : i32
    %mul3A_16 = arith.muli %arg1, %mul3A_15 : i32
    %add3A_17 = arith.constant 0 : i32
    %add3A_18 = arith.addi %mul3A_16, %add3A_17 : i32
    "tpu.region"() ({
      %run_scoped3A = tpu.sem_alloc : memref<!tpu.dma_semaphore, #tpu.memory_space<semaphore_mem>>
      %dma_start3A_207 = arith.constant 0 : i32
      %dma_start3A_208 = tpu.memref_slice %arg13[%add3A_18, %dma_start3A_207] : memref<10240x128xf32, #tpu.memory_space<vmem_shared>> -> memref<128x128xf32, #tpu.memory_space<vmem_shared>>
      %dma_start3A_209 = arith.constant 0 : i32
      %dma_start3A_210 = tpu.memref_slice %arg13[%add3A_18, %dma_start3A_209] : memref<10240x128xf32, #tpu.memory_space<vmem_shared>> -> memref<128x128xf32, #tpu.memory_space<vmem_shared>>
      tpu.enqueue_dma source(%arg9 : memref<128x128xf32, #tpu.memory_space<vmem>>) target(%dma_start3A_210 : memref<128x128xf32, #tpu.memory_space<vmem_shared>>) target_semaphore(%run_scoped3A : memref<!tpu.dma_semaphore, #tpu.memory_space<semaphore_mem>>)
      %dma_wait3A_211 = arith.constant 0 : i32
      %dma_wait3A_212 = tpu.memref_slice %arg13[%add3A_18, %dma_wait3A_211] : memref<10240x128xf32, #tpu.memory_space<vmem_shared>> -> memref<128x128xf32, #tpu.memory_space<vmem_shared>>
      %dma_wait3A_213 = arith.constant 0 : i32
      %dma_wait3A_214 = tpu.memref_slice %arg13[%add3A_18, %dma_wait3A_213] : memref<10240x128xf32, #tpu.memory_space<vmem_shared>> -> memref<128x128xf32, #tpu.memory_space<vmem_shared>>
      tpu.wait_dma2 semaphore(%run_scoped3A : memref<!tpu.dma_semaphore, #tpu.memory_space<semaphore_mem>>) src(%arg9 : memref<128x128xf32, #tpu.memory_space<vmem>>) dst(%dma_wait3A_214 : memref<128x128xf32, #tpu.memory_space<vmem_shared>>)
      tpu.yield
    }) : () -> ()
    %add3A_19 = arith.constant 0 : i32
    %add3A_20 = arith.addi %mul3A_16, %add3A_19 : i32
    "tpu.region"() ({
      %run_scoped3A = tpu.sem_alloc : memref<!tpu.dma_semaphore, #tpu.memory_space<semaphore_mem>>
      %dma_start3A_207 = tpu.memref_slice %arg14[%add3A_20] : memref<10240xf32, #tpu.memory_space<vmem_shared>> -> memref<128xf32, #tpu.memory_space<vmem_shared>>
      %dma_start3A_208 = tpu.memref_slice %arg14[%add3A_20] : memref<10240xf32, #tpu.memory_space<vmem_shared>> -> memref<128xf32, #tpu.memory_space<vmem_shared>>
      tpu.enqueue_dma source(%arg12 : memref<128xf32, #tpu.memory_space<vmem>>) target(%dma_start3A_208 : memref<128xf32, #tpu.memory_space<vmem_shared>>) target_semaphore(%run_scoped3A : memref<!tpu.dma_semaphore, #tpu.memory_space<semaphore_mem>>)
      %dma_wait3A_209 = tpu.memref_slice %arg14[%add3A_20] : memref<10240xf32, #tpu.memory_space<vmem_shared>> -> memref<128xf32, #tpu.memory_space<vmem_shared>>
      %dma_wait3A_210 = tpu.memref_slice %arg14[%add3A_20] : memref<10240xf32, #tpu.memory_space<vmem_shared>> -> memref<128xf32, #tpu.memory_space<vmem_shared>>
      tpu.wait_dma2 semaphore(%run_scoped3A : memref<!tpu.dma_semaphore, #tpu.memory_space<semaphore_mem>>) src(%arg12 : memref<128xf32, #tpu.memory_space<vmem>>) dst(%dma_wait3A_210 : memref<128xf32, #tpu.memory_space<vmem_shared>>)
      tpu.yield
    }) : () -> ()
    %add3A_21 = arith.constant 128 : i32
    %add3A_22 = arith.addi %mul3A_16, %add3A_21 : i32
    "tpu.region"() ({
      %run_scoped3A = tpu.sem_alloc : memref<!tpu.dma_semaphore, #tpu.memory_space<semaphore_mem>>
      %dma_start3A_207 = arith.constant 0 : i32
      %dma_start3A_208 = tpu.memref_slice %arg13[%add3A_22, %dma_start3A_207] : memref<10240x128xf32, #tpu.memory_space<vmem_shared>> -> memref<128x128xf32, #tpu.memory_space<vmem_shared>>
      %dma_start3A_209 = arith.constant 0 : i32
      %dma_start3A_210 = tpu.memref_slice %arg13[%add3A_22, %dma_start3A_209] : memref<10240x128xf32, #tpu.memory_space<vmem_shared>> -> memref<128x128xf32, #tpu.memory_space<vmem_shared>>
      tpu.enqueue_dma source(%arg9 : memref<128x128xf32, #tpu.memory_space<vmem>>) target(%dma_start3A_210 : memref<128x128xf32, #tpu.memory_space<vmem_shared>>) target_semaphore(%run_scoped3A : memref<!tpu.dma_semaphore, #tpu.memory_space<semaphore_mem>>)
      %dma_wait3A_211 = arith.constant 0 : i32
      %dma_wait3A_212 = tpu.memref_slice %arg13[%add3A_22, %dma_wait3A_211] : memref<10240x128xf32, #tpu.memory_space<vmem_shared>> -> memref<128x128xf32, #tpu.memory_space<vmem_shared>>
      %dma_wait3A_213 = arith.constant 0 : i32
      %dma_wait3A_214 = tpu.memref_slice %arg13[%add3A_22, %dma_wait3A_213] : memref<10240x128xf32, #tpu.memory_space<vmem_shared>> -> memref<128x128xf32, #tpu.memory_space<vmem_shared>>
      tpu.wait_dma2 semaphore(%run_scoped3A : memref<!tpu.dma_semaphore, #tpu.memory_space<semaphore_mem>>) src(%arg9 : memref<128x128xf32, #tpu.memory_space<vmem>>) dst(%dma_wait3A_214 : memref<128x128xf32, #tpu.memory_space<vmem_shared>>)
      tpu.yield
    }) : () -> ()
    %add3A_23 = arith.constant 128 : i32
    %add3A_24 = arith.addi %mul3A_16, %add3A_23 : i32
    "tpu.region"() ({
      %run_scoped3A = tpu.sem_alloc : memref<!tpu.dma_semaphore, #tpu.memory_space<semaphore_mem>>
      %dma_start3A_207 = tpu.memref_slice %arg14[%add3A_24] : memref<10240xf32, #tpu.memory_space<vmem_shared>> -> memref<128xf32, #tpu.memory_space<vmem_shared>>
      %dma_start3A_208 = tpu.memref_slice %arg14[%add3A_24] : memref<10240xf32, #tpu.memory_space<vmem_shared>> -> memref<128xf32, #tpu.memory_space<vmem_shared>>
      tpu.enqueue_dma source(%arg12 : memref<128xf32, #tpu.memory_space<vmem>>) target(%dma_start3A_208 : memref<128xf32, #tpu.memory_space<vmem_shared>>) target_semaphore(%run_scoped3A : memref<!tpu.dma_semaphore, #tpu.memory_space<semaphore_mem>>)
      %dma_wait3A_209 = tpu.memref_slice %arg14[%add3A_24] : memref<10240xf32, #tpu.memory_space<vmem_shared>> -> memref<128xf32, #tpu.memory_space<vmem_shared>>
      %dma_wait3A_210 = tpu.memref_slice %arg14[%add3A_24] : memref<10240xf32, #tpu.memory_space<vmem_shared>> -> memref<128xf32, #tpu.memory_space<vmem_shared>>
      tpu.wait_dma2 semaphore(%run_scoped3A : memref<!tpu.dma_semaphore, #tpu.memory_space<semaphore_mem>>) src(%arg12 : memref<128xf32, #tpu.memory_space<vmem>>) dst(%dma_wait3A_210 : memref<128xf32, #tpu.memory_space<vmem_shared>>)
      tpu.yield
    }) : () -> ()
    %add3A_25 = arith.constant 256 : i32
    %add3A_26 = arith.addi %mul3A_16, %add3A_25 : i32
    "tpu.region"() ({
      %run_scoped3A = tpu.sem_alloc : memref<!tpu.dma_semaphore, #tpu.memory_space<semaphore_mem>>
      %dma_start3A_207 = arith.constant 0 : i32
      %dma_start3A_208 = tpu.memref_slice %arg13[%add3A_26, %dma_start3A_207] : memref<10240x128xf32, #tpu.memory_space<vmem_shared>> -> memref<128x128xf32, #tpu.memory_space<vmem_shared>>
      %dma_start3A_209 = arith.constant 0 : i32
      %dma_start3A_210 = tpu.memref_slice %arg13[%add3A_26, %dma_start3A_209] : memref<10240x128xf32, #tpu.memory_space<vmem_shared>> -> memref<128x128xf32, #tpu.memory_space<vmem_shared>>
      tpu.enqueue_dma source(%arg9 : memref<128x128xf32, #tpu.memory_space<vmem>>) target(%dma_start3A_210 : memref<128x128xf32, #tpu.memory_space<vmem_shared>>) target_semaphore(%run_scoped3A : memref<!tpu.dma_semaphore, #tpu.memory_space<semaphore_mem>>)
      %dma_wait3A_211 = arith.constant 0 : i32
      %dma_wait3A_212 = tpu.memref_slice %arg13[%add3A_26, %dma_wait3A_211] : memref<10240x128xf32, #tpu.memory_space<vmem_shared>> -> memref<128x128xf32, #tpu.memory_space<vmem_shared>>
      %dma_wait3A_213 = arith.constant 0 : i32
      %dma_wait3A_214 = tpu.memref_slice %arg13[%add3A_26, %dma_wait3A_213] : memref<10240x128xf32, #tpu.memory_space<vmem_shared>> -> memref<128x128xf32, #tpu.memory_space<vmem_shared>>
      tpu.wait_dma2 semaphore(%run_scoped3A : memref<!tpu.dma_semaphore, #tpu.memory_space<semaphore_mem>>) src(%arg9 : memref<128x128xf32, #tpu.memory_space<vmem>>) dst(%dma_wait3A_214 : memref<128x128xf32, #tpu.memory_space<vmem_shared>>)
      tpu.yield
    }) : () -> ()
    %add3A_27 = arith.constant 256 : i32
    %add3A_28 = arith.addi %mul3A_16, %add3A_27 : i32
    "tpu.region"() ({
      %run_scoped3A = tpu.sem_alloc : memref<!tpu.dma_semaphore, #tpu.memory_space<semaphore_mem>>
      %dma_start3A_207 = tpu.memref_slice %arg14[%add3A_28] : memref<10240xf32, #tpu.memory_space<vmem_shared>> -> memref<128xf32, #tpu.memory_space<vmem_shared>>
      %dma_start3A_208 = tpu.memref_slice %arg14[%add3A_28] : memref<10240xf32, #tpu.memory_space<vmem_shared>> -> memref<128xf32, #tpu.memory_space<vmem_shared>>
      tpu.enqueue_dma source(%arg12 : memref<128xf32, #tpu.memory_space<vmem>>) target(%dma_start3A_208 : memref<128xf32, #tpu.memory_space<vmem_shared>>) target_semaphore(%run_scoped3A : memref<!tpu.dma_semaphore, #tpu.memory_space<semaphore_mem>>)
      %dma_wait3A_209 = tpu.memref_slice %arg14[%add3A_28] : memref<10240xf32, #tpu.memory_space<vmem_shared>> -> memref<128xf32, #tpu.memory_space<vmem_shared>>
      %dma_wait3A_210 = tpu.memref_slice %arg14[%add3A_28] : memref<10240xf32, #tpu.memory_space<vmem_shared>> -> memref<128xf32, #tpu.memory_space<vmem_shared>>
      tpu.wait_dma2 semaphore(%run_scoped3A : memref<!tpu.dma_semaphore, #tpu.memory_space<semaphore_mem>>) src(%arg12 : memref<128xf32, #tpu.memory_space<vmem>>) dst(%dma_wait3A_210 : memref<128xf32, #tpu.memory_space<vmem_shared>>)
      tpu.yield
    }) : () -> ()
    %add3A_29 = arith.constant 384 : i32
    %add3A_30 = arith.addi %mul3A_16, %add3A_29 : i32
    "tpu.region"() ({
      %run_scoped3A = tpu.sem_alloc : memref<!tpu.dma_semaphore, #tpu.memory_space<semaphore_mem>>
      %dma_start3A_207 = arith.constant 0 : i32
      %dma_start3A_208 = tpu.memref_slice %arg13[%add3A_30, %dma_start3A_207] : memref<10240x128xf32, #tpu.memory_space<vmem_shared>> -> memref<128x128xf32, #tpu.memory_space<vmem_shared>>
      %dma_start3A_209 = arith.constant 0 : i32
      %dma_start3A_210 = tpu.memref_slice %arg13[%add3A_30, %dma_start3A_209] : memref<10240x128xf32, #tpu.memory_space<vmem_shared>> -> memref<128x128xf32, #tpu.memory_space<vmem_shared>>
      tpu.enqueue_dma source(%arg9 : memref<128x128xf32, #tpu.memory_space<vmem>>) target(%dma_start3A_210 : memref<128x128xf32, #tpu.memory_space<vmem_shared>>) target_semaphore(%run_scoped3A : memref<!tpu.dma_semaphore, #tpu.memory_space<semaphore_mem>>)
      %dma_wait3A_211 = arith.constant 0 : i32
      %dma_wait3A_212 = tpu.memref_slice %arg13[%add3A_30, %dma_wait3A_211] : memref<10240x128xf32, #tpu.memory_space<vmem_shared>> -> memref<128x128xf32, #tpu.memory_space<vmem_shared>>
      %dma_wait3A_213 = arith.constant 0 : i32
      %dma_wait3A_214 = tpu.memref_slice %arg13[%add3A_30, %dma_wait3A_213] : memref<10240x128xf32, #tpu.memory_space<vmem_shared>> -> memref<128x128xf32, #tpu.memory_space<vmem_shared>>
      tpu.wait_dma2 semaphore(%run_scoped3A : memref<!tpu.dma_semaphore, #tpu.memory_space<semaphore_mem>>) src(%arg9 : memref<128x128xf32, #tpu.memory_space<vmem>>) dst(%dma_wait3A_214 : memref<128x128xf32, #tpu.memory_space<vmem_shared>>)
      tpu.yield
    }) : () -> ()
    %add3A_31 = arith.constant 384 : i32
    %add3A_32 = arith.addi %mul3A_16, %add3A_31 : i32
    "tpu.region"() ({
      %run_scoped3A = tpu.sem_alloc : memref<!tpu.dma_semaphore, #tpu.memory_space<semaphore_mem>>
      %dma_start3A_207 = tpu.memref_slice %arg14[%add3A_32] : memref<10240xf32, #tpu.memory_space<vmem_shared>> -> memref<128xf32, #tpu.memory_space<vmem_shared>>
      %dma_start3A_208 = tpu.memref_slice %arg14[%add3A_32] : memref<10240xf32, #tpu.memory_space<vmem_shared>> -> memref<128xf32, #tpu.memory_space<vmem_shared>>
      tpu.enqueue_dma source(%arg12 : memref<128xf32, #tpu.memory_space<vmem>>) target(%dma_start3A_208 : memref<128xf32, #tpu.memory_space<vmem_shared>>) target_semaphore(%run_scoped3A : memref<!tpu.dma_semaphore, #tpu.memory_space<semaphore_mem>>)
      %dma_wait3A_209 = tpu.memref_slice %arg14[%add3A_32] : memref<10240xf32, #tpu.memory_space<vmem_shared>> -> memref<128xf32, #tpu.memory_space<vmem_shared>>
      %dma_wait3A_210 = tpu.memref_slice %arg14[%add3A_32] : memref<10240xf32, #tpu.memory_space<vmem_shared>> -> memref<128xf32, #tpu.memory_space<vmem_shared>>
      tpu.wait_dma2 semaphore(%run_scoped3A : memref<!tpu.dma_semaphore, #tpu.memory_space<semaphore_mem>>) src(%arg12 : memref<128xf32, #tpu.memory_space<vmem>>) dst(%dma_wait3A_210 : memref<128xf32, #tpu.memory_space<vmem_shared>>)
      tpu.yield
    }) : () -> ()
    %add3A_33 = arith.constant 512 : i32
    %add3A_34 = arith.addi %mul3A_16, %add3A_33 : i32
    "tpu.region"() ({
      %run_scoped3A = tpu.sem_alloc : memref<!tpu.dma_semaphore, #tpu.memory_space<semaphore_mem>>
      %dma_start3A_207 = arith.constant 0 : i32
      %dma_start3A_208 = tpu.memref_slice %arg13[%add3A_34, %dma_start3A_207] : memref<10240x128xf32, #tpu.memory_space<vmem_shared>> -> memref<128x128xf32, #tpu.memory_space<vmem_shared>>
      %dma_start3A_209 = arith.constant 0 : i32
      %dma_start3A_210 = tpu.memref_slice %arg13[%add3A_34, %dma_start3A_209] : memref<10240x128xf32, #tpu.memory_space<vmem_shared>> -> memref<128x128xf32, #tpu.memory_space<vmem_shared>>
      tpu.enqueue_dma source(%arg9 : memref<128x128xf32, #tpu.memory_space<vmem>>) target(%dma_start3A_210 : memref<128x128xf32, #tpu.memory_space<vmem_shared>>) target_semaphore(%run_scoped3A : memref<!tpu.dma_semaphore, #tpu.memory_space<semaphore_mem>>)
      %dma_wait3A_211 = arith.constant 0 : i32
      %dma_wait3A_212 = tpu.memref_slice %arg13[%add3A_34, %dma_wait3A_211] : memref<10240x128xf32, #tpu.memory_space<vmem_shared>> -> memref<128x128xf32, #tpu.memory_space<vmem_shared>>
      %dma_wait3A_213 = arith.constant 0 : i32
      %dma_wait3A_214 = tpu.memref_slice %arg13[%add3A_34, %dma_wait3A_213] : memref<10240x128xf32, #tpu.memory_space<vmem_shared>> -> memref<128x128xf32, #tpu.memory_space<vmem_shared>>
      tpu.wait_dma2 semaphore(%run_scoped3A : memref<!tpu.dma_semaphore, #tpu.memory_space<semaphore_mem>>) src(%arg9 : memref<128x128xf32, #tpu.memory_space<vmem>>) dst(%dma_wait3A_214 : memref<128x128xf32, #tpu.memory_space<vmem_shared>>)
      tpu.yield
    }) : () -> ()
    %add3A_35 = arith.constant 512 : i32
    %add3A_36 = arith.addi %mul3A_16, %add3A_35 : i32
    "tpu.region"() ({
      %run_scoped3A = tpu.sem_alloc : memref<!tpu.dma_semaphore, #tpu.memory_space<semaphore_mem>>
      %dma_start3A_207 = tpu.memref_slice %arg14[%add3A_36] : memref<10240xf32, #tpu.memory_space<vmem_shared>> -> memref<128xf32, #tpu.memory_space<vmem_shared>>
      %dma_start3A_208 = tpu.memref_slice %arg14[%add3A_36] : memref<10240xf32, #tpu.memory_space<vmem_shared>> -> memref<128xf32, #tpu.memory_space<vmem_shared>>
      tpu.enqueue_dma source(%arg12 : memref<128xf32, #tpu.memory_space<vmem>>) target(%dma_start3A_208 : memref<128xf32, #tpu.memory_space<vmem_shared>>) target_semaphore(%run_scoped3A : memref<!tpu.dma_semaphore, #tpu.memory_space<semaphore_mem>>)
      %dma_wait3A_209 = tpu.memref_slice %arg14[%add3A_36] : memref<10240xf32, #tpu.memory_space<vmem_shared>> -> memref<128xf32, #tpu.memory_space<vmem_shared>>
      %dma_wait3A_210 = tpu.memref_slice %arg14[%add3A_36] : memref<10240xf32, #tpu.memory_space<vmem_shared>> -> memref<128xf32, #tpu.memory_space<vmem_shared>>
      tpu.wait_dma2 semaphore(%run_scoped3A : memref<!tpu.dma_semaphore, #tpu.memory_space<semaphore_mem>>) src(%arg12 : memref<128xf32, #tpu.memory_space<vmem>>) dst(%dma_wait3A_210 : memref<128xf32, #tpu.memory_space<vmem_shared>>)
      tpu.yield
    }) : () -> ()
    %barrier3A = arith.constant 0 : index
    tpu.barrier barrier_id(%barrier3A)
    %mul3A_37 = arith.constant 80 : i32
    %mul3A_38 = arith.muli %add3A, %mul3A_37 : i32
    %add3A_39 = arith.constant 0 : i32
    %add3A_40 = arith.addi %mul3A_38, %add3A_39 : i32
    "tpu.region"() ({
      %run_scoped3A = tpu.sem_alloc : memref<!tpu.dma_semaphore, #tpu.memory_space<semaphore_mem>>
      %dma_start3A_207 = arith.constant 0 : i32
      %dma_start3A_208 = tpu.memref_slice %arg3[%add3A_40, %dma_start3A_207] : memref<2560x128xi32, #tpu.memory_space<hbm>> -> memref<40x128xi32, #tpu.memory_space<hbm>>
      %dma_start3A_209 = arith.constant 0 : i32
      %dma_start3A_210 = tpu.memref_slice %arg3[%add3A_40, %dma_start3A_209] : memref<2560x128xi32, #tpu.memory_space<hbm>> -> memref<40x128xi32, #tpu.memory_space<hbm>>
      tpu.enqueue_dma source(%dma_start3A_210 : memref<40x128xi32, #tpu.memory_space<hbm>>) target(%arg7 : memref<40x128xi32, #tpu.memory_space<vmem>>) target_semaphore(%run_scoped3A : memref<!tpu.dma_semaphore, #tpu.memory_space<semaphore_mem>>)
      %dma_wait3A_211 = arith.constant 0 : i32
      %dma_wait3A_212 = tpu.memref_slice %arg3[%add3A_40, %dma_wait3A_211] : memref<2560x128xi32, #tpu.memory_space<hbm>> -> memref<40x128xi32, #tpu.memory_space<hbm>>
      %dma_wait3A_213 = arith.constant 0 : i32
      %dma_wait3A_214 = tpu.memref_slice %arg3[%add3A_40, %dma_wait3A_213] : memref<2560x128xi32, #tpu.memory_space<hbm>> -> memref<40x128xi32, #tpu.memory_space<hbm>>
      tpu.wait_dma2 semaphore(%run_scoped3A : memref<!tpu.dma_semaphore, #tpu.memory_space<semaphore_mem>>) src(%dma_wait3A_214 : memref<40x128xi32, #tpu.memory_space<hbm>>) dst(%arg7 : memref<40x128xi32, #tpu.memory_space<vmem>>)
      tpu.yield
    }) : () -> ()
    "tpu.region"() ({
      %run_scoped3A = tpu.sem_alloc : memref<!tpu.dma_semaphore, #tpu.memory_space<semaphore_mem>>
      %dma_start3A_207 = arith.constant 0 : i32
      %dma_start3A_208 = tpu.memref_slice %arg4[%add3A_40, %dma_start3A_207] : memref<2560x128xi32, #tpu.memory_space<hbm>> -> memref<40x128xi32, #tpu.memory_space<hbm>>
      %dma_start3A_209 = arith.constant 0 : i32
      %dma_start3A_210 = tpu.memref_slice %arg4[%add3A_40, %dma_start3A_209] : memref<2560x128xi32, #tpu.memory_space<hbm>> -> memref<40x128xi32, #tpu.memory_space<hbm>>
      tpu.enqueue_dma source(%dma_start3A_210 : memref<40x128xi32, #tpu.memory_space<hbm>>) target(%arg8 : memref<40x128xi32, #tpu.memory_space<vmem>>) target_semaphore(%run_scoped3A : memref<!tpu.dma_semaphore, #tpu.memory_space<semaphore_mem>>)
      %dma_wait3A_211 = arith.constant 0 : i32
      %dma_wait3A_212 = tpu.memref_slice %arg4[%add3A_40, %dma_wait3A_211] : memref<2560x128xi32, #tpu.memory_space<hbm>> -> memref<40x128xi32, #tpu.memory_space<hbm>>
      %dma_wait3A_213 = arith.constant 0 : i32
      %dma_wait3A_214 = tpu.memref_slice %arg4[%add3A_40, %dma_wait3A_213] : memref<2560x128xi32, #tpu.memory_space<hbm>> -> memref<40x128xi32, #tpu.memory_space<hbm>>
      tpu.wait_dma2 semaphore(%run_scoped3A : memref<!tpu.dma_semaphore, #tpu.memory_space<semaphore_mem>>) src(%dma_wait3A_214 : memref<40x128xi32, #tpu.memory_space<hbm>>) dst(%arg8 : memref<40x128xi32, #tpu.memory_space<vmem>>)
      tpu.yield
    }) : () -> ()
    %dma_start3A = arith.constant 0 : i32
    %dma_start3A_41 = arith.constant 0 : i32
    %dma_start3A_42 = tpu.memref_slice %arg7[%dma_start3A, %dma_start3A_41] : memref<40x128xi32, #tpu.memory_space<vmem>> -> memref<1x128xi32, #tpu.memory_space<vmem>>
    %dma_start3A_43 = tpu.memref_squeeze %dma_start3A_42 : memref<1x128xi32, #tpu.memory_space<vmem>> -> memref<128xi32, #tpu.memory_space<vmem>>
    %dma_start3A_44 = arith.constant 0 : i32
    %dma_start3A_45 = arith.constant 0 : i32
    %dma_start3A_46 = tpu.memref_slice %arg2[%dma_start3A_44, %dma_start3A_45] : memref<10000x128xf32, #tpu.memory_space<hbm>> -> memref<10000x128xf32, #tpu.memory_space<hbm>>
    tpu.enqueue_indirect_dma source(%dma_start3A_46 : memref<10000x128xf32, #tpu.memory_space<hbm>>) target(%arg9 : memref<128x128xf32, #tpu.memory_space<vmem>>) offsets(%dma_start3A_43 : memref<128xi32, #tpu.memory_space<vmem>>) semaphore(%arg15 : memref<!tpu.dma_semaphore, #tpu.memory_space<semaphore_mem>>)
    %dma_start3A_47 = arith.constant 1 : i32
    %dma_start3A_48 = arith.constant 0 : i32
    %dma_start3A_49 = tpu.memref_slice %arg7[%dma_start3A_47, %dma_start3A_48] : memref<40x128xi32, #tpu.memory_space<vmem>> -> memref<1x128xi32, #tpu.memory_space<vmem>>
    %dma_start3A_50 = tpu.memref_squeeze %dma_start3A_49 : memref<1x128xi32, #tpu.memory_space<vmem>> -> memref<128xi32, #tpu.memory_space<vmem>>
    %dma_start3A_51 = arith.constant 0 : i32
    %dma_start3A_52 = arith.constant 0 : i32
    %dma_start3A_53 = tpu.memref_slice %arg2[%dma_start3A_51, %dma_start3A_52] : memref<10000x128xf32, #tpu.memory_space<hbm>> -> memref<10000x128xf32, #tpu.memory_space<hbm>>
    tpu.enqueue_indirect_dma source(%dma_start3A_53 : memref<10000x128xf32, #tpu.memory_space<hbm>>) target(%arg10 : memref<128x128xf32, #tpu.memory_space<vmem>>) offsets(%dma_start3A_50 : memref<128xi32, #tpu.memory_space<vmem>>) semaphore(%arg16 : memref<!tpu.dma_semaphore, #tpu.memory_space<semaphore_mem>>)
    %dma_wait3A = arith.constant 0 : i32
    %dma_wait3A_54 = arith.constant 0 : i32
    %dma_wait3A_55 = tpu.memref_slice %arg7[%dma_wait3A, %dma_wait3A_54] : memref<40x128xi32, #tpu.memory_space<vmem>> -> memref<1x128xi32, #tpu.memory_space<vmem>>
    %dma_wait3A_56 = tpu.memref_squeeze %dma_wait3A_55 : memref<1x128xi32, #tpu.memory_space<vmem>> -> memref<128xi32, #tpu.memory_space<vmem>>
    %dma_wait3A_57 = arith.constant 0 : i32
    %dma_wait3A_58 = arith.constant 0 : i32
    %dma_wait3A_59 = tpu.memref_slice %arg2[%dma_wait3A_57, %dma_wait3A_58] : memref<10000x128xf32, #tpu.memory_space<hbm>> -> memref<10000x128xf32, #tpu.memory_space<hbm>>
    tpu.wait_indirect_dma semaphore(%arg15 : memref<!tpu.dma_semaphore, #tpu.memory_space<semaphore_mem>>) src(%dma_wait3A_59 : memref<10000x128xf32, #tpu.memory_space<hbm>>) dst(%arg9 : memref<128x128xf32, #tpu.memory_space<vmem>>)
    %dma_start3A_60 = arith.constant 0 : i32
    %dma_start3A_61 = arith.constant 0 : i32
    %dma_start3A_62 = tpu.memref_slice %arg8[%dma_start3A_60, %dma_start3A_61] : memref<40x128xi32, #tpu.memory_space<vmem>> -> memref<1x128xi32, #tpu.memory_space<vmem>>
    %dma_start3A_63 = tpu.memref_squeeze %dma_start3A_62 : memref<1x128xi32, #tpu.memory_space<vmem>> -> memref<128xi32, #tpu.memory_space<vmem>>
    %dma_start3A_64 = arith.constant 0 : i32
    %dma_start3A_65 = arith.constant 0 : i32
    %dma_start3A_66 = tpu.memref_slice %arg13[%dma_start3A_64, %dma_start3A_65] : memref<10240x128xf32, #tpu.memory_space<vmem_shared>> -> memref<10240x128xf32, #tpu.memory_space<vmem_shared>>
    tpu.enqueue_indirect_dma source(%arg9 : memref<128x128xf32, #tpu.memory_space<vmem>>) target(%dma_start3A_66 : memref<10240x128xf32, #tpu.memory_space<vmem_shared>>) offsets(%dma_start3A_63 : memref<128xi32, #tpu.memory_space<vmem>>) semaphore(%arg17 : memref<!tpu.dma_semaphore, #tpu.memory_space<semaphore_mem>>) {add = true}
    %dma_start3A_67 = arith.constant 0 : i32
    %dma_start3A_68 = arith.constant 0 : i32
    %dma_start3A_69 = tpu.memref_slice %arg8[%dma_start3A_67, %dma_start3A_68] : memref<40x128xi32, #tpu.memory_space<vmem>> -> memref<1x128xi32, #tpu.memory_space<vmem>>
    %dma_start3A_70 = tpu.memref_squeeze %dma_start3A_69 : memref<1x128xi32, #tpu.memory_space<vmem>> -> memref<128xi32, #tpu.memory_space<vmem>>
    %dma_start3A_71 = arith.constant 0 : i32
    %dma_start3A_72 = tpu.memref_slice %arg14[%dma_start3A_71] : memref<10240xf32, #tpu.memory_space<vmem_shared>> -> memref<10240xf32, #tpu.memory_space<vmem_shared>>
    tpu.enqueue_indirect_dma source(%arg11 : memref<128xf32, #tpu.memory_space<vmem>>) target(%dma_start3A_72 : memref<10240xf32, #tpu.memory_space<vmem_shared>>) offsets(%dma_start3A_70 : memref<128xi32, #tpu.memory_space<vmem>>) semaphore(%arg19 : memref<!tpu.dma_semaphore, #tpu.memory_space<semaphore_mem>>) {add = true}
    %scan3A_73 = arith.constant 0 : i32
    %scan3A_74 = arith.constant 1 : i32
    %scan3A_75 = arith.constant 19 : i32
    %scan3A_76 = arith.addi %scan3A_74, %scan3A_75 : i32
    %scan3A_77 = arith.constant 1 : i32
    scf.for %scan3A_207 = %scan3A_74 to %scan3A_76 step %scan3A_77  : i32 {
      %mul3A_208 = arith.constant 2 : i32
      %mul3A_209 = arith.muli %scan3A_207, %mul3A_208 : i32
      %add3A_210 = arith.constant 0 : i32
      %add3A_211 = arith.addi %mul3A_209, %add3A_210 : i32
      %sub3A = arith.constant 2 : i32
      %sub3A_212 = arith.subi %add3A_211, %sub3A : i32
      %dma_wait3A_213 = arith.constant 0 : i32
      %dma_wait3A_214 = tpu.memref_slice %arg8[%sub3A_212, %dma_wait3A_213] : memref<40x128xi32, #tpu.memory_space<vmem>> -> memref<1x128xi32, #tpu.memory_space<vmem>>
      %dma_wait3A_215 = tpu.memref_squeeze %dma_wait3A_214 : memref<1x128xi32, #tpu.memory_space<vmem>> -> memref<128xi32, #tpu.memory_space<vmem>>
      %dma_wait3A_216 = arith.constant 0 : i32
      %dma_wait3A_217 = arith.constant 0 : i32
      %dma_wait3A_218 = tpu.memref_slice %arg13[%dma_wait3A_216, %dma_wait3A_217] : memref<10240x128xf32, #tpu.memory_space<vmem_shared>> -> memref<10240x128xf32, #tpu.memory_space<vmem_shared>>
      tpu.wait_indirect_dma semaphore(%arg17 : memref<!tpu.dma_semaphore, #tpu.memory_space<semaphore_mem>>) src(%arg9 : memref<128x128xf32, #tpu.memory_space<vmem>>) dst(%dma_wait3A_218 : memref<10240x128xf32, #tpu.memory_space<vmem_shared>>)
      %dma_start3A_219 = arith.constant 0 : i32
      %dma_start3A_220 = tpu.memref_slice %arg7[%add3A_211, %dma_start3A_219] : memref<40x128xi32, #tpu.memory_space<vmem>> -> memref<1x128xi32, #tpu.memory_space<vmem>>
      %dma_start3A_221 = tpu.memref_squeeze %dma_start3A_220 : memref<1x128xi32, #tpu.memory_space<vmem>> -> memref<128xi32, #tpu.memory_space<vmem>>
      %dma_start3A_222 = arith.constant 0 : i32
      %dma_start3A_223 = arith.constant 0 : i32
      %dma_start3A_224 = tpu.memref_slice %arg2[%dma_start3A_222, %dma_start3A_223] : memref<10000x128xf32, #tpu.memory_space<hbm>> -> memref<10000x128xf32, #tpu.memory_space<hbm>>
      tpu.enqueue_indirect_dma source(%dma_start3A_224 : memref<10000x128xf32, #tpu.memory_space<hbm>>) target(%arg9 : memref<128x128xf32, #tpu.memory_space<vmem>>) offsets(%dma_start3A_221 : memref<128xi32, #tpu.memory_space<vmem>>) semaphore(%arg15 : memref<!tpu.dma_semaphore, #tpu.memory_space<semaphore_mem>>)
      %sub3A_225 = arith.constant 1 : i32
      %sub3A_226 = arith.subi %add3A_211, %sub3A_225 : i32
      %dma_wait3A_227 = arith.constant 0 : i32
      %dma_wait3A_228 = tpu.memref_slice %arg7[%sub3A_226, %dma_wait3A_227] : memref<40x128xi32, #tpu.memory_space<vmem>> -> memref<1x128xi32, #tpu.memory_space<vmem>>
      %dma_wait3A_229 = tpu.memref_squeeze %dma_wait3A_228 : memref<1x128xi32, #tpu.memory_space<vmem>> -> memref<128xi32, #tpu.memory_space<vmem>>
      %dma_wait3A_230 = arith.constant 0 : i32
      %dma_wait3A_231 = arith.constant 0 : i32
      %dma_wait3A_232 = tpu.memref_slice %arg2[%dma_wait3A_230, %dma_wait3A_231] : memref<10000x128xf32, #tpu.memory_space<hbm>> -> memref<10000x128xf32, #tpu.memory_space<hbm>>
      tpu.wait_indirect_dma semaphore(%arg16 : memref<!tpu.dma_semaphore, #tpu.memory_space<semaphore_mem>>) src(%dma_wait3A_232 : memref<10000x128xf32, #tpu.memory_space<hbm>>) dst(%arg10 : memref<128x128xf32, #tpu.memory_space<vmem>>)
      %sub3A_233 = arith.constant 1 : i32
      %sub3A_234 = arith.subi %add3A_211, %sub3A_233 : i32
      %dma_start3A_235 = arith.constant 0 : i32
      %dma_start3A_236 = tpu.memref_slice %arg8[%sub3A_234, %dma_start3A_235] : memref<40x128xi32, #tpu.memory_space<vmem>> -> memref<1x128xi32, #tpu.memory_space<vmem>>
      %dma_start3A_237 = tpu.memref_squeeze %dma_start3A_236 : memref<1x128xi32, #tpu.memory_space<vmem>> -> memref<128xi32, #tpu.memory_space<vmem>>
      %dma_start3A_238 = arith.constant 0 : i32
      %dma_start3A_239 = arith.constant 0 : i32
      %dma_start3A_240 = tpu.memref_slice %arg13[%dma_start3A_238, %dma_start3A_239] : memref<10240x128xf32, #tpu.memory_space<vmem_shared>> -> memref<10240x128xf32, #tpu.memory_space<vmem_shared>>
      tpu.enqueue_indirect_dma source(%arg10 : memref<128x128xf32, #tpu.memory_space<vmem>>) target(%dma_start3A_240 : memref<10240x128xf32, #tpu.memory_space<vmem_shared>>) offsets(%dma_start3A_237 : memref<128xi32, #tpu.memory_space<vmem>>) semaphore(%arg18 : memref<!tpu.dma_semaphore, #tpu.memory_space<semaphore_mem>>) {add = true}
      %dma_start3A_241 = arith.constant 0 : i32
      %dma_start3A_242 = tpu.memref_slice %arg8[%sub3A_234, %dma_start3A_241] : memref<40x128xi32, #tpu.memory_space<vmem>> -> memref<1x128xi32, #tpu.memory_space<vmem>>
      %dma_start3A_243 = tpu.memref_squeeze %dma_start3A_242 : memref<1x128xi32, #tpu.memory_space<vmem>> -> memref<128xi32, #tpu.memory_space<vmem>>
      %dma_start3A_244 = arith.constant 0 : i32
      %dma_start3A_245 = tpu.memref_slice %arg14[%dma_start3A_244] : memref<10240xf32, #tpu.memory_space<vmem_shared>> -> memref<10240xf32, #tpu.memory_space<vmem_shared>>
      tpu.enqueue_indirect_dma source(%arg11 : memref<128xf32, #tpu.memory_space<vmem>>) target(%dma_start3A_245 : memref<10240xf32, #tpu.memory_space<vmem_shared>>) offsets(%dma_start3A_243 : memref<128xi32, #tpu.memory_space<vmem>>) semaphore(%arg19 : memref<!tpu.dma_semaphore, #tpu.memory_space<semaphore_mem>>) {add = true}
      %mul3A_246 = arith.constant 2 : i32
      %mul3A_247 = arith.muli %scan3A_207, %mul3A_246 : i32
      %add3A_248 = arith.constant 1 : i32
      %add3A_249 = arith.addi %mul3A_247, %add3A_248 : i32
      %sub3A_250 = arith.constant 2 : i32
      %sub3A_251 = arith.subi %add3A_249, %sub3A_250 : i32
      %dma_wait3A_252 = arith.constant 0 : i32
      %dma_wait3A_253 = tpu.memref_slice %arg8[%sub3A_251, %dma_wait3A_252] : memref<40x128xi32, #tpu.memory_space<vmem>> -> memref<1x128xi32, #tpu.memory_space<vmem>>
      %dma_wait3A_254 = tpu.memref_squeeze %dma_wait3A_253 : memref<1x128xi32, #tpu.memory_space<vmem>> -> memref<128xi32, #tpu.memory_space<vmem>>
      %dma_wait3A_255 = arith.constant 0 : i32
      %dma_wait3A_256 = arith.constant 0 : i32
      %dma_wait3A_257 = tpu.memref_slice %arg13[%dma_wait3A_255, %dma_wait3A_256] : memref<10240x128xf32, #tpu.memory_space<vmem_shared>> -> memref<10240x128xf32, #tpu.memory_space<vmem_shared>>
      tpu.wait_indirect_dma semaphore(%arg18 : memref<!tpu.dma_semaphore, #tpu.memory_space<semaphore_mem>>) src(%arg10 : memref<128x128xf32, #tpu.memory_space<vmem>>) dst(%dma_wait3A_257 : memref<10240x128xf32, #tpu.memory_space<vmem_shared>>)
      %dma_start3A_258 = arith.constant 0 : i32
      %dma_start3A_259 = tpu.memref_slice %arg7[%add3A_249, %dma_start3A_258] : memref<40x128xi32, #tpu.memory_space<vmem>> -> memref<1x128xi32, #tpu.memory_space<vmem>>
      %dma_start3A_260 = tpu.memref_squeeze %dma_start3A_259 : memref<1x128xi32, #tpu.memory_space<vmem>> -> memref<128xi32, #tpu.memory_space<vmem>>
      %dma_start3A_261 = arith.constant 0 : i32
      %dma_start3A_262 = arith.constant 0 : i32
      %dma_start3A_263 = tpu.memref_slice %arg2[%dma_start3A_261, %dma_start3A_262] : memref<10000x128xf32, #tpu.memory_space<hbm>> -> memref<10000x128xf32, #tpu.memory_space<hbm>>
      tpu.enqueue_indirect_dma source(%dma_start3A_263 : memref<10000x128xf32, #tpu.memory_space<hbm>>) target(%arg10 : memref<128x128xf32, #tpu.memory_space<vmem>>) offsets(%dma_start3A_260 : memref<128xi32, #tpu.memory_space<vmem>>) semaphore(%arg16 : memref<!tpu.dma_semaphore, #tpu.memory_space<semaphore_mem>>)
      %sub3A_264 = arith.constant 1 : i32
      %sub3A_265 = arith.subi %add3A_249, %sub3A_264 : i32
      %dma_wait3A_266 = arith.constant 0 : i32
      %dma_wait3A_267 = tpu.memref_slice %arg7[%sub3A_265, %dma_wait3A_266] : memref<40x128xi32, #tpu.memory_space<vmem>> -> memref<1x128xi32, #tpu.memory_space<vmem>>
      %dma_wait3A_268 = tpu.memref_squeeze %dma_wait3A_267 : memref<1x128xi32, #tpu.memory_space<vmem>> -> memref<128xi32, #tpu.memory_space<vmem>>
      %dma_wait3A_269 = arith.constant 0 : i32
      %dma_wait3A_270 = arith.constant 0 : i32
      %dma_wait3A_271 = tpu.memref_slice %arg2[%dma_wait3A_269, %dma_wait3A_270] : memref<10000x128xf32, #tpu.memory_space<hbm>> -> memref<10000x128xf32, #tpu.memory_space<hbm>>
      tpu.wait_indirect_dma semaphore(%arg15 : memref<!tpu.dma_semaphore, #tpu.memory_space<semaphore_mem>>) src(%dma_wait3A_271 : memref<10000x128xf32, #tpu.memory_space<hbm>>) dst(%arg9 : memref<128x128xf32, #tpu.memory_space<vmem>>)
      %sub3A_272 = arith.constant 1 : i32
      %sub3A_273 = arith.subi %add3A_249, %sub3A_272 : i32
      %dma_start3A_274 = arith.constant 0 : i32
      %dma_start3A_275 = tpu.memref_slice %arg8[%sub3A_273, %dma_start3A_274] : memref<40x128xi32, #tpu.memory_space<vmem>> -> memref<1x128xi32, #tpu.memory_space<vmem>>
      %dma_start3A_276 = tpu.memref_squeeze %dma_start3A_275 : memref<1x128xi32, #tpu.memory_space<vmem>> -> memref<128xi32, #tpu.memory_space<vmem>>
      %dma_start3A_277 = arith.constant 0 : i32
      %dma_start3A_278 = arith.constant 0 : i32
      %dma_start3A_279 = tpu.memref_slice %arg13[%dma_start3A_277, %dma_start3A_278] : memref<10240x128xf32, #tpu.memory_space<vmem_shared>> -> memref<10240x128xf32, #tpu.memory_space<vmem_shared>>
      tpu.enqueue_indirect_dma source(%arg9 : memref<128x128xf32, #tpu.memory_space<vmem>>) target(%dma_start3A_279 : memref<10240x128xf32, #tpu.memory_space<vmem_shared>>) offsets(%dma_start3A_276 : memref<128xi32, #tpu.memory_space<vmem>>) semaphore(%arg17 : memref<!tpu.dma_semaphore, #tpu.memory_space<semaphore_mem>>) {add = true}
      %dma_start3A_280 = arith.constant 0 : i32
      %dma_start3A_281 = tpu.memref_slice %arg8[%sub3A_273, %dma_start3A_280] : memref<40x128xi32, #tpu.memory_space<vmem>> -> memref<1x128xi32, #tpu.memory_space<vmem>>
      %dma_start3A_282 = tpu.memref_squeeze %dma_start3A_281 : memref<1x128xi32, #tpu.memory_space<vmem>> -> memref<128xi32, #tpu.memory_space<vmem>>
      %dma_start3A_283 = arith.constant 0 : i32
      %dma_start3A_284 = tpu.memref_slice %arg14[%dma_start3A_283] : memref<10240xf32, #tpu.memory_space<vmem_shared>> -> memref<10240xf32, #tpu.memory_space<vmem_shared>>
      tpu.enqueue_indirect_dma source(%arg11 : memref<128xf32, #tpu.memory_space<vmem>>) target(%dma_start3A_284 : memref<10240xf32, #tpu.memory_space<vmem_shared>>) offsets(%dma_start3A_282 : memref<128xi32, #tpu.memory_space<vmem>>) semaphore(%arg19 : memref<!tpu.dma_semaphore, #tpu.memory_space<semaphore_mem>>) {add = true}
    }
    %scan3A_78 = arith.constant 19 : i32
    %dma_wait3A_79 = arith.constant 39 : i32
    %dma_wait3A_80 = arith.constant 0 : i32
    %dma_wait3A_81 = tpu.memref_slice %arg7[%dma_wait3A_79, %dma_wait3A_80] : memref<40x128xi32, #tpu.memory_space<vmem>> -> memref<1x128xi32, #tpu.memory_space<vmem>>
    %dma_wait3A_82 = tpu.memref_squeeze %dma_wait3A_81 : memref<1x128xi32, #tpu.memory_space<vmem>> -> memref<128xi32, #tpu.memory_space<vmem>>
    %dma_wait3A_83 = arith.constant 0 : i32
    %dma_wait3A_84 = arith.constant 0 : i32
    %dma_wait3A_85 = tpu.memref_slice %arg2[%dma_wait3A_83, %dma_wait3A_84] : memref<10000x128xf32, #tpu.memory_space<hbm>> -> memref<10000x128xf32, #tpu.memory_space<hbm>>
    tpu.wait_indirect_dma semaphore(%arg16 : memref<!tpu.dma_semaphore, #tpu.memory_space<semaphore_mem>>) src(%dma_wait3A_85 : memref<10000x128xf32, #tpu.memory_space<hbm>>) dst(%arg10 : memref<128x128xf32, #tpu.memory_space<vmem>>)
    %dma_start3A_86 = arith.constant 39 : i32
    %dma_start3A_87 = arith.constant 0 : i32
    %dma_start3A_88 = tpu.memref_slice %arg8[%dma_start3A_86, %dma_start3A_87] : memref<40x128xi32, #tpu.memory_space<vmem>> -> memref<1x128xi32, #tpu.memory_space<vmem>>
    %dma_start3A_89 = tpu.memref_squeeze %dma_start3A_88 : memref<1x128xi32, #tpu.memory_space<vmem>> -> memref<128xi32, #tpu.memory_space<vmem>>
    %dma_start3A_90 = arith.constant 0 : i32
    %dma_start3A_91 = arith.constant 0 : i32
    %dma_start3A_92 = tpu.memref_slice %arg13[%dma_start3A_90, %dma_start3A_91] : memref<10240x128xf32, #tpu.memory_space<vmem_shared>> -> memref<10240x128xf32, #tpu.memory_space<vmem_shared>>
    tpu.enqueue_indirect_dma source(%arg10 : memref<128x128xf32, #tpu.memory_space<vmem>>) target(%dma_start3A_92 : memref<10240x128xf32, #tpu.memory_space<vmem_shared>>) offsets(%dma_start3A_89 : memref<128xi32, #tpu.memory_space<vmem>>) semaphore(%arg18 : memref<!tpu.dma_semaphore, #tpu.memory_space<semaphore_mem>>) {add = true}
    %dma_start3A_93 = arith.constant 39 : i32
    %dma_start3A_94 = arith.constant 0 : i32
    %dma_start3A_95 = tpu.memref_slice %arg8[%dma_start3A_93, %dma_start3A_94] : memref<40x128xi32, #tpu.memory_space<vmem>> -> memref<1x128xi32, #tpu.memory_space<vmem>>
    %dma_start3A_96 = tpu.memref_squeeze %dma_start3A_95 : memref<1x128xi32, #tpu.memory_space<vmem>> -> memref<128xi32, #tpu.memory_space<vmem>>
    %dma_start3A_97 = arith.constant 0 : i32
    %dma_start3A_98 = tpu.memref_slice %arg14[%dma_start3A_97] : memref<10240xf32, #tpu.memory_space<vmem_shared>> -> memref<10240xf32, #tpu.memory_space<vmem_shared>>
    tpu.enqueue_indirect_dma source(%arg11 : memref<128xf32, #tpu.memory_space<vmem>>) target(%dma_start3A_98 : memref<10240xf32, #tpu.memory_space<vmem_shared>>) offsets(%dma_start3A_96 : memref<128xi32, #tpu.memory_space<vmem>>) semaphore(%arg19 : memref<!tpu.dma_semaphore, #tpu.memory_space<semaphore_mem>>) {add = true}
    %dma_wait3A_99 = arith.constant 38 : i32
    %dma_wait3A_100 = arith.constant 0 : i32
    %dma_wait3A_101 = tpu.memref_slice %arg8[%dma_wait3A_99, %dma_wait3A_100] : memref<40x128xi32, #tpu.memory_space<vmem>> -> memref<1x128xi32, #tpu.memory_space<vmem>>
    %dma_wait3A_102 = tpu.memref_squeeze %dma_wait3A_101 : memref<1x128xi32, #tpu.memory_space<vmem>> -> memref<128xi32, #tpu.memory_space<vmem>>
    %dma_wait3A_103 = arith.constant 0 : i32
    %dma_wait3A_104 = arith.constant 0 : i32
    %dma_wait3A_105 = tpu.memref_slice %arg13[%dma_wait3A_103, %dma_wait3A_104] : memref<10240x128xf32, #tpu.memory_space<vmem_shared>> -> memref<10240x128xf32, #tpu.memory_space<vmem_shared>>
    tpu.wait_indirect_dma semaphore(%arg17 : memref<!tpu.dma_semaphore, #tpu.memory_space<semaphore_mem>>) src(%arg9 : memref<128x128xf32, #tpu.memory_space<vmem>>) dst(%dma_wait3A_105 : memref<10240x128xf32, #tpu.memory_space<vmem_shared>>)
    %dma_wait3A_106 = arith.constant 39 : i32
    %dma_wait3A_107 = arith.constant 0 : i32
    %dma_wait3A_108 = tpu.memref_slice %arg8[%dma_wait3A_106, %dma_wait3A_107] : memref<40x128xi32, #tpu.memory_space<vmem>> -> memref<1x128xi32, #tpu.memory_space<vmem>>
    %dma_wait3A_109 = tpu.memref_squeeze %dma_wait3A_108 : memref<1x128xi32, #tpu.memory_space<vmem>> -> memref<128xi32, #tpu.memory_space<vmem>>
    %dma_wait3A_110 = arith.constant 0 : i32
    %dma_wait3A_111 = arith.constant 0 : i32
    %dma_wait3A_112 = tpu.memref_slice %arg13[%dma_wait3A_110, %dma_wait3A_111] : memref<10240x128xf32, #tpu.memory_space<vmem_shared>> -> memref<10240x128xf32, #tpu.memory_space<vmem_shared>>
    tpu.wait_indirect_dma semaphore(%arg18 : memref<!tpu.dma_semaphore, #tpu.memory_space<semaphore_mem>>) src(%arg10 : memref<128x128xf32, #tpu.memory_space<vmem>>) dst(%dma_wait3A_112 : memref<10240x128xf32, #tpu.memory_space<vmem_shared>>)
    %scan3A_113 = arith.constant 0 : i32
    %scan3A_114 = arith.constant 0 : i32
    %scan3A_115 = arith.constant 40 : i32
    %scan3A_116 = arith.addi %scan3A_114, %scan3A_115 : i32
    %scan3A_117 = arith.constant 1 : i32
    scf.for %scan3A_207 = %scan3A_114 to %scan3A_116 step %scan3A_117  : i32 {
      %dma_wait3A_208 = arith.constant 0 : i32
      %dma_wait3A_209 = arith.constant 0 : i32
      %dma_wait3A_210 = tpu.memref_slice %arg8[%dma_wait3A_208, %dma_wait3A_209] : memref<40x128xi32, #tpu.memory_space<vmem>> -> memref<1x128xi32, #tpu.memory_space<vmem>>
      %dma_wait3A_211 = tpu.memref_squeeze %dma_wait3A_210 : memref<1x128xi32, #tpu.memory_space<vmem>> -> memref<128xi32, #tpu.memory_space<vmem>>
      %dma_wait3A_212 = arith.constant 0 : i32
      %dma_wait3A_213 = tpu.memref_slice %arg14[%dma_wait3A_212] : memref<10240xf32, #tpu.memory_space<vmem_shared>> -> memref<10240xf32, #tpu.memory_space<vmem_shared>>
      tpu.wait_indirect_dma semaphore(%arg19 : memref<!tpu.dma_semaphore, #tpu.memory_space<semaphore_mem>>) src(%arg11 : memref<128xf32, #tpu.memory_space<vmem>>) dst(%dma_wait3A_213 : memref<10240xf32, #tpu.memory_space<vmem_shared>>)
    }
    %scan3A_118 = arith.constant 40 : i32
    %mul3A_119 = arith.constant 80 : i32
    %mul3A_120 = arith.muli %add3A, %mul3A_119 : i32
    %add3A_121 = arith.constant 40 : i32
    %add3A_122 = arith.addi %mul3A_120, %add3A_121 : i32
    "tpu.region"() ({
      %run_scoped3A = tpu.sem_alloc : memref<!tpu.dma_semaphore, #tpu.memory_space<semaphore_mem>>
      %dma_start3A_207 = arith.constant 0 : i32
      %dma_start3A_208 = tpu.memref_slice %arg3[%add3A_122, %dma_start3A_207] : memref<2560x128xi32, #tpu.memory_space<hbm>> -> memref<40x128xi32, #tpu.memory_space<hbm>>
      %dma_start3A_209 = arith.constant 0 : i32
      %dma_start3A_210 = tpu.memref_slice %arg3[%add3A_122, %dma_start3A_209] : memref<2560x128xi32, #tpu.memory_space<hbm>> -> memref<40x128xi32, #tpu.memory_space<hbm>>
      tpu.enqueue_dma source(%dma_start3A_210 : memref<40x128xi32, #tpu.memory_space<hbm>>) target(%arg7 : memref<40x128xi32, #tpu.memory_space<vmem>>) target_semaphore(%run_scoped3A : memref<!tpu.dma_semaphore, #tpu.memory_space<semaphore_mem>>)
      %dma_wait3A_211 = arith.constant 0 : i32
      %dma_wait3A_212 = tpu.memref_slice %arg3[%add3A_122, %dma_wait3A_211] : memref<2560x128xi32, #tpu.memory_space<hbm>> -> memref<40x128xi32, #tpu.memory_space<hbm>>
      %dma_wait3A_213 = arith.constant 0 : i32
      %dma_wait3A_214 = tpu.memref_slice %arg3[%add3A_122, %dma_wait3A_213] : memref<2560x128xi32, #tpu.memory_space<hbm>> -> memref<40x128xi32, #tpu.memory_space<hbm>>
      tpu.wait_dma2 semaphore(%run_scoped3A : memref<!tpu.dma_semaphore, #tpu.memory_space<semaphore_mem>>) src(%dma_wait3A_214 : memref<40x128xi32, #tpu.memory_space<hbm>>) dst(%arg7 : memref<40x128xi32, #tpu.memory_space<vmem>>)
      tpu.yield
    }) : () -> ()
    "tpu.region"() ({
      %run_scoped3A = tpu.sem_alloc : memref<!tpu.dma_semaphore, #tpu.memory_space<semaphore_mem>>
      %dma_start3A_207 = arith.constant 0 : i32
      %dma_start3A_208 = tpu.memref_slice %arg4[%add3A_122, %dma_start3A_207] : memref<2560x128xi32, #tpu.memory_space<hbm>> -> memref<40x128xi32, #tpu.memory_space<hbm>>
      %dma_start3A_209 = arith.constant 0 : i32
      %dma_start3A_210 = tpu.memref_slice %arg4[%add3A_122, %dma_start3A_209] : memref<2560x128xi32, #tpu.memory_space<hbm>> -> memref<40x128xi32, #tpu.memory_space<hbm>>
      tpu.enqueue_dma source(%dma_start3A_210 : memref<40x128xi32, #tpu.memory_space<hbm>>) target(%arg8 : memref<40x128xi32, #tpu.memory_space<vmem>>) target_semaphore(%run_scoped3A : memref<!tpu.dma_semaphore, #tpu.memory_space<semaphore_mem>>)
      %dma_wait3A_211 = arith.constant 0 : i32
      %dma_wait3A_212 = tpu.memref_slice %arg4[%add3A_122, %dma_wait3A_211] : memref<2560x128xi32, #tpu.memory_space<hbm>> -> memref<40x128xi32, #tpu.memory_space<hbm>>
      %dma_wait3A_213 = arith.constant 0 : i32
      %dma_wait3A_214 = tpu.memref_slice %arg4[%add3A_122, %dma_wait3A_213] : memref<2560x128xi32, #tpu.memory_space<hbm>> -> memref<40x128xi32, #tpu.memory_space<hbm>>
      tpu.wait_dma2 semaphore(%run_scoped3A : memref<!tpu.dma_semaphore, #tpu.memory_space<semaphore_mem>>) src(%dma_wait3A_214 : memref<40x128xi32, #tpu.memory_space<hbm>>) dst(%arg8 : memref<40x128xi32, #tpu.memory_space<vmem>>)
      tpu.yield
    }) : () -> ()
    %dma_start3A_123 = arith.constant 0 : i32
    %dma_start3A_124 = arith.constant 0 : i32
    %dma_start3A_125 = tpu.memref_slice %arg7[%dma_start3A_123, %dma_start3A_124] : memref<40x128xi32, #tpu.memory_space<vmem>> -> memref<1x128xi32, #tpu.memory_space<vmem>>
    %dma_start3A_126 = tpu.memref_squeeze %dma_start3A_125 : memref<1x128xi32, #tpu.memory_space<vmem>> -> memref<128xi32, #tpu.memory_space<vmem>>
    %dma_start3A_127 = arith.constant 0 : i32
    %dma_start3A_128 = arith.constant 0 : i32
    %dma_start3A_129 = tpu.memref_slice %arg2[%dma_start3A_127, %dma_start3A_128] : memref<10000x128xf32, #tpu.memory_space<hbm>> -> memref<10000x128xf32, #tpu.memory_space<hbm>>
    tpu.enqueue_indirect_dma source(%dma_start3A_129 : memref<10000x128xf32, #tpu.memory_space<hbm>>) target(%arg9 : memref<128x128xf32, #tpu.memory_space<vmem>>) offsets(%dma_start3A_126 : memref<128xi32, #tpu.memory_space<vmem>>) semaphore(%arg15 : memref<!tpu.dma_semaphore, #tpu.memory_space<semaphore_mem>>)
    %dma_start3A_130 = arith.constant 1 : i32
    %dma_start3A_131 = arith.constant 0 : i32
    %dma_start3A_132 = tpu.memref_slice %arg7[%dma_start3A_130, %dma_start3A_131] : memref<40x128xi32, #tpu.memory_space<vmem>> -> memref<1x128xi32, #tpu.memory_space<vmem>>
    %dma_start3A_133 = tpu.memref_squeeze %dma_start3A_132 : memref<1x128xi32, #tpu.memory_space<vmem>> -> memref<128xi32, #tpu.memory_space<vmem>>
    %dma_start3A_134 = arith.constant 0 : i32
    %dma_start3A_135 = arith.constant 0 : i32
    %dma_start3A_136 = tpu.memref_slice %arg2[%dma_start3A_134, %dma_start3A_135] : memref<10000x128xf32, #tpu.memory_space<hbm>> -> memref<10000x128xf32, #tpu.memory_space<hbm>>
    tpu.enqueue_indirect_dma source(%dma_start3A_136 : memref<10000x128xf32, #tpu.memory_space<hbm>>) target(%arg10 : memref<128x128xf32, #tpu.memory_space<vmem>>) offsets(%dma_start3A_133 : memref<128xi32, #tpu.memory_space<vmem>>) semaphore(%arg16 : memref<!tpu.dma_semaphore, #tpu.memory_space<semaphore_mem>>)
    %dma_wait3A_137 = arith.constant 0 : i32
    %dma_wait3A_138 = arith.constant 0 : i32
    %dma_wait3A_139 = tpu.memref_slice %arg7[%dma_wait3A_137, %dma_wait3A_138] : memref<40x128xi32, #tpu.memory_space<vmem>> -> memref<1x128xi32, #tpu.memory_space<vmem>>
    %dma_wait3A_140 = tpu.memref_squeeze %dma_wait3A_139 : memref<1x128xi32, #tpu.memory_space<vmem>> -> memref<128xi32, #tpu.memory_space<vmem>>
    %dma_wait3A_141 = arith.constant 0 : i32
    %dma_wait3A_142 = arith.constant 0 : i32
    %dma_wait3A_143 = tpu.memref_slice %arg2[%dma_wait3A_141, %dma_wait3A_142] : memref<10000x128xf32, #tpu.memory_space<hbm>> -> memref<10000x128xf32, #tpu.memory_space<hbm>>
    tpu.wait_indirect_dma semaphore(%arg15 : memref<!tpu.dma_semaphore, #tpu.memory_space<semaphore_mem>>) src(%dma_wait3A_143 : memref<10000x128xf32, #tpu.memory_space<hbm>>) dst(%arg9 : memref<128x128xf32, #tpu.memory_space<vmem>>)
    %dma_start3A_144 = arith.constant 0 : i32
    %dma_start3A_145 = arith.constant 0 : i32
    %dma_start3A_146 = tpu.memref_slice %arg8[%dma_start3A_144, %dma_start3A_145] : memref<40x128xi32, #tpu.memory_space<vmem>> -> memref<1x128xi32, #tpu.memory_space<vmem>>
    %dma_start3A_147 = tpu.memref_squeeze %dma_start3A_146 : memref<1x128xi32, #tpu.memory_space<vmem>> -> memref<128xi32, #tpu.memory_space<vmem>>
    %dma_start3A_148 = arith.constant 0 : i32
    %dma_start3A_149 = arith.constant 0 : i32
    %dma_start3A_150 = tpu.memref_slice %arg13[%dma_start3A_148, %dma_start3A_149] : memref<10240x128xf32, #tpu.memory_space<vmem_shared>> -> memref<10240x128xf32, #tpu.memory_space<vmem_shared>>
    tpu.enqueue_indirect_dma source(%arg9 : memref<128x128xf32, #tpu.memory_space<vmem>>) target(%dma_start3A_150 : memref<10240x128xf32, #tpu.memory_space<vmem_shared>>) offsets(%dma_start3A_147 : memref<128xi32, #tpu.memory_space<vmem>>) semaphore(%arg17 : memref<!tpu.dma_semaphore, #tpu.memory_space<semaphore_mem>>) {add = true}
    %dma_start3A_151 = arith.constant 0 : i32
    %dma_start3A_152 = arith.constant 0 : i32
    %dma_start3A_153 = tpu.memref_slice %arg8[%dma_start3A_151, %dma_start3A_152] : memref<40x128xi32, #tpu.memory_space<vmem>> -> memref<1x128xi32, #tpu.memory_space<vmem>>
    %dma_start3A_154 = tpu.memref_squeeze %dma_start3A_153 : memref<1x128xi32, #tpu.memory_space<vmem>> -> memref<128xi32, #tpu.memory_space<vmem>>
    %dma_start3A_155 = arith.constant 0 : i32
    %dma_start3A_156 = tpu.memref_slice %arg14[%dma_start3A_155] : memref<10240xf32, #tpu.memory_space<vmem_shared>> -> memref<10240xf32, #tpu.memory_space<vmem_shared>>
    tpu.enqueue_indirect_dma source(%arg11 : memref<128xf32, #tpu.memory_space<vmem>>) target(%dma_start3A_156 : memref<10240xf32, #tpu.memory_space<vmem_shared>>) offsets(%dma_start3A_154 : memref<128xi32, #tpu.memory_space<vmem>>) semaphore(%arg19 : memref<!tpu.dma_semaphore, #tpu.memory_space<semaphore_mem>>) {add = true}
    %scan3A_157 = arith.constant 0 : i32
    %scan3A_158 = arith.constant 1 : i32
    %scan3A_159 = arith.constant 19 : i32
    %scan3A_160 = arith.addi %scan3A_158, %scan3A_159 : i32
    %scan3A_161 = arith.constant 1 : i32
    scf.for %scan3A_207 = %scan3A_158 to %scan3A_160 step %scan3A_161  : i32 {
      %mul3A_208 = arith.constant 2 : i32
      %mul3A_209 = arith.muli %scan3A_207, %mul3A_208 : i32
      %add3A_210 = arith.constant 0 : i32
      %add3A_211 = arith.addi %mul3A_209, %add3A_210 : i32
      %sub3A = arith.constant 2 : i32
      %sub3A_212 = arith.subi %add3A_211, %sub3A : i32
      %dma_wait3A_213 = arith.constant 0 : i32
      %dma_wait3A_214 = tpu.memref_slice %arg8[%sub3A_212, %dma_wait3A_213] : memref<40x128xi32, #tpu.memory_space<vmem>> -> memref<1x128xi32, #tpu.memory_space<vmem>>
      %dma_wait3A_215 = tpu.memref_squeeze %dma_wait3A_214 : memref<1x128xi32, #tpu.memory_space<vmem>> -> memref<128xi32, #tpu.memory_space<vmem>>
      %dma_wait3A_216 = arith.constant 0 : i32
      %dma_wait3A_217 = arith.constant 0 : i32
      %dma_wait3A_218 = tpu.memref_slice %arg13[%dma_wait3A_216, %dma_wait3A_217] : memref<10240x128xf32, #tpu.memory_space<vmem_shared>> -> memref<10240x128xf32, #tpu.memory_space<vmem_shared>>
      tpu.wait_indirect_dma semaphore(%arg17 : memref<!tpu.dma_semaphore, #tpu.memory_space<semaphore_mem>>) src(%arg9 : memref<128x128xf32, #tpu.memory_space<vmem>>) dst(%dma_wait3A_218 : memref<10240x128xf32, #tpu.memory_space<vmem_shared>>)
      %dma_start3A_219 = arith.constant 0 : i32
      %dma_start3A_220 = tpu.memref_slice %arg7[%add3A_211, %dma_start3A_219] : memref<40x128xi32, #tpu.memory_space<vmem>> -> memref<1x128xi32, #tpu.memory_space<vmem>>
      %dma_start3A_221 = tpu.memref_squeeze %dma_start3A_220 : memref<1x128xi32, #tpu.memory_space<vmem>> -> memref<128xi32, #tpu.memory_space<vmem>>
      %dma_start3A_222 = arith.constant 0 : i32
      %dma_start3A_223 = arith.constant 0 : i32
      %dma_start3A_224 = tpu.memref_slice %arg2[%dma_start3A_222, %dma_start3A_223] : memref<10000x128xf32, #tpu.memory_space<hbm>> -> memref<10000x128xf32, #tpu.memory_space<hbm>>
      tpu.enqueue_indirect_dma source(%dma_start3A_224 : memref<10000x128xf32, #tpu.memory_space<hbm>>) target(%arg9 : memref<128x128xf32, #tpu.memory_space<vmem>>) offsets(%dma_start3A_221 : memref<128xi32, #tpu.memory_space<vmem>>) semaphore(%arg15 : memref<!tpu.dma_semaphore, #tpu.memory_space<semaphore_mem>>)
      %sub3A_225 = arith.constant 1 : i32
      %sub3A_226 = arith.subi %add3A_211, %sub3A_225 : i32
      %dma_wait3A_227 = arith.constant 0 : i32
      %dma_wait3A_228 = tpu.memref_slice %arg7[%sub3A_226, %dma_wait3A_227] : memref<40x128xi32, #tpu.memory_space<vmem>> -> memref<1x128xi32, #tpu.memory_space<vmem>>
      %dma_wait3A_229 = tpu.memref_squeeze %dma_wait3A_228 : memref<1x128xi32, #tpu.memory_space<vmem>> -> memref<128xi32, #tpu.memory_space<vmem>>
      %dma_wait3A_230 = arith.constant 0 : i32
      %dma_wait3A_231 = arith.constant 0 : i32
      %dma_wait3A_232 = tpu.memref_slice %arg2[%dma_wait3A_230, %dma_wait3A_231] : memref<10000x128xf32, #tpu.memory_space<hbm>> -> memref<10000x128xf32, #tpu.memory_space<hbm>>
      tpu.wait_indirect_dma semaphore(%arg16 : memref<!tpu.dma_semaphore, #tpu.memory_space<semaphore_mem>>) src(%dma_wait3A_232 : memref<10000x128xf32, #tpu.memory_space<hbm>>) dst(%arg10 : memref<128x128xf32, #tpu.memory_space<vmem>>)
      %sub3A_233 = arith.constant 1 : i32
      %sub3A_234 = arith.subi %add3A_211, %sub3A_233 : i32
      %dma_start3A_235 = arith.constant 0 : i32
      %dma_start3A_236 = tpu.memref_slice %arg8[%sub3A_234, %dma_start3A_235] : memref<40x128xi32, #tpu.memory_space<vmem>> -> memref<1x128xi32, #tpu.memory_space<vmem>>
      %dma_start3A_237 = tpu.memref_squeeze %dma_start3A_236 : memref<1x128xi32, #tpu.memory_space<vmem>> -> memref<128xi32, #tpu.memory_space<vmem>>
      %dma_start3A_238 = arith.constant 0 : i32
      %dma_start3A_239 = arith.constant 0 : i32
      %dma_start3A_240 = tpu.memref_slice %arg13[%dma_start3A_238, %dma_start3A_239] : memref<10240x128xf32, #tpu.memory_space<vmem_shared>> -> memref<10240x128xf32, #tpu.memory_space<vmem_shared>>
      tpu.enqueue_indirect_dma source(%arg10 : memref<128x128xf32, #tpu.memory_space<vmem>>) target(%dma_start3A_240 : memref<10240x128xf32, #tpu.memory_space<vmem_shared>>) offsets(%dma_start3A_237 : memref<128xi32, #tpu.memory_space<vmem>>) semaphore(%arg18 : memref<!tpu.dma_semaphore, #tpu.memory_space<semaphore_mem>>) {add = true}
      %dma_start3A_241 = arith.constant 0 : i32
      %dma_start3A_242 = tpu.memref_slice %arg8[%sub3A_234, %dma_start3A_241] : memref<40x128xi32, #tpu.memory_space<vmem>> -> memref<1x128xi32, #tpu.memory_space<vmem>>
      %dma_start3A_243 = tpu.memref_squeeze %dma_start3A_242 : memref<1x128xi32, #tpu.memory_space<vmem>> -> memref<128xi32, #tpu.memory_space<vmem>>
      %dma_start3A_244 = arith.constant 0 : i32
      %dma_start3A_245 = tpu.memref_slice %arg14[%dma_start3A_244] : memref<10240xf32, #tpu.memory_space<vmem_shared>> -> memref<10240xf32, #tpu.memory_space<vmem_shared>>
      tpu.enqueue_indirect_dma source(%arg11 : memref<128xf32, #tpu.memory_space<vmem>>) target(%dma_start3A_245 : memref<10240xf32, #tpu.memory_space<vmem_shared>>) offsets(%dma_start3A_243 : memref<128xi32, #tpu.memory_space<vmem>>) semaphore(%arg19 : memref<!tpu.dma_semaphore, #tpu.memory_space<semaphore_mem>>) {add = true}
      %mul3A_246 = arith.constant 2 : i32
      %mul3A_247 = arith.muli %scan3A_207, %mul3A_246 : i32
      %add3A_248 = arith.constant 1 : i32
      %add3A_249 = arith.addi %mul3A_247, %add3A_248 : i32
      %sub3A_250 = arith.constant 2 : i32
      %sub3A_251 = arith.subi %add3A_249, %sub3A_250 : i32
      %dma_wait3A_252 = arith.constant 0 : i32
      %dma_wait3A_253 = tpu.memref_slice %arg8[%sub3A_251, %dma_wait3A_252] : memref<40x128xi32, #tpu.memory_space<vmem>> -> memref<1x128xi32, #tpu.memory_space<vmem>>
      %dma_wait3A_254 = tpu.memref_squeeze %dma_wait3A_253 : memref<1x128xi32, #tpu.memory_space<vmem>> -> memref<128xi32, #tpu.memory_space<vmem>>
      %dma_wait3A_255 = arith.constant 0 : i32
      %dma_wait3A_256 = arith.constant 0 : i32
      %dma_wait3A_257 = tpu.memref_slice %arg13[%dma_wait3A_255, %dma_wait3A_256] : memref<10240x128xf32, #tpu.memory_space<vmem_shared>> -> memref<10240x128xf32, #tpu.memory_space<vmem_shared>>
      tpu.wait_indirect_dma semaphore(%arg18 : memref<!tpu.dma_semaphore, #tpu.memory_space<semaphore_mem>>) src(%arg10 : memref<128x128xf32, #tpu.memory_space<vmem>>) dst(%dma_wait3A_257 : memref<10240x128xf32, #tpu.memory_space<vmem_shared>>)
      %dma_start3A_258 = arith.constant 0 : i32
      %dma_start3A_259 = tpu.memref_slice %arg7[%add3A_249, %dma_start3A_258] : memref<40x128xi32, #tpu.memory_space<vmem>> -> memref<1x128xi32, #tpu.memory_space<vmem>>
      %dma_start3A_260 = tpu.memref_squeeze %dma_start3A_259 : memref<1x128xi32, #tpu.memory_space<vmem>> -> memref<128xi32, #tpu.memory_space<vmem>>
      %dma_start3A_261 = arith.constant 0 : i32
      %dma_start3A_262 = arith.constant 0 : i32
      %dma_start3A_263 = tpu.memref_slice %arg2[%dma_start3A_261, %dma_start3A_262] : memref<10000x128xf32, #tpu.memory_space<hbm>> -> memref<10000x128xf32, #tpu.memory_space<hbm>>
      tpu.enqueue_indirect_dma source(%dma_start3A_263 : memref<10000x128xf32, #tpu.memory_space<hbm>>) target(%arg10 : memref<128x128xf32, #tpu.memory_space<vmem>>) offsets(%dma_start3A_260 : memref<128xi32, #tpu.memory_space<vmem>>) semaphore(%arg16 : memref<!tpu.dma_semaphore, #tpu.memory_space<semaphore_mem>>)
      %sub3A_264 = arith.constant 1 : i32
      %sub3A_265 = arith.subi %add3A_249, %sub3A_264 : i32
      %dma_wait3A_266 = arith.constant 0 : i32
      %dma_wait3A_267 = tpu.memref_slice %arg7[%sub3A_265, %dma_wait3A_266] : memref<40x128xi32, #tpu.memory_space<vmem>> -> memref<1x128xi32, #tpu.memory_space<vmem>>
      %dma_wait3A_268 = tpu.memref_squeeze %dma_wait3A_267 : memref<1x128xi32, #tpu.memory_space<vmem>> -> memref<128xi32, #tpu.memory_space<vmem>>
      %dma_wait3A_269 = arith.constant 0 : i32
      %dma_wait3A_270 = arith.constant 0 : i32
      %dma_wait3A_271 = tpu.memref_slice %arg2[%dma_wait3A_269, %dma_wait3A_270] : memref<10000x128xf32, #tpu.memory_space<hbm>> -> memref<10000x128xf32, #tpu.memory_space<hbm>>
      tpu.wait_indirect_dma semaphore(%arg15 : memref<!tpu.dma_semaphore, #tpu.memory_space<semaphore_mem>>) src(%dma_wait3A_271 : memref<10000x128xf32, #tpu.memory_space<hbm>>) dst(%arg9 : memref<128x128xf32, #tpu.memory_space<vmem>>)
      %sub3A_272 = arith.constant 1 : i32
      %sub3A_273 = arith.subi %add3A_249, %sub3A_272 : i32
      %dma_start3A_274 = arith.constant 0 : i32
      %dma_start3A_275 = tpu.memref_slice %arg8[%sub3A_273, %dma_start3A_274] : memref<40x128xi32, #tpu.memory_space<vmem>> -> memref<1x128xi32, #tpu.memory_space<vmem>>
      %dma_start3A_276 = tpu.memref_squeeze %dma_start3A_275 : memref<1x128xi32, #tpu.memory_space<vmem>> -> memref<128xi32, #tpu.memory_space<vmem>>
      %dma_start3A_277 = arith.constant 0 : i32
      %dma_start3A_278 = arith.constant 0 : i32
      %dma_start3A_279 = tpu.memref_slice %arg13[%dma_start3A_277, %dma_start3A_278] : memref<10240x128xf32, #tpu.memory_space<vmem_shared>> -> memref<10240x128xf32, #tpu.memory_space<vmem_shared>>
      tpu.enqueue_indirect_dma source(%arg9 : memref<128x128xf32, #tpu.memory_space<vmem>>) target(%dma_start3A_279 : memref<10240x128xf32, #tpu.memory_space<vmem_shared>>) offsets(%dma_start3A_276 : memref<128xi32, #tpu.memory_space<vmem>>) semaphore(%arg17 : memref<!tpu.dma_semaphore, #tpu.memory_space<semaphore_mem>>) {add = true}
      %dma_start3A_280 = arith.constant 0 : i32
      %dma_start3A_281 = tpu.memref_slice %arg8[%sub3A_273, %dma_start3A_280] : memref<40x128xi32, #tpu.memory_space<vmem>> -> memref<1x128xi32, #tpu.memory_space<vmem>>
      %dma_start3A_282 = tpu.memref_squeeze %dma_start3A_281 : memref<1x128xi32, #tpu.memory_space<vmem>> -> memref<128xi32, #tpu.memory_space<vmem>>
      %dma_start3A_283 = arith.constant 0 : i32
      %dma_start3A_284 = tpu.memref_slice %arg14[%dma_start3A_283] : memref<10240xf32, #tpu.memory_space<vmem_shared>> -> memref<10240xf32, #tpu.memory_space<vmem_shared>>
      tpu.enqueue_indirect_dma source(%arg11 : memref<128xf32, #tpu.memory_space<vmem>>) target(%dma_start3A_284 : memref<10240xf32, #tpu.memory_space<vmem_shared>>) offsets(%dma_start3A_282 : memref<128xi32, #tpu.memory_space<vmem>>) semaphore(%arg19 : memref<!tpu.dma_semaphore, #tpu.memory_space<semaphore_mem>>) {add = true}
    }
    %scan3A_162 = arith.constant 19 : i32
    %dma_wait3A_163 = arith.constant 39 : i32
    %dma_wait3A_164 = arith.constant 0 : i32
    %dma_wait3A_165 = tpu.memref_slice %arg7[%dma_wait3A_163, %dma_wait3A_164] : memref<40x128xi32, #tpu.memory_space<vmem>> -> memref<1x128xi32, #tpu.memory_space<vmem>>
    %dma_wait3A_166 = tpu.memref_squeeze %dma_wait3A_165 : memref<1x128xi32, #tpu.memory_space<vmem>> -> memref<128xi32, #tpu.memory_space<vmem>>
    %dma_wait3A_167 = arith.constant 0 : i32
    %dma_wait3A_168 = arith.constant 0 : i32
    %dma_wait3A_169 = tpu.memref_slice %arg2[%dma_wait3A_167, %dma_wait3A_168] : memref<10000x128xf32, #tpu.memory_space<hbm>> -> memref<10000x128xf32, #tpu.memory_space<hbm>>
    tpu.wait_indirect_dma semaphore(%arg16 : memref<!tpu.dma_semaphore, #tpu.memory_space<semaphore_mem>>) src(%dma_wait3A_169 : memref<10000x128xf32, #tpu.memory_space<hbm>>) dst(%arg10 : memref<128x128xf32, #tpu.memory_space<vmem>>)
    %dma_start3A_170 = arith.constant 39 : i32
    %dma_start3A_171 = arith.constant 0 : i32
    %dma_start3A_172 = tpu.memref_slice %arg8[%dma_start3A_170, %dma_start3A_171] : memref<40x128xi32, #tpu.memory_space<vmem>> -> memref<1x128xi32, #tpu.memory_space<vmem>>
    %dma_start3A_173 = tpu.memref_squeeze %dma_start3A_172 : memref<1x128xi32, #tpu.memory_space<vmem>> -> memref<128xi32, #tpu.memory_space<vmem>>
    %dma_start3A_174 = arith.constant 0 : i32
    %dma_start3A_175 = arith.constant 0 : i32
    %dma_start3A_176 = tpu.memref_slice %arg13[%dma_start3A_174, %dma_start3A_175] : memref<10240x128xf32, #tpu.memory_space<vmem_shared>> -> memref<10240x128xf32, #tpu.memory_space<vmem_shared>>
    tpu.enqueue_indirect_dma source(%arg10 : memref<128x128xf32, #tpu.memory_space<vmem>>) target(%dma_start3A_176 : memref<10240x128xf32, #tpu.memory_space<vmem_shared>>) offsets(%dma_start3A_173 : memref<128xi32, #tpu.memory_space<vmem>>) semaphore(%arg18 : memref<!tpu.dma_semaphore, #tpu.memory_space<semaphore_mem>>) {add = true}
    %dma_start3A_177 = arith.constant 39 : i32
    %dma_start3A_178 = arith.constant 0 : i32
    %dma_start3A_179 = tpu.memref_slice %arg8[%dma_start3A_177, %dma_start3A_178] : memref<40x128xi32, #tpu.memory_space<vmem>> -> memref<1x128xi32, #tpu.memory_space<vmem>>
    %dma_start3A_180 = tpu.memref_squeeze %dma_start3A_179 : memref<1x128xi32, #tpu.memory_space<vmem>> -> memref<128xi32, #tpu.memory_space<vmem>>
    %dma_start3A_181 = arith.constant 0 : i32
    %dma_start3A_182 = tpu.memref_slice %arg14[%dma_start3A_181] : memref<10240xf32, #tpu.memory_space<vmem_shared>> -> memref<10240xf32, #tpu.memory_space<vmem_shared>>
    tpu.enqueue_indirect_dma source(%arg11 : memref<128xf32, #tpu.memory_space<vmem>>) target(%dma_start3A_182 : memref<10240xf32, #tpu.memory_space<vmem_shared>>) offsets(%dma_start3A_180 : memref<128xi32, #tpu.memory_space<vmem>>) semaphore(%arg19 : memref<!tpu.dma_semaphore, #tpu.memory_space<semaphore_mem>>) {add = true}
    %dma_wait3A_183 = arith.constant 38 : i32
    %dma_wait3A_184 = arith.constant 0 : i32
    %dma_wait3A_185 = tpu.memref_slice %arg8[%dma_wait3A_183, %dma_wait3A_184] : memref<40x128xi32, #tpu.memory_space<vmem>> -> memref<1x128xi32, #tpu.memory_space<vmem>>
    %dma_wait3A_186 = tpu.memref_squeeze %dma_wait3A_185 : memref<1x128xi32, #tpu.memory_space<vmem>> -> memref<128xi32, #tpu.memory_space<vmem>>
    %dma_wait3A_187 = arith.constant 0 : i32
    %dma_wait3A_188 = arith.constant 0 : i32
    %dma_wait3A_189 = tpu.memref_slice %arg13[%dma_wait3A_187, %dma_wait3A_188] : memref<10240x128xf32, #tpu.memory_space<vmem_shared>> -> memref<10240x128xf32, #tpu.memory_space<vmem_shared>>
    tpu.wait_indirect_dma semaphore(%arg17 : memref<!tpu.dma_semaphore, #tpu.memory_space<semaphore_mem>>) src(%arg9 : memref<128x128xf32, #tpu.memory_space<vmem>>) dst(%dma_wait3A_189 : memref<10240x128xf32, #tpu.memory_space<vmem_shared>>)
    %dma_wait3A_190 = arith.constant 39 : i32
    %dma_wait3A_191 = arith.constant 0 : i32
    %dma_wait3A_192 = tpu.memref_slice %arg8[%dma_wait3A_190, %dma_wait3A_191] : memref<40x128xi32, #tpu.memory_space<vmem>> -> memref<1x128xi32, #tpu.memory_space<vmem>>
    %dma_wait3A_193 = tpu.memref_squeeze %dma_wait3A_192 : memref<1x128xi32, #tpu.memory_space<vmem>> -> memref<128xi32, #tpu.memory_space<vmem>>
    %dma_wait3A_194 = arith.constant 0 : i32
    %dma_wait3A_195 = arith.constant 0 : i32
    %dma_wait3A_196 = tpu.memref_slice %arg13[%dma_wait3A_194, %dma_wait3A_195] : memref<10240x128xf32, #tpu.memory_space<vmem_shared>> -> memref<10240x128xf32, #tpu.memory_space<vmem_shared>>
    tpu.wait_indirect_dma semaphore(%arg18 : memref<!tpu.dma_semaphore, #tpu.memory_space<semaphore_mem>>) src(%arg10 : memref<128x128xf32, #tpu.memory_space<vmem>>) dst(%dma_wait3A_196 : memref<10240x128xf32, #tpu.memory_space<vmem_shared>>)
    %scan3A_197 = arith.constant 0 : i32
    %scan3A_198 = arith.constant 0 : i32
    %scan3A_199 = arith.constant 40 : i32
    %scan3A_200 = arith.addi %scan3A_198, %scan3A_199 : i32
    %scan3A_201 = arith.constant 1 : i32
    scf.for %scan3A_207 = %scan3A_198 to %scan3A_200 step %scan3A_201  : i32 {
      %dma_wait3A_208 = arith.constant 0 : i32
      %dma_wait3A_209 = arith.constant 0 : i32
      %dma_wait3A_210 = tpu.memref_slice %arg8[%dma_wait3A_208, %dma_wait3A_209] : memref<40x128xi32, #tpu.memory_space<vmem>> -> memref<1x128xi32, #tpu.memory_space<vmem>>
      %dma_wait3A_211 = tpu.memref_squeeze %dma_wait3A_210 : memref<1x128xi32, #tpu.memory_space<vmem>> -> memref<128xi32, #tpu.memory_space<vmem>>
      %dma_wait3A_212 = arith.constant 0 : i32
      %dma_wait3A_213 = tpu.memref_slice %arg14[%dma_wait3A_212] : memref<10240xf32, #tpu.memory_space<vmem_shared>> -> memref<10240xf32, #tpu.memory_space<vmem_shared>>
      tpu.wait_indirect_dma semaphore(%arg19 : memref<!tpu.dma_semaphore, #tpu.memory_space<semaphore_mem>>) src(%arg11 : memref<128xf32, #tpu.memory_space<vmem>>) dst(%dma_wait3A_213 : memref<10240xf32, #tpu.memory_space<vmem_shared>>)
    }
    %scan3A_202 = arith.constant 40 : i32
    %barrier3A_203 = arith.constant 0 : index
    tpu.barrier barrier_id(%barrier3A_203)
    %mul3A_204 = arith.constant 10240 : i32
    %mul3A_205 = arith.muli %arg0, %mul3A_204 : i32
    %add3A_206 = arith.addi %mul3A_205, %mul3A_16 : i32
    "tpu.region"() ({
      %run_scoped3A = tpu.sem_alloc : memref<!tpu.dma_semaphore, #tpu.memory_space<semaphore_mem>>
      %dma_start3A_207 = arith.constant 0 : i32
      %dma_start3A_208 = tpu.memref_slice %arg5[%add3A_206, %dma_start3A_207] : memref<20480x128xf32, #tpu.memory_space<hbm>> -> memref<640x128xf32, #tpu.memory_space<hbm>>
      %dma_start3A_209 = arith.constant 0 : i32
      %dma_start3A_210 = tpu.memref_slice %arg13[%mul3A_16, %dma_start3A_209] : memref<10240x128xf32, #tpu.memory_space<vmem_shared>> -> memref<640x128xf32, #tpu.memory_space<vmem_shared>>
      tpu.enqueue_dma source(%dma_start3A_210 : memref<640x128xf32, #tpu.memory_space<vmem_shared>>) target(%dma_start3A_208 : memref<640x128xf32, #tpu.memory_space<hbm>>) target_semaphore(%run_scoped3A : memref<!tpu.dma_semaphore, #tpu.memory_space<semaphore_mem>>)
      %dma_wait3A_211 = arith.constant 0 : i32
      %dma_wait3A_212 = tpu.memref_slice %arg5[%add3A_206, %dma_wait3A_211] : memref<20480x128xf32, #tpu.memory_space<hbm>> -> memref<640x128xf32, #tpu.memory_space<hbm>>
      %dma_wait3A_213 = arith.constant 0 : i32
      %dma_wait3A_214 = tpu.memref_slice %arg13[%mul3A_16, %dma_wait3A_213] : memref<10240x128xf32, #tpu.memory_space<vmem_shared>> -> memref<640x128xf32, #tpu.memory_space<vmem_shared>>
      tpu.wait_dma2 semaphore(%run_scoped3A : memref<!tpu.dma_semaphore, #tpu.memory_space<semaphore_mem>>) src(%dma_wait3A_214 : memref<640x128xf32, #tpu.memory_space<vmem_shared>>) dst(%dma_wait3A_212 : memref<640x128xf32, #tpu.memory_space<hbm>>)
      tpu.yield
    }) : () -> ()
    "tpu.region"() ({
      %run_scoped3A = tpu.sem_alloc : memref<!tpu.dma_semaphore, #tpu.memory_space<semaphore_mem>>
      %dma_start3A_207 = tpu.memref_slice %arg6[%add3A_206] : memref<20480xf32, #tpu.memory_space<hbm>> -> memref<640xf32, #tpu.memory_space<hbm>>
      %dma_start3A_208 = tpu.memref_slice %arg14[%mul3A_16] : memref<10240xf32, #tpu.memory_space<vmem_shared>> -> memref<640xf32, #tpu.memory_space<vmem_shared>>
      tpu.enqueue_dma source(%dma_start3A_208 : memref<640xf32, #tpu.memory_space<vmem_shared>>) target(%dma_start3A_207 : memref<640xf32, #tpu.memory_space<hbm>>) target_semaphore(%run_scoped3A : memref<!tpu.dma_semaphore, #tpu.memory_space<semaphore_mem>>)
      %dma_wait3A_209 = tpu.memref_slice %arg6[%add3A_206] : memref<20480xf32, #tpu.memory_space<hbm>> -> memref<640xf32, #tpu.memory_space<hbm>>
      %dma_wait3A_210 = tpu.memref_slice %arg14[%mul3A_16] : memref<10240xf32, #tpu.memory_space<vmem_shared>> -> memref<640xf32, #tpu.memory_space<vmem_shared>>
      tpu.wait_dma2 semaphore(%run_scoped3A : memref<!tpu.dma_semaphore, #tpu.memory_space<semaphore_mem>>) src(%dma_wait3A_210 : memref<640xf32, #tpu.memory_space<vmem_shared>>) dst(%dma_wait3A_209 : memref<640xf32, #tpu.memory_space<hbm>>)
      tpu.yield
    }) : () -> ()
    return
  }
}

#map = affine_map<(d0, d1) -> (0, 0)>
module attributes {stable_mosaic.version = 14 : i64} {
  func.func @body(%arg0: i32, %arg1: i32, %arg2: memref<10240x128xf32, #tpu.memory_space<hbm>>, %arg3: memref<2560x128xi32, #tpu.memory_space<hbm>>, %arg4: memref<2560x128xi32, #tpu.memory_space<hbm>>, %arg5: memref<20480x128xf32, #tpu.memory_space<hbm>>, %arg6: memref<40x128xi32, #tpu.memory_space<vmem>>, %arg7: memref<40x128xi32, #tpu.memory_space<vmem>>, %arg8: memref<128x128xf32, #tpu.memory_space<vmem>>, %arg9: memref<128x128xf32, #tpu.memory_space<vmem>>, %arg10: memref<128xf32, #tpu.memory_space<vmem>>, %arg11: memref<128xf32, #tpu.memory_space<vmem>>, %arg12: memref<10240x128xf32, #tpu.memory_space<vmem_shared>>, %arg13: memref<10240xf32, #tpu.memory_space<vmem_shared>>, %arg14: memref<!tpu.dma_semaphore, #tpu.memory_space<semaphore_mem>>, %arg15: memref<!tpu.dma_semaphore, #tpu.memory_space<semaphore_mem>>, %arg16: memref<!tpu.dma_semaphore, #tpu.memory_space<semaphore_mem>>, %arg17: memref<!tpu.dma_semaphore, #tpu.memory_space<semaphore_mem>>, %arg18: memref<!tpu.dma_semaphore, #tpu.memory_space<semaphore_mem>>) attributes {dimension_semantics = [#tpu.dimension_semantics<core_parallel>, #tpu.dimension_semantics<subcore_parallel>], iteration_bounds = array<i64: 2, 16>, scalar_prefetch = 0 : i64, scratch_operands = 13 : i64, tpu.core_type = #tpu.core_type<sc_vector_subcore>, window_params = [{transform_indices = #map}, {transform_indices = #map}, {transform_indices = #map}, {transform_indices = #map}]} {
    %mul3A = arith.constant 16 : i32
    %mul3A_0 = arith.muli %arg0, %mul3A : i32
    %add3A = arith.addi %mul3A_0, %arg1 : i32
    %broadcast_in_dim3A = arith.constant 0.000000e+00 : f32
    %broadcast_in_dim3A_1 = vector.broadcast %broadcast_in_dim3A : f32 to vector<16xf32>
    %broadcast_in_dim3A_2 = arith.constant 1.000000e+00 : f32
    %broadcast_in_dim3A_3 = vector.broadcast %broadcast_in_dim3A_2 : f32 to vector<16xf32>
    %scan3A = arith.constant 0 : i32
    %scan3A_4 = arith.constant 0 : i32
    %scan3A_5 = arith.constant 128 : i32
    %scan3A_6 = arith.addi %scan3A_4, %scan3A_5 : i32
    %scan3A_7 = arith.constant 1 : i32
    scf.for %scan3A_155 = %scan3A_4 to %scan3A_6 step %scan3A_7  : i32 {
      %swap3A = arith.index_cast %scan3A_155 : i32 to index
      %swap3A_156 = arith.constant 0 : index
      %swap3A_157 = tpu.vector_load %arg8[%swap3A, %swap3A_156] {strides = array<i32>} : memref<128x128xf32, #tpu.memory_space<vmem>>, vector<1x16xf32>,
      %swap3A_158 = vector.shape_cast %swap3A_157 : vector<1x16xf32> to vector<16xf32>
      %swap3A_159 = vector.shape_cast %broadcast_in_dim3A_1 : vector<16xf32> to vector<1x16xf32>
      tpu.vector_store %arg8[%swap3A, %swap3A_156], %swap3A_159 {strides = array<i32>} : memref<128x128xf32, #tpu.memory_space<vmem>>, vector<1x16xf32>,
      %swap3A_160 = arith.index_cast %scan3A_155 : i32 to index
      %swap3A_161 = arith.constant 16 : index
      %swap3A_162 = tpu.vector_load %arg8[%swap3A_160, %swap3A_161] {strides = array<i32>} : memref<128x128xf32, #tpu.memory_space<vmem>>, vector<1x16xf32>,
      %swap3A_163 = vector.shape_cast %swap3A_162 : vector<1x16xf32> to vector<16xf32>
      %swap3A_164 = vector.shape_cast %broadcast_in_dim3A_1 : vector<16xf32> to vector<1x16xf32>
      tpu.vector_store %arg8[%swap3A_160, %swap3A_161], %swap3A_164 {strides = array<i32>} : memref<128x128xf32, #tpu.memory_space<vmem>>, vector<1x16xf32>,
      %swap3A_165 = arith.index_cast %scan3A_155 : i32 to index
      %swap3A_166 = arith.constant 32 : index
      %swap3A_167 = tpu.vector_load %arg8[%swap3A_165, %swap3A_166] {strides = array<i32>} : memref<128x128xf32, #tpu.memory_space<vmem>>, vector<1x16xf32>,
      %swap3A_168 = vector.shape_cast %swap3A_167 : vector<1x16xf32> to vector<16xf32>
      %swap3A_169 = vector.shape_cast %broadcast_in_dim3A_1 : vector<16xf32> to vector<1x16xf32>
      tpu.vector_store %arg8[%swap3A_165, %swap3A_166], %swap3A_169 {strides = array<i32>} : memref<128x128xf32, #tpu.memory_space<vmem>>, vector<1x16xf32>,
      %swap3A_170 = arith.index_cast %scan3A_155 : i32 to index
      %swap3A_171 = arith.constant 48 : index
      %swap3A_172 = tpu.vector_load %arg8[%swap3A_170, %swap3A_171] {strides = array<i32>} : memref<128x128xf32, #tpu.memory_space<vmem>>, vector<1x16xf32>,
      %swap3A_173 = vector.shape_cast %swap3A_172 : vector<1x16xf32> to vector<16xf32>
      %swap3A_174 = vector.shape_cast %broadcast_in_dim3A_1 : vector<16xf32> to vector<1x16xf32>
      tpu.vector_store %arg8[%swap3A_170, %swap3A_171], %swap3A_174 {strides = array<i32>} : memref<128x128xf32, #tpu.memory_space<vmem>>, vector<1x16xf32>,
      %swap3A_175 = arith.index_cast %scan3A_155 : i32 to index
      %swap3A_176 = arith.constant 64 : index
      %swap3A_177 = tpu.vector_load %arg8[%swap3A_175, %swap3A_176] {strides = array<i32>} : memref<128x128xf32, #tpu.memory_space<vmem>>, vector<1x16xf32>,
      %swap3A_178 = vector.shape_cast %swap3A_177 : vector<1x16xf32> to vector<16xf32>
      %swap3A_179 = vector.shape_cast %broadcast_in_dim3A_1 : vector<16xf32> to vector<1x16xf32>
      tpu.vector_store %arg8[%swap3A_175, %swap3A_176], %swap3A_179 {strides = array<i32>} : memref<128x128xf32, #tpu.memory_space<vmem>>, vector<1x16xf32>,
      %swap3A_180 = arith.index_cast %scan3A_155 : i32 to index
      %swap3A_181 = arith.constant 80 : index
      %swap3A_182 = tpu.vector_load %arg8[%swap3A_180, %swap3A_181] {strides = array<i32>} : memref<128x128xf32, #tpu.memory_space<vmem>>, vector<1x16xf32>,
      %swap3A_183 = vector.shape_cast %swap3A_182 : vector<1x16xf32> to vector<16xf32>
      %swap3A_184 = vector.shape_cast %broadcast_in_dim3A_1 : vector<16xf32> to vector<1x16xf32>
      tpu.vector_store %arg8[%swap3A_180, %swap3A_181], %swap3A_184 {strides = array<i32>} : memref<128x128xf32, #tpu.memory_space<vmem>>, vector<1x16xf32>,
      %swap3A_185 = arith.index_cast %scan3A_155 : i32 to index
      %swap3A_186 = arith.constant 96 : index
      %swap3A_187 = tpu.vector_load %arg8[%swap3A_185, %swap3A_186] {strides = array<i32>} : memref<128x128xf32, #tpu.memory_space<vmem>>, vector<1x16xf32>,
      %swap3A_188 = vector.shape_cast %swap3A_187 : vector<1x16xf32> to vector<16xf32>
      %swap3A_189 = vector.shape_cast %broadcast_in_dim3A_1 : vector<16xf32> to vector<1x16xf32>
      tpu.vector_store %arg8[%swap3A_185, %swap3A_186], %swap3A_189 {strides = array<i32>} : memref<128x128xf32, #tpu.memory_space<vmem>>, vector<1x16xf32>,
      %swap3A_190 = arith.index_cast %scan3A_155 : i32 to index
      %swap3A_191 = arith.constant 112 : index
      %swap3A_192 = tpu.vector_load %arg8[%swap3A_190, %swap3A_191] {strides = array<i32>} : memref<128x128xf32, #tpu.memory_space<vmem>>, vector<1x16xf32>,
      %swap3A_193 = vector.shape_cast %swap3A_192 : vector<1x16xf32> to vector<16xf32>
      %swap3A_194 = vector.shape_cast %broadcast_in_dim3A_1 : vector<16xf32> to vector<1x16xf32>
      tpu.vector_store %arg8[%swap3A_190, %swap3A_191], %swap3A_194 {strides = array<i32>} : memref<128x128xf32, #tpu.memory_space<vmem>>, vector<1x16xf32>,
    }
    %scan3A_8 = arith.constant 128 : i32
    %mul3A_9 = arith.constant 640 : i32
    %mul3A_10 = arith.muli %arg1, %mul3A_9 : i32
    %add3A_11 = arith.constant 0 : i32
    %add3A_12 = arith.addi %mul3A_10, %add3A_11 : i32
    "tpu.region"() ({
      %run_scoped3A = tpu.sem_alloc : memref<!tpu.dma_semaphore, #tpu.memory_space<semaphore_mem>>
      %dma_start3A_155 = arith.constant 0 : i32
      %dma_start3A_156 = tpu.memref_slice %arg12[%add3A_12, %dma_start3A_155] : memref<10240x128xf32, #tpu.memory_space<vmem_shared>> -> memref<128x128xf32, #tpu.memory_space<vmem_shared>>
      %dma_start3A_157 = arith.constant 0 : i32
      %dma_start3A_158 = tpu.memref_slice %arg12[%add3A_12, %dma_start3A_157] : memref<10240x128xf32, #tpu.memory_space<vmem_shared>> -> memref<128x128xf32, #tpu.memory_space<vmem_shared>>
      tpu.enqueue_dma source(%arg8 : memref<128x128xf32, #tpu.memory_space<vmem>>) target(%dma_start3A_158 : memref<128x128xf32, #tpu.memory_space<vmem_shared>>) target_semaphore(%run_scoped3A : memref<!tpu.dma_semaphore, #tpu.memory_space<semaphore_mem>>)
      %dma_wait3A_159 = arith.constant 0 : i32
      %dma_wait3A_160 = tpu.memref_slice %arg12[%add3A_12, %dma_wait3A_159] : memref<10240x128xf32, #tpu.memory_space<vmem_shared>> -> memref<128x128xf32, #tpu.memory_space<vmem_shared>>
      %dma_wait3A_161 = arith.constant 0 : i32
      %dma_wait3A_162 = tpu.memref_slice %arg12[%add3A_12, %dma_wait3A_161] : memref<10240x128xf32, #tpu.memory_space<vmem_shared>> -> memref<128x128xf32, #tpu.memory_space<vmem_shared>>
      tpu.wait_dma2 semaphore(%run_scoped3A : memref<!tpu.dma_semaphore, #tpu.memory_space<semaphore_mem>>) src(%arg8 : memref<128x128xf32, #tpu.memory_space<vmem>>) dst(%dma_wait3A_162 : memref<128x128xf32, #tpu.memory_space<vmem_shared>>)
      tpu.yield
    }) : () -> ()
    %add3A_13 = arith.constant 128 : i32
    %add3A_14 = arith.addi %mul3A_10, %add3A_13 : i32
    "tpu.region"() ({
      %run_scoped3A = tpu.sem_alloc : memref<!tpu.dma_semaphore, #tpu.memory_space<semaphore_mem>>
      %dma_start3A_155 = arith.constant 0 : i32
      %dma_start3A_156 = tpu.memref_slice %arg12[%add3A_14, %dma_start3A_155] : memref<10240x128xf32, #tpu.memory_space<vmem_shared>> -> memref<128x128xf32, #tpu.memory_space<vmem_shared>>
      %dma_start3A_157 = arith.constant 0 : i32
      %dma_start3A_158 = tpu.memref_slice %arg12[%add3A_14, %dma_start3A_157] : memref<10240x128xf32, #tpu.memory_space<vmem_shared>> -> memref<128x128xf32, #tpu.memory_space<vmem_shared>>
      tpu.enqueue_dma source(%arg8 : memref<128x128xf32, #tpu.memory_space<vmem>>) target(%dma_start3A_158 : memref<128x128xf32, #tpu.memory_space<vmem_shared>>) target_semaphore(%run_scoped3A : memref<!tpu.dma_semaphore, #tpu.memory_space<semaphore_mem>>)
      %dma_wait3A_159 = arith.constant 0 : i32
      %dma_wait3A_160 = tpu.memref_slice %arg12[%add3A_14, %dma_wait3A_159] : memref<10240x128xf32, #tpu.memory_space<vmem_shared>> -> memref<128x128xf32, #tpu.memory_space<vmem_shared>>
      %dma_wait3A_161 = arith.constant 0 : i32
      %dma_wait3A_162 = tpu.memref_slice %arg12[%add3A_14, %dma_wait3A_161] : memref<10240x128xf32, #tpu.memory_space<vmem_shared>> -> memref<128x128xf32, #tpu.memory_space<vmem_shared>>
      tpu.wait_dma2 semaphore(%run_scoped3A : memref<!tpu.dma_semaphore, #tpu.memory_space<semaphore_mem>>) src(%arg8 : memref<128x128xf32, #tpu.memory_space<vmem>>) dst(%dma_wait3A_162 : memref<128x128xf32, #tpu.memory_space<vmem_shared>>)
      tpu.yield
    }) : () -> ()
    %add3A_15 = arith.constant 256 : i32
    %add3A_16 = arith.addi %mul3A_10, %add3A_15 : i32
    "tpu.region"() ({
      %run_scoped3A = tpu.sem_alloc : memref<!tpu.dma_semaphore, #tpu.memory_space<semaphore_mem>>
      %dma_start3A_155 = arith.constant 0 : i32
      %dma_start3A_156 = tpu.memref_slice %arg12[%add3A_16, %dma_start3A_155] : memref<10240x128xf32, #tpu.memory_space<vmem_shared>> -> memref<128x128xf32, #tpu.memory_space<vmem_shared>>
      %dma_start3A_157 = arith.constant 0 : i32
      %dma_start3A_158 = tpu.memref_slice %arg12[%add3A_16, %dma_start3A_157] : memref<10240x128xf32, #tpu.memory_space<vmem_shared>> -> memref<128x128xf32, #tpu.memory_space<vmem_shared>>
      tpu.enqueue_dma source(%arg8 : memref<128x128xf32, #tpu.memory_space<vmem>>) target(%dma_start3A_158 : memref<128x128xf32, #tpu.memory_space<vmem_shared>>) target_semaphore(%run_scoped3A : memref<!tpu.dma_semaphore, #tpu.memory_space<semaphore_mem>>)
      %dma_wait3A_159 = arith.constant 0 : i32
      %dma_wait3A_160 = tpu.memref_slice %arg12[%add3A_16, %dma_wait3A_159] : memref<10240x128xf32, #tpu.memory_space<vmem_shared>> -> memref<128x128xf32, #tpu.memory_space<vmem_shared>>
      %dma_wait3A_161 = arith.constant 0 : i32
      %dma_wait3A_162 = tpu.memref_slice %arg12[%add3A_16, %dma_wait3A_161] : memref<10240x128xf32, #tpu.memory_space<vmem_shared>> -> memref<128x128xf32, #tpu.memory_space<vmem_shared>>
      tpu.wait_dma2 semaphore(%run_scoped3A : memref<!tpu.dma_semaphore, #tpu.memory_space<semaphore_mem>>) src(%arg8 : memref<128x128xf32, #tpu.memory_space<vmem>>) dst(%dma_wait3A_162 : memref<128x128xf32, #tpu.memory_space<vmem_shared>>)
      tpu.yield
    }) : () -> ()
    %add3A_17 = arith.constant 384 : i32
    %add3A_18 = arith.addi %mul3A_10, %add3A_17 : i32
    "tpu.region"() ({
      %run_scoped3A = tpu.sem_alloc : memref<!tpu.dma_semaphore, #tpu.memory_space<semaphore_mem>>
      %dma_start3A_155 = arith.constant 0 : i32
      %dma_start3A_156 = tpu.memref_slice %arg12[%add3A_18, %dma_start3A_155] : memref<10240x128xf32, #tpu.memory_space<vmem_shared>> -> memref<128x128xf32, #tpu.memory_space<vmem_shared>>
      %dma_start3A_157 = arith.constant 0 : i32
      %dma_start3A_158 = tpu.memref_slice %arg12[%add3A_18, %dma_start3A_157] : memref<10240x128xf32, #tpu.memory_space<vmem_shared>> -> memref<128x128xf32, #tpu.memory_space<vmem_shared>>
      tpu.enqueue_dma source(%arg8 : memref<128x128xf32, #tpu.memory_space<vmem>>) target(%dma_start3A_158 : memref<128x128xf32, #tpu.memory_space<vmem_shared>>) target_semaphore(%run_scoped3A : memref<!tpu.dma_semaphore, #tpu.memory_space<semaphore_mem>>)
      %dma_wait3A_159 = arith.constant 0 : i32
      %dma_wait3A_160 = tpu.memref_slice %arg12[%add3A_18, %dma_wait3A_159] : memref<10240x128xf32, #tpu.memory_space<vmem_shared>> -> memref<128x128xf32, #tpu.memory_space<vmem_shared>>
      %dma_wait3A_161 = arith.constant 0 : i32
      %dma_wait3A_162 = tpu.memref_slice %arg12[%add3A_18, %dma_wait3A_161] : memref<10240x128xf32, #tpu.memory_space<vmem_shared>> -> memref<128x128xf32, #tpu.memory_space<vmem_shared>>
      tpu.wait_dma2 semaphore(%run_scoped3A : memref<!tpu.dma_semaphore, #tpu.memory_space<semaphore_mem>>) src(%arg8 : memref<128x128xf32, #tpu.memory_space<vmem>>) dst(%dma_wait3A_162 : memref<128x128xf32, #tpu.memory_space<vmem_shared>>)
      tpu.yield
    }) : () -> ()
    %add3A_19 = arith.constant 512 : i32
    %add3A_20 = arith.addi %mul3A_10, %add3A_19 : i32
    "tpu.region"() ({
      %run_scoped3A = tpu.sem_alloc : memref<!tpu.dma_semaphore, #tpu.memory_space<semaphore_mem>>
      %dma_start3A_155 = arith.constant 0 : i32
      %dma_start3A_156 = tpu.memref_slice %arg12[%add3A_20, %dma_start3A_155] : memref<10240x128xf32, #tpu.memory_space<vmem_shared>> -> memref<128x128xf32, #tpu.memory_space<vmem_shared>>
      %dma_start3A_157 = arith.constant 0 : i32
      %dma_start3A_158 = tpu.memref_slice %arg12[%add3A_20, %dma_start3A_157] : memref<10240x128xf32, #tpu.memory_space<vmem_shared>> -> memref<128x128xf32, #tpu.memory_space<vmem_shared>>
      tpu.enqueue_dma source(%arg8 : memref<128x128xf32, #tpu.memory_space<vmem>>) target(%dma_start3A_158 : memref<128x128xf32, #tpu.memory_space<vmem_shared>>) target_semaphore(%run_scoped3A : memref<!tpu.dma_semaphore, #tpu.memory_space<semaphore_mem>>)
      %dma_wait3A_159 = arith.constant 0 : i32
      %dma_wait3A_160 = tpu.memref_slice %arg12[%add3A_20, %dma_wait3A_159] : memref<10240x128xf32, #tpu.memory_space<vmem_shared>> -> memref<128x128xf32, #tpu.memory_space<vmem_shared>>
      %dma_wait3A_161 = arith.constant 0 : i32
      %dma_wait3A_162 = tpu.memref_slice %arg12[%add3A_20, %dma_wait3A_161] : memref<10240x128xf32, #tpu.memory_space<vmem_shared>> -> memref<128x128xf32, #tpu.memory_space<vmem_shared>>
      tpu.wait_dma2 semaphore(%run_scoped3A : memref<!tpu.dma_semaphore, #tpu.memory_space<semaphore_mem>>) src(%arg8 : memref<128x128xf32, #tpu.memory_space<vmem>>) dst(%dma_wait3A_162 : memref<128x128xf32, #tpu.memory_space<vmem_shared>>)
      tpu.yield
    }) : () -> ()
    %barrier3A = arith.constant 0 : index
    tpu.barrier barrier_id(%barrier3A)
    %mul3A_21 = arith.constant 80 : i32
    %mul3A_22 = arith.muli %add3A, %mul3A_21 : i32
    %add3A_23 = arith.constant 0 : i32
    %add3A_24 = arith.addi %mul3A_22, %add3A_23 : i32
    "tpu.region"() ({
      %run_scoped3A = tpu.sem_alloc : memref<!tpu.dma_semaphore, #tpu.memory_space<semaphore_mem>>
      %dma_start3A_155 = arith.constant 0 : i32
      %dma_start3A_156 = tpu.memref_slice %arg3[%add3A_24, %dma_start3A_155] : memref<2560x128xi32, #tpu.memory_space<hbm>> -> memref<40x128xi32, #tpu.memory_space<hbm>>
      %dma_start3A_157 = arith.constant 0 : i32
      %dma_start3A_158 = tpu.memref_slice %arg3[%add3A_24, %dma_start3A_157] : memref<2560x128xi32, #tpu.memory_space<hbm>> -> memref<40x128xi32, #tpu.memory_space<hbm>>
      tpu.enqueue_dma source(%dma_start3A_158 : memref<40x128xi32, #tpu.memory_space<hbm>>) target(%arg6 : memref<40x128xi32, #tpu.memory_space<vmem>>) target_semaphore(%run_scoped3A : memref<!tpu.dma_semaphore, #tpu.memory_space<semaphore_mem>>)
      %dma_wait3A_159 = arith.constant 0 : i32
      %dma_wait3A_160 = tpu.memref_slice %arg3[%add3A_24, %dma_wait3A_159] : memref<2560x128xi32, #tpu.memory_space<hbm>> -> memref<40x128xi32, #tpu.memory_space<hbm>>
      %dma_wait3A_161 = arith.constant 0 : i32
      %dma_wait3A_162 = tpu.memref_slice %arg3[%add3A_24, %dma_wait3A_161] : memref<2560x128xi32, #tpu.memory_space<hbm>> -> memref<40x128xi32, #tpu.memory_space<hbm>>
      tpu.wait_dma2 semaphore(%run_scoped3A : memref<!tpu.dma_semaphore, #tpu.memory_space<semaphore_mem>>) src(%dma_wait3A_162 : memref<40x128xi32, #tpu.memory_space<hbm>>) dst(%arg6 : memref<40x128xi32, #tpu.memory_space<vmem>>)
      tpu.yield
    }) : () -> ()
    "tpu.region"() ({
      %run_scoped3A = tpu.sem_alloc : memref<!tpu.dma_semaphore, #tpu.memory_space<semaphore_mem>>
      %dma_start3A_155 = arith.constant 0 : i32
      %dma_start3A_156 = tpu.memref_slice %arg4[%add3A_24, %dma_start3A_155] : memref<2560x128xi32, #tpu.memory_space<hbm>> -> memref<40x128xi32, #tpu.memory_space<hbm>>
      %dma_start3A_157 = arith.constant 0 : i32
      %dma_start3A_158 = tpu.memref_slice %arg4[%add3A_24, %dma_start3A_157] : memref<2560x128xi32, #tpu.memory_space<hbm>> -> memref<40x128xi32, #tpu.memory_space<hbm>>
      tpu.enqueue_dma source(%dma_start3A_158 : memref<40x128xi32, #tpu.memory_space<hbm>>) target(%arg7 : memref<40x128xi32, #tpu.memory_space<vmem>>) target_semaphore(%run_scoped3A : memref<!tpu.dma_semaphore, #tpu.memory_space<semaphore_mem>>)
      %dma_wait3A_159 = arith.constant 0 : i32
      %dma_wait3A_160 = tpu.memref_slice %arg4[%add3A_24, %dma_wait3A_159] : memref<2560x128xi32, #tpu.memory_space<hbm>> -> memref<40x128xi32, #tpu.memory_space<hbm>>
      %dma_wait3A_161 = arith.constant 0 : i32
      %dma_wait3A_162 = tpu.memref_slice %arg4[%add3A_24, %dma_wait3A_161] : memref<2560x128xi32, #tpu.memory_space<hbm>> -> memref<40x128xi32, #tpu.memory_space<hbm>>
      tpu.wait_dma2 semaphore(%run_scoped3A : memref<!tpu.dma_semaphore, #tpu.memory_space<semaphore_mem>>) src(%dma_wait3A_162 : memref<40x128xi32, #tpu.memory_space<hbm>>) dst(%arg7 : memref<40x128xi32, #tpu.memory_space<vmem>>)
      tpu.yield
    }) : () -> ()
    %dma_start3A = arith.constant 0 : i32
    %dma_start3A_25 = arith.constant 0 : i32
    %dma_start3A_26 = tpu.memref_slice %arg6[%dma_start3A, %dma_start3A_25] : memref<40x128xi32, #tpu.memory_space<vmem>> -> memref<1x128xi32, #tpu.memory_space<vmem>>
    %dma_start3A_27 = tpu.memref_squeeze %dma_start3A_26 : memref<1x128xi32, #tpu.memory_space<vmem>> -> memref<128xi32, #tpu.memory_space<vmem>>
    %dma_start3A_28 = arith.constant 0 : i32
    %dma_start3A_29 = arith.constant 0 : i32
    %dma_start3A_30 = tpu.memref_slice %arg2[%dma_start3A_28, %dma_start3A_29] : memref<10240x128xf32, #tpu.memory_space<hbm>> -> memref<10240x128xf32, #tpu.memory_space<hbm>>
    tpu.enqueue_indirect_dma source(%dma_start3A_30 : memref<10240x128xf32, #tpu.memory_space<hbm>>) target(%arg8 : memref<128x128xf32, #tpu.memory_space<vmem>>) offsets(%dma_start3A_27 : memref<128xi32, #tpu.memory_space<vmem>>) semaphore(%arg14 : memref<!tpu.dma_semaphore, #tpu.memory_space<semaphore_mem>>)
    %dma_start3A_31 = arith.constant 1 : i32
    %dma_start3A_32 = arith.constant 0 : i32
    %dma_start3A_33 = tpu.memref_slice %arg6[%dma_start3A_31, %dma_start3A_32] : memref<40x128xi32, #tpu.memory_space<vmem>> -> memref<1x128xi32, #tpu.memory_space<vmem>>
    %dma_start3A_34 = tpu.memref_squeeze %dma_start3A_33 : memref<1x128xi32, #tpu.memory_space<vmem>> -> memref<128xi32, #tpu.memory_space<vmem>>
    %dma_start3A_35 = arith.constant 0 : i32
    %dma_start3A_36 = arith.constant 0 : i32
    %dma_start3A_37 = tpu.memref_slice %arg2[%dma_start3A_35, %dma_start3A_36] : memref<10240x128xf32, #tpu.memory_space<hbm>> -> memref<10240x128xf32, #tpu.memory_space<hbm>>
    tpu.enqueue_indirect_dma source(%dma_start3A_37 : memref<10240x128xf32, #tpu.memory_space<hbm>>) target(%arg9 : memref<128x128xf32, #tpu.memory_space<vmem>>) offsets(%dma_start3A_34 : memref<128xi32, #tpu.memory_space<vmem>>) semaphore(%arg15 : memref<!tpu.dma_semaphore, #tpu.memory_space<semaphore_mem>>)
    %dma_wait3A = arith.constant 0 : i32
    %dma_wait3A_38 = arith.constant 0 : i32
    %dma_wait3A_39 = tpu.memref_slice %arg6[%dma_wait3A, %dma_wait3A_38] : memref<40x128xi32, #tpu.memory_space<vmem>> -> memref<1x128xi32, #tpu.memory_space<vmem>>
    %dma_wait3A_40 = tpu.memref_squeeze %dma_wait3A_39 : memref<1x128xi32, #tpu.memory_space<vmem>> -> memref<128xi32, #tpu.memory_space<vmem>>
    %dma_wait3A_41 = arith.constant 0 : i32
    %dma_wait3A_42 = arith.constant 0 : i32
    %dma_wait3A_43 = tpu.memref_slice %arg2[%dma_wait3A_41, %dma_wait3A_42] : memref<10240x128xf32, #tpu.memory_space<hbm>> -> memref<10240x128xf32, #tpu.memory_space<hbm>>
    tpu.wait_indirect_dma semaphore(%arg14 : memref<!tpu.dma_semaphore, #tpu.memory_space<semaphore_mem>>) src(%dma_wait3A_43 : memref<10240x128xf32, #tpu.memory_space<hbm>>) dst(%arg8 : memref<128x128xf32, #tpu.memory_space<vmem>>)
    %dma_start3A_44 = arith.constant 0 : i32
    %dma_start3A_45 = arith.constant 0 : i32
    %dma_start3A_46 = tpu.memref_slice %arg7[%dma_start3A_44, %dma_start3A_45] : memref<40x128xi32, #tpu.memory_space<vmem>> -> memref<1x128xi32, #tpu.memory_space<vmem>>
    %dma_start3A_47 = tpu.memref_squeeze %dma_start3A_46 : memref<1x128xi32, #tpu.memory_space<vmem>> -> memref<128xi32, #tpu.memory_space<vmem>>
    %dma_start3A_48 = arith.constant 0 : i32
    %dma_start3A_49 = arith.constant 0 : i32
    %dma_start3A_50 = tpu.memref_slice %arg12[%dma_start3A_48, %dma_start3A_49] : memref<10240x128xf32, #tpu.memory_space<vmem_shared>> -> memref<10240x128xf32, #tpu.memory_space<vmem_shared>>
    tpu.enqueue_indirect_dma source(%arg8 : memref<128x128xf32, #tpu.memory_space<vmem>>) target(%dma_start3A_50 : memref<10240x128xf32, #tpu.memory_space<vmem_shared>>) offsets(%dma_start3A_47 : memref<128xi32, #tpu.memory_space<vmem>>) semaphore(%arg16 : memref<!tpu.dma_semaphore, #tpu.memory_space<semaphore_mem>>) {add = true}
    %scan3A_51 = arith.constant 0 : i32
    %scan3A_52 = arith.constant 1 : i32
    %scan3A_53 = arith.constant 19 : i32
    %scan3A_54 = arith.addi %scan3A_52, %scan3A_53 : i32
    %scan3A_55 = arith.constant 1 : i32
    scf.for %scan3A_155 = %scan3A_52 to %scan3A_54 step %scan3A_55  : i32 {
      %mul3A_156 = arith.constant 2 : i32
      %mul3A_157 = arith.muli %scan3A_155, %mul3A_156 : i32
      %add3A_158 = arith.constant 0 : i32
      %add3A_159 = arith.addi %mul3A_157, %add3A_158 : i32
      %sub3A = arith.constant 2 : i32
      %sub3A_160 = arith.subi %add3A_159, %sub3A : i32
      %dma_wait3A_161 = arith.constant 0 : i32
      %dma_wait3A_162 = tpu.memref_slice %arg7[%sub3A_160, %dma_wait3A_161] : memref<40x128xi32, #tpu.memory_space<vmem>> -> memref<1x128xi32, #tpu.memory_space<vmem>>
      %dma_wait3A_163 = tpu.memref_squeeze %dma_wait3A_162 : memref<1x128xi32, #tpu.memory_space<vmem>> -> memref<128xi32, #tpu.memory_space<vmem>>
      %dma_wait3A_164 = arith.constant 0 : i32
      %dma_wait3A_165 = arith.constant 0 : i32
      %dma_wait3A_166 = tpu.memref_slice %arg12[%dma_wait3A_164, %dma_wait3A_165] : memref<10240x128xf32, #tpu.memory_space<vmem_shared>> -> memref<10240x128xf32, #tpu.memory_space<vmem_shared>>
      tpu.wait_indirect_dma semaphore(%arg16 : memref<!tpu.dma_semaphore, #tpu.memory_space<semaphore_mem>>) src(%arg8 : memref<128x128xf32, #tpu.memory_space<vmem>>) dst(%dma_wait3A_166 : memref<10240x128xf32, #tpu.memory_space<vmem_shared>>)
      %dma_start3A_167 = arith.constant 0 : i32
      %dma_start3A_168 = tpu.memref_slice %arg6[%add3A_159, %dma_start3A_167] : memref<40x128xi32, #tpu.memory_space<vmem>> -> memref<1x128xi32, #tpu.memory_space<vmem>>
      %dma_start3A_169 = tpu.memref_squeeze %dma_start3A_168 : memref<1x128xi32, #tpu.memory_space<vmem>> -> memref<128xi32, #tpu.memory_space<vmem>>
      %dma_start3A_170 = arith.constant 0 : i32
      %dma_start3A_171 = arith.constant 0 : i32
      %dma_start3A_172 = tpu.memref_slice %arg2[%dma_start3A_170, %dma_start3A_171] : memref<10240x128xf32, #tpu.memory_space<hbm>> -> memref<10240x128xf32, #tpu.memory_space<hbm>>
      tpu.enqueue_indirect_dma source(%dma_start3A_172 : memref<10240x128xf32, #tpu.memory_space<hbm>>) target(%arg8 : memref<128x128xf32, #tpu.memory_space<vmem>>) offsets(%dma_start3A_169 : memref<128xi32, #tpu.memory_space<vmem>>) semaphore(%arg14 : memref<!tpu.dma_semaphore, #tpu.memory_space<semaphore_mem>>)
      %sub3A_173 = arith.constant 1 : i32
      %sub3A_174 = arith.subi %add3A_159, %sub3A_173 : i32
      %dma_wait3A_175 = arith.constant 0 : i32
      %dma_wait3A_176 = tpu.memref_slice %arg6[%sub3A_174, %dma_wait3A_175] : memref<40x128xi32, #tpu.memory_space<vmem>> -> memref<1x128xi32, #tpu.memory_space<vmem>>
      %dma_wait3A_177 = tpu.memref_squeeze %dma_wait3A_176 : memref<1x128xi32, #tpu.memory_space<vmem>> -> memref<128xi32, #tpu.memory_space<vmem>>
      %dma_wait3A_178 = arith.constant 0 : i32
      %dma_wait3A_179 = arith.constant 0 : i32
      %dma_wait3A_180 = tpu.memref_slice %arg2[%dma_wait3A_178, %dma_wait3A_179] : memref<10240x128xf32, #tpu.memory_space<hbm>> -> memref<10240x128xf32, #tpu.memory_space<hbm>>
      tpu.wait_indirect_dma semaphore(%arg15 : memref<!tpu.dma_semaphore, #tpu.memory_space<semaphore_mem>>) src(%dma_wait3A_180 : memref<10240x128xf32, #tpu.memory_space<hbm>>) dst(%arg9 : memref<128x128xf32, #tpu.memory_space<vmem>>)
      %sub3A_181 = arith.constant 1 : i32
      %sub3A_182 = arith.subi %add3A_159, %sub3A_181 : i32
      %dma_start3A_183 = arith.constant 0 : i32
      %dma_start3A_184 = tpu.memref_slice %arg7[%sub3A_182, %dma_start3A_183] : memref<40x128xi32, #tpu.memory_space<vmem>> -> memref<1x128xi32, #tpu.memory_space<vmem>>
      %dma_start3A_185 = tpu.memref_squeeze %dma_start3A_184 : memref<1x128xi32, #tpu.memory_space<vmem>> -> memref<128xi32, #tpu.memory_space<vmem>>
      %dma_start3A_186 = arith.constant 0 : i32
      %dma_start3A_187 = arith.constant 0 : i32
      %dma_start3A_188 = tpu.memref_slice %arg12[%dma_start3A_186, %dma_start3A_187] : memref<10240x128xf32, #tpu.memory_space<vmem_shared>> -> memref<10240x128xf32, #tpu.memory_space<vmem_shared>>
      tpu.enqueue_indirect_dma source(%arg9 : memref<128x128xf32, #tpu.memory_space<vmem>>) target(%dma_start3A_188 : memref<10240x128xf32, #tpu.memory_space<vmem_shared>>) offsets(%dma_start3A_185 : memref<128xi32, #tpu.memory_space<vmem>>) semaphore(%arg17 : memref<!tpu.dma_semaphore, #tpu.memory_space<semaphore_mem>>) {add = true}
      %mul3A_189 = arith.constant 2 : i32
      %mul3A_190 = arith.muli %scan3A_155, %mul3A_189 : i32
      %add3A_191 = arith.constant 1 : i32
      %add3A_192 = arith.addi %mul3A_190, %add3A_191 : i32
      %sub3A_193 = arith.constant 2 : i32
      %sub3A_194 = arith.subi %add3A_192, %sub3A_193 : i32
      %dma_wait3A_195 = arith.constant 0 : i32
      %dma_wait3A_196 = tpu.memref_slice %arg7[%sub3A_194, %dma_wait3A_195] : memref<40x128xi32, #tpu.memory_space<vmem>> -> memref<1x128xi32, #tpu.memory_space<vmem>>
      %dma_wait3A_197 = tpu.memref_squeeze %dma_wait3A_196 : memref<1x128xi32, #tpu.memory_space<vmem>> -> memref<128xi32, #tpu.memory_space<vmem>>
      %dma_wait3A_198 = arith.constant 0 : i32
      %dma_wait3A_199 = arith.constant 0 : i32
      %dma_wait3A_200 = tpu.memref_slice %arg12[%dma_wait3A_198, %dma_wait3A_199] : memref<10240x128xf32, #tpu.memory_space<vmem_shared>> -> memref<10240x128xf32, #tpu.memory_space<vmem_shared>>
      tpu.wait_indirect_dma semaphore(%arg17 : memref<!tpu.dma_semaphore, #tpu.memory_space<semaphore_mem>>) src(%arg9 : memref<128x128xf32, #tpu.memory_space<vmem>>) dst(%dma_wait3A_200 : memref<10240x128xf32, #tpu.memory_space<vmem_shared>>)
      %dma_start3A_201 = arith.constant 0 : i32
      %dma_start3A_202 = tpu.memref_slice %arg6[%add3A_192, %dma_start3A_201] : memref<40x128xi32, #tpu.memory_space<vmem>> -> memref<1x128xi32, #tpu.memory_space<vmem>>
      %dma_start3A_203 = tpu.memref_squeeze %dma_start3A_202 : memref<1x128xi32, #tpu.memory_space<vmem>> -> memref<128xi32, #tpu.memory_space<vmem>>
      %dma_start3A_204 = arith.constant 0 : i32
      %dma_start3A_205 = arith.constant 0 : i32
      %dma_start3A_206 = tpu.memref_slice %arg2[%dma_start3A_204, %dma_start3A_205] : memref<10240x128xf32, #tpu.memory_space<hbm>> -> memref<10240x128xf32, #tpu.memory_space<hbm>>
      tpu.enqueue_indirect_dma source(%dma_start3A_206 : memref<10240x128xf32, #tpu.memory_space<hbm>>) target(%arg9 : memref<128x128xf32, #tpu.memory_space<vmem>>) offsets(%dma_start3A_203 : memref<128xi32, #tpu.memory_space<vmem>>) semaphore(%arg15 : memref<!tpu.dma_semaphore, #tpu.memory_space<semaphore_mem>>)
      %sub3A_207 = arith.constant 1 : i32
      %sub3A_208 = arith.subi %add3A_192, %sub3A_207 : i32
      %dma_wait3A_209 = arith.constant 0 : i32
      %dma_wait3A_210 = tpu.memref_slice %arg6[%sub3A_208, %dma_wait3A_209] : memref<40x128xi32, #tpu.memory_space<vmem>> -> memref<1x128xi32, #tpu.memory_space<vmem>>
      %dma_wait3A_211 = tpu.memref_squeeze %dma_wait3A_210 : memref<1x128xi32, #tpu.memory_space<vmem>> -> memref<128xi32, #tpu.memory_space<vmem>>
      %dma_wait3A_212 = arith.constant 0 : i32
      %dma_wait3A_213 = arith.constant 0 : i32
      %dma_wait3A_214 = tpu.memref_slice %arg2[%dma_wait3A_212, %dma_wait3A_213] : memref<10240x128xf32, #tpu.memory_space<hbm>> -> memref<10240x128xf32, #tpu.memory_space<hbm>>
      tpu.wait_indirect_dma semaphore(%arg14 : memref<!tpu.dma_semaphore, #tpu.memory_space<semaphore_mem>>) src(%dma_wait3A_214 : memref<10240x128xf32, #tpu.memory_space<hbm>>) dst(%arg8 : memref<128x128xf32, #tpu.memory_space<vmem>>)
      %sub3A_215 = arith.constant 1 : i32
      %sub3A_216 = arith.subi %add3A_192, %sub3A_215 : i32
      %dma_start3A_217 = arith.constant 0 : i32
      %dma_start3A_218 = tpu.memref_slice %arg7[%sub3A_216, %dma_start3A_217] : memref<40x128xi32, #tpu.memory_space<vmem>> -> memref<1x128xi32, #tpu.memory_space<vmem>>
      %dma_start3A_219 = tpu.memref_squeeze %dma_start3A_218 : memref<1x128xi32, #tpu.memory_space<vmem>> -> memref<128xi32, #tpu.memory_space<vmem>>
      %dma_start3A_220 = arith.constant 0 : i32
      %dma_start3A_221 = arith.constant 0 : i32
      %dma_start3A_222 = tpu.memref_slice %arg12[%dma_start3A_220, %dma_start3A_221] : memref<10240x128xf32, #tpu.memory_space<vmem_shared>> -> memref<10240x128xf32, #tpu.memory_space<vmem_shared>>
      tpu.enqueue_indirect_dma source(%arg8 : memref<128x128xf32, #tpu.memory_space<vmem>>) target(%dma_start3A_222 : memref<10240x128xf32, #tpu.memory_space<vmem_shared>>) offsets(%dma_start3A_219 : memref<128xi32, #tpu.memory_space<vmem>>) semaphore(%arg16 : memref<!tpu.dma_semaphore, #tpu.memory_space<semaphore_mem>>) {add = true}
    }
    %scan3A_56 = arith.constant 19 : i32
    %dma_wait3A_57 = arith.constant 39 : i32
    %dma_wait3A_58 = arith.constant 0 : i32
    %dma_wait3A_59 = tpu.memref_slice %arg6[%dma_wait3A_57, %dma_wait3A_58] : memref<40x128xi32, #tpu.memory_space<vmem>> -> memref<1x128xi32, #tpu.memory_space<vmem>>
    %dma_wait3A_60 = tpu.memref_squeeze %dma_wait3A_59 : memref<1x128xi32, #tpu.memory_space<vmem>> -> memref<128xi32, #tpu.memory_space<vmem>>
    %dma_wait3A_61 = arith.constant 0 : i32
    %dma_wait3A_62 = arith.constant 0 : i32
    %dma_wait3A_63 = tpu.memref_slice %arg2[%dma_wait3A_61, %dma_wait3A_62] : memref<10240x128xf32, #tpu.memory_space<hbm>> -> memref<10240x128xf32, #tpu.memory_space<hbm>>
    tpu.wait_indirect_dma semaphore(%arg15 : memref<!tpu.dma_semaphore, #tpu.memory_space<semaphore_mem>>) src(%dma_wait3A_63 : memref<10240x128xf32, #tpu.memory_space<hbm>>) dst(%arg9 : memref<128x128xf32, #tpu.memory_space<vmem>>)
    %dma_start3A_64 = arith.constant 39 : i32
    %dma_start3A_65 = arith.constant 0 : i32
    %dma_start3A_66 = tpu.memref_slice %arg7[%dma_start3A_64, %dma_start3A_65] : memref<40x128xi32, #tpu.memory_space<vmem>> -> memref<1x128xi32, #tpu.memory_space<vmem>>
    %dma_start3A_67 = tpu.memref_squeeze %dma_start3A_66 : memref<1x128xi32, #tpu.memory_space<vmem>> -> memref<128xi32, #tpu.memory_space<vmem>>
    %dma_start3A_68 = arith.constant 0 : i32
    %dma_start3A_69 = arith.constant 0 : i32
    %dma_start3A_70 = tpu.memref_slice %arg12[%dma_start3A_68, %dma_start3A_69] : memref<10240x128xf32, #tpu.memory_space<vmem_shared>> -> memref<10240x128xf32, #tpu.memory_space<vmem_shared>>
    tpu.enqueue_indirect_dma source(%arg9 : memref<128x128xf32, #tpu.memory_space<vmem>>) target(%dma_start3A_70 : memref<10240x128xf32, #tpu.memory_space<vmem_shared>>) offsets(%dma_start3A_67 : memref<128xi32, #tpu.memory_space<vmem>>) semaphore(%arg17 : memref<!tpu.dma_semaphore, #tpu.memory_space<semaphore_mem>>) {add = true}
    %dma_wait3A_71 = arith.constant 38 : i32
    %dma_wait3A_72 = arith.constant 0 : i32
    %dma_wait3A_73 = tpu.memref_slice %arg7[%dma_wait3A_71, %dma_wait3A_72] : memref<40x128xi32, #tpu.memory_space<vmem>> -> memref<1x128xi32, #tpu.memory_space<vmem>>
    %dma_wait3A_74 = tpu.memref_squeeze %dma_wait3A_73 : memref<1x128xi32, #tpu.memory_space<vmem>> -> memref<128xi32, #tpu.memory_space<vmem>>
    %dma_wait3A_75 = arith.constant 0 : i32
    %dma_wait3A_76 = arith.constant 0 : i32
    %dma_wait3A_77 = tpu.memref_slice %arg12[%dma_wait3A_75, %dma_wait3A_76] : memref<10240x128xf32, #tpu.memory_space<vmem_shared>> -> memref<10240x128xf32, #tpu.memory_space<vmem_shared>>
    tpu.wait_indirect_dma semaphore(%arg16 : memref<!tpu.dma_semaphore, #tpu.memory_space<semaphore_mem>>) src(%arg8 : memref<128x128xf32, #tpu.memory_space<vmem>>) dst(%dma_wait3A_77 : memref<10240x128xf32, #tpu.memory_space<vmem_shared>>)
    %dma_wait3A_78 = arith.constant 39 : i32
    %dma_wait3A_79 = arith.constant 0 : i32
    %dma_wait3A_80 = tpu.memref_slice %arg7[%dma_wait3A_78, %dma_wait3A_79] : memref<40x128xi32, #tpu.memory_space<vmem>> -> memref<1x128xi32, #tpu.memory_space<vmem>>
    %dma_wait3A_81 = tpu.memref_squeeze %dma_wait3A_80 : memref<1x128xi32, #tpu.memory_space<vmem>> -> memref<128xi32, #tpu.memory_space<vmem>>
    %dma_wait3A_82 = arith.constant 0 : i32
    %dma_wait3A_83 = arith.constant 0 : i32
    %dma_wait3A_84 = tpu.memref_slice %arg12[%dma_wait3A_82, %dma_wait3A_83] : memref<10240x128xf32, #tpu.memory_space<vmem_shared>> -> memref<10240x128xf32, #tpu.memory_space<vmem_shared>>
    tpu.wait_indirect_dma semaphore(%arg17 : memref<!tpu.dma_semaphore, #tpu.memory_space<semaphore_mem>>) src(%arg9 : memref<128x128xf32, #tpu.memory_space<vmem>>) dst(%dma_wait3A_84 : memref<10240x128xf32, #tpu.memory_space<vmem_shared>>)
    %mul3A_85 = arith.constant 80 : i32
    %mul3A_86 = arith.muli %add3A, %mul3A_85 : i32
    %add3A_87 = arith.constant 40 : i32
    %add3A_88 = arith.addi %mul3A_86, %add3A_87 : i32
    "tpu.region"() ({
      %run_scoped3A = tpu.sem_alloc : memref<!tpu.dma_semaphore, #tpu.memory_space<semaphore_mem>>
      %dma_start3A_155 = arith.constant 0 : i32
      %dma_start3A_156 = tpu.memref_slice %arg3[%add3A_88, %dma_start3A_155] : memref<2560x128xi32, #tpu.memory_space<hbm>> -> memref<40x128xi32, #tpu.memory_space<hbm>>
      %dma_start3A_157 = arith.constant 0 : i32
      %dma_start3A_158 = tpu.memref_slice %arg3[%add3A_88, %dma_start3A_157] : memref<2560x128xi32, #tpu.memory_space<hbm>> -> memref<40x128xi32, #tpu.memory_space<hbm>>
      tpu.enqueue_dma source(%dma_start3A_158 : memref<40x128xi32, #tpu.memory_space<hbm>>) target(%arg6 : memref<40x128xi32, #tpu.memory_space<vmem>>) target_semaphore(%run_scoped3A : memref<!tpu.dma_semaphore, #tpu.memory_space<semaphore_mem>>)
      %dma_wait3A_159 = arith.constant 0 : i32
      %dma_wait3A_160 = tpu.memref_slice %arg3[%add3A_88, %dma_wait3A_159] : memref<2560x128xi32, #tpu.memory_space<hbm>> -> memref<40x128xi32, #tpu.memory_space<hbm>>
      %dma_wait3A_161 = arith.constant 0 : i32
      %dma_wait3A_162 = tpu.memref_slice %arg3[%add3A_88, %dma_wait3A_161] : memref<2560x128xi32, #tpu.memory_space<hbm>> -> memref<40x128xi32, #tpu.memory_space<hbm>>
      tpu.wait_dma2 semaphore(%run_scoped3A : memref<!tpu.dma_semaphore, #tpu.memory_space<semaphore_mem>>) src(%dma_wait3A_162 : memref<40x128xi32, #tpu.memory_space<hbm>>) dst(%arg6 : memref<40x128xi32, #tpu.memory_space<vmem>>)
      tpu.yield
    }) : () -> ()
    "tpu.region"() ({
      %run_scoped3A = tpu.sem_alloc : memref<!tpu.dma_semaphore, #tpu.memory_space<semaphore_mem>>
      %dma_start3A_155 = arith.constant 0 : i32
      %dma_start3A_156 = tpu.memref_slice %arg4[%add3A_88, %dma_start3A_155] : memref<2560x128xi32, #tpu.memory_space<hbm>> -> memref<40x128xi32, #tpu.memory_space<hbm>>
      %dma_start3A_157 = arith.constant 0 : i32
      %dma_start3A_158 = tpu.memref_slice %arg4[%add3A_88, %dma_start3A_157] : memref<2560x128xi32, #tpu.memory_space<hbm>> -> memref<40x128xi32, #tpu.memory_space<hbm>>
      tpu.enqueue_dma source(%dma_start3A_158 : memref<40x128xi32, #tpu.memory_space<hbm>>) target(%arg7 : memref<40x128xi32, #tpu.memory_space<vmem>>) target_semaphore(%run_scoped3A : memref<!tpu.dma_semaphore, #tpu.memory_space<semaphore_mem>>)
      %dma_wait3A_159 = arith.constant 0 : i32
      %dma_wait3A_160 = tpu.memref_slice %arg4[%add3A_88, %dma_wait3A_159] : memref<2560x128xi32, #tpu.memory_space<hbm>> -> memref<40x128xi32, #tpu.memory_space<hbm>>
      %dma_wait3A_161 = arith.constant 0 : i32
      %dma_wait3A_162 = tpu.memref_slice %arg4[%add3A_88, %dma_wait3A_161] : memref<2560x128xi32, #tpu.memory_space<hbm>> -> memref<40x128xi32, #tpu.memory_space<hbm>>
      tpu.wait_dma2 semaphore(%run_scoped3A : memref<!tpu.dma_semaphore, #tpu.memory_space<semaphore_mem>>) src(%dma_wait3A_162 : memref<40x128xi32, #tpu.memory_space<hbm>>) dst(%arg7 : memref<40x128xi32, #tpu.memory_space<vmem>>)
      tpu.yield
    }) : () -> ()
    %dma_start3A_89 = arith.constant 0 : i32
    %dma_start3A_90 = arith.constant 0 : i32
    %dma_start3A_91 = tpu.memref_slice %arg6[%dma_start3A_89, %dma_start3A_90] : memref<40x128xi32, #tpu.memory_space<vmem>> -> memref<1x128xi32, #tpu.memory_space<vmem>>
    %dma_start3A_92 = tpu.memref_squeeze %dma_start3A_91 : memref<1x128xi32, #tpu.memory_space<vmem>> -> memref<128xi32, #tpu.memory_space<vmem>>
    %dma_start3A_93 = arith.constant 0 : i32
    %dma_start3A_94 = arith.constant 0 : i32
    %dma_start3A_95 = tpu.memref_slice %arg2[%dma_start3A_93, %dma_start3A_94] : memref<10240x128xf32, #tpu.memory_space<hbm>> -> memref<10240x128xf32, #tpu.memory_space<hbm>>
    tpu.enqueue_indirect_dma source(%dma_start3A_95 : memref<10240x128xf32, #tpu.memory_space<hbm>>) target(%arg8 : memref<128x128xf32, #tpu.memory_space<vmem>>) offsets(%dma_start3A_92 : memref<128xi32, #tpu.memory_space<vmem>>) semaphore(%arg14 : memref<!tpu.dma_semaphore, #tpu.memory_space<semaphore_mem>>)
    %dma_start3A_96 = arith.constant 1 : i32
    %dma_start3A_97 = arith.constant 0 : i32
    %dma_start3A_98 = tpu.memref_slice %arg6[%dma_start3A_96, %dma_start3A_97] : memref<40x128xi32, #tpu.memory_space<vmem>> -> memref<1x128xi32, #tpu.memory_space<vmem>>
    %dma_start3A_99 = tpu.memref_squeeze %dma_start3A_98 : memref<1x128xi32, #tpu.memory_space<vmem>> -> memref<128xi32, #tpu.memory_space<vmem>>
    %dma_start3A_100 = arith.constant 0 : i32
    %dma_start3A_101 = arith.constant 0 : i32
    %dma_start3A_102 = tpu.memref_slice %arg2[%dma_start3A_100, %dma_start3A_101] : memref<10240x128xf32, #tpu.memory_space<hbm>> -> memref<10240x128xf32, #tpu.memory_space<hbm>>
    tpu.enqueue_indirect_dma source(%dma_start3A_102 : memref<10240x128xf32, #tpu.memory_space<hbm>>) target(%arg9 : memref<128x128xf32, #tpu.memory_space<vmem>>) offsets(%dma_start3A_99 : memref<128xi32, #tpu.memory_space<vmem>>) semaphore(%arg15 : memref<!tpu.dma_semaphore, #tpu.memory_space<semaphore_mem>>)
    %dma_wait3A_103 = arith.constant 0 : i32
    %dma_wait3A_104 = arith.constant 0 : i32
    %dma_wait3A_105 = tpu.memref_slice %arg6[%dma_wait3A_103, %dma_wait3A_104] : memref<40x128xi32, #tpu.memory_space<vmem>> -> memref<1x128xi32, #tpu.memory_space<vmem>>
    %dma_wait3A_106 = tpu.memref_squeeze %dma_wait3A_105 : memref<1x128xi32, #tpu.memory_space<vmem>> -> memref<128xi32, #tpu.memory_space<vmem>>
    %dma_wait3A_107 = arith.constant 0 : i32
    %dma_wait3A_108 = arith.constant 0 : i32
    %dma_wait3A_109 = tpu.memref_slice %arg2[%dma_wait3A_107, %dma_wait3A_108] : memref<10240x128xf32, #tpu.memory_space<hbm>> -> memref<10240x128xf32, #tpu.memory_space<hbm>>
    tpu.wait_indirect_dma semaphore(%arg14 : memref<!tpu.dma_semaphore, #tpu.memory_space<semaphore_mem>>) src(%dma_wait3A_109 : memref<10240x128xf32, #tpu.memory_space<hbm>>) dst(%arg8 : memref<128x128xf32, #tpu.memory_space<vmem>>)
    %dma_start3A_110 = arith.constant 0 : i32
    %dma_start3A_111 = arith.constant 0 : i32
    %dma_start3A_112 = tpu.memref_slice %arg7[%dma_start3A_110, %dma_start3A_111] : memref<40x128xi32, #tpu.memory_space<vmem>> -> memref<1x128xi32, #tpu.memory_space<vmem>>
    %dma_start3A_113 = tpu.memref_squeeze %dma_start3A_112 : memref<1x128xi32, #tpu.memory_space<vmem>> -> memref<128xi32, #tpu.memory_space<vmem>>
    %dma_start3A_114 = arith.constant 0 : i32
    %dma_start3A_115 = arith.constant 0 : i32
    %dma_start3A_116 = tpu.memref_slice %arg12[%dma_start3A_114, %dma_start3A_115] : memref<10240x128xf32, #tpu.memory_space<vmem_shared>> -> memref<10240x128xf32, #tpu.memory_space<vmem_shared>>
    tpu.enqueue_indirect_dma source(%arg8 : memref<128x128xf32, #tpu.memory_space<vmem>>) target(%dma_start3A_116 : memref<10240x128xf32, #tpu.memory_space<vmem_shared>>) offsets(%dma_start3A_113 : memref<128xi32, #tpu.memory_space<vmem>>) semaphore(%arg16 : memref<!tpu.dma_semaphore, #tpu.memory_space<semaphore_mem>>) {add = true}
    %scan3A_117 = arith.constant 0 : i32
    %scan3A_118 = arith.constant 1 : i32
    %scan3A_119 = arith.constant 19 : i32
    %scan3A_120 = arith.addi %scan3A_118, %scan3A_119 : i32
    %scan3A_121 = arith.constant 1 : i32
    scf.for %scan3A_155 = %scan3A_118 to %scan3A_120 step %scan3A_121  : i32 {
      %mul3A_156 = arith.constant 2 : i32
      %mul3A_157 = arith.muli %scan3A_155, %mul3A_156 : i32
      %add3A_158 = arith.constant 0 : i32
      %add3A_159 = arith.addi %mul3A_157, %add3A_158 : i32
      %sub3A = arith.constant 2 : i32
      %sub3A_160 = arith.subi %add3A_159, %sub3A : i32
      %dma_wait3A_161 = arith.constant 0 : i32
      %dma_wait3A_162 = tpu.memref_slice %arg7[%sub3A_160, %dma_wait3A_161] : memref<40x128xi32, #tpu.memory_space<vmem>> -> memref<1x128xi32, #tpu.memory_space<vmem>>
      %dma_wait3A_163 = tpu.memref_squeeze %dma_wait3A_162 : memref<1x128xi32, #tpu.memory_space<vmem>> -> memref<128xi32, #tpu.memory_space<vmem>>
      %dma_wait3A_164 = arith.constant 0 : i32
      %dma_wait3A_165 = arith.constant 0 : i32
      %dma_wait3A_166 = tpu.memref_slice %arg12[%dma_wait3A_164, %dma_wait3A_165] : memref<10240x128xf32, #tpu.memory_space<vmem_shared>> -> memref<10240x128xf32, #tpu.memory_space<vmem_shared>>
      tpu.wait_indirect_dma semaphore(%arg16 : memref<!tpu.dma_semaphore, #tpu.memory_space<semaphore_mem>>) src(%arg8 : memref<128x128xf32, #tpu.memory_space<vmem>>) dst(%dma_wait3A_166 : memref<10240x128xf32, #tpu.memory_space<vmem_shared>>)
      %dma_start3A_167 = arith.constant 0 : i32
      %dma_start3A_168 = tpu.memref_slice %arg6[%add3A_159, %dma_start3A_167] : memref<40x128xi32, #tpu.memory_space<vmem>> -> memref<1x128xi32, #tpu.memory_space<vmem>>
      %dma_start3A_169 = tpu.memref_squeeze %dma_start3A_168 : memref<1x128xi32, #tpu.memory_space<vmem>> -> memref<128xi32, #tpu.memory_space<vmem>>
      %dma_start3A_170 = arith.constant 0 : i32
      %dma_start3A_171 = arith.constant 0 : i32
      %dma_start3A_172 = tpu.memref_slice %arg2[%dma_start3A_170, %dma_start3A_171] : memref<10240x128xf32, #tpu.memory_space<hbm>> -> memref<10240x128xf32, #tpu.memory_space<hbm>>
      tpu.enqueue_indirect_dma source(%dma_start3A_172 : memref<10240x128xf32, #tpu.memory_space<hbm>>) target(%arg8 : memref<128x128xf32, #tpu.memory_space<vmem>>) offsets(%dma_start3A_169 : memref<128xi32, #tpu.memory_space<vmem>>) semaphore(%arg14 : memref<!tpu.dma_semaphore, #tpu.memory_space<semaphore_mem>>)
      %sub3A_173 = arith.constant 1 : i32
      %sub3A_174 = arith.subi %add3A_159, %sub3A_173 : i32
      %dma_wait3A_175 = arith.constant 0 : i32
      %dma_wait3A_176 = tpu.memref_slice %arg6[%sub3A_174, %dma_wait3A_175] : memref<40x128xi32, #tpu.memory_space<vmem>> -> memref<1x128xi32, #tpu.memory_space<vmem>>
      %dma_wait3A_177 = tpu.memref_squeeze %dma_wait3A_176 : memref<1x128xi32, #tpu.memory_space<vmem>> -> memref<128xi32, #tpu.memory_space<vmem>>
      %dma_wait3A_178 = arith.constant 0 : i32
      %dma_wait3A_179 = arith.constant 0 : i32
      %dma_wait3A_180 = tpu.memref_slice %arg2[%dma_wait3A_178, %dma_wait3A_179] : memref<10240x128xf32, #tpu.memory_space<hbm>> -> memref<10240x128xf32, #tpu.memory_space<hbm>>
      tpu.wait_indirect_dma semaphore(%arg15 : memref<!tpu.dma_semaphore, #tpu.memory_space<semaphore_mem>>) src(%dma_wait3A_180 : memref<10240x128xf32, #tpu.memory_space<hbm>>) dst(%arg9 : memref<128x128xf32, #tpu.memory_space<vmem>>)
      %sub3A_181 = arith.constant 1 : i32
      %sub3A_182 = arith.subi %add3A_159, %sub3A_181 : i32
      %dma_start3A_183 = arith.constant 0 : i32
      %dma_start3A_184 = tpu.memref_slice %arg7[%sub3A_182, %dma_start3A_183] : memref<40x128xi32, #tpu.memory_space<vmem>> -> memref<1x128xi32, #tpu.memory_space<vmem>>
      %dma_start3A_185 = tpu.memref_squeeze %dma_start3A_184 : memref<1x128xi32, #tpu.memory_space<vmem>> -> memref<128xi32, #tpu.memory_space<vmem>>
      %dma_start3A_186 = arith.constant 0 : i32
      %dma_start3A_187 = arith.constant 0 : i32
      %dma_start3A_188 = tpu.memref_slice %arg12[%dma_start3A_186, %dma_start3A_187] : memref<10240x128xf32, #tpu.memory_space<vmem_shared>> -> memref<10240x128xf32, #tpu.memory_space<vmem_shared>>
      tpu.enqueue_indirect_dma source(%arg9 : memref<128x128xf32, #tpu.memory_space<vmem>>) target(%dma_start3A_188 : memref<10240x128xf32, #tpu.memory_space<vmem_shared>>) offsets(%dma_start3A_185 : memref<128xi32, #tpu.memory_space<vmem>>) semaphore(%arg17 : memref<!tpu.dma_semaphore, #tpu.memory_space<semaphore_mem>>) {add = true}
      %mul3A_189 = arith.constant 2 : i32
      %mul3A_190 = arith.muli %scan3A_155, %mul3A_189 : i32
      %add3A_191 = arith.constant 1 : i32
      %add3A_192 = arith.addi %mul3A_190, %add3A_191 : i32
      %sub3A_193 = arith.constant 2 : i32
      %sub3A_194 = arith.subi %add3A_192, %sub3A_193 : i32
      %dma_wait3A_195 = arith.constant 0 : i32
      %dma_wait3A_196 = tpu.memref_slice %arg7[%sub3A_194, %dma_wait3A_195] : memref<40x128xi32, #tpu.memory_space<vmem>> -> memref<1x128xi32, #tpu.memory_space<vmem>>
      %dma_wait3A_197 = tpu.memref_squeeze %dma_wait3A_196 : memref<1x128xi32, #tpu.memory_space<vmem>> -> memref<128xi32, #tpu.memory_space<vmem>>
      %dma_wait3A_198 = arith.constant 0 : i32
      %dma_wait3A_199 = arith.constant 0 : i32
      %dma_wait3A_200 = tpu.memref_slice %arg12[%dma_wait3A_198, %dma_wait3A_199] : memref<10240x128xf32, #tpu.memory_space<vmem_shared>> -> memref<10240x128xf32, #tpu.memory_space<vmem_shared>>
      tpu.wait_indirect_dma semaphore(%arg17 : memref<!tpu.dma_semaphore, #tpu.memory_space<semaphore_mem>>) src(%arg9 : memref<128x128xf32, #tpu.memory_space<vmem>>) dst(%dma_wait3A_200 : memref<10240x128xf32, #tpu.memory_space<vmem_shared>>)
      %dma_start3A_201 = arith.constant 0 : i32
      %dma_start3A_202 = tpu.memref_slice %arg6[%add3A_192, %dma_start3A_201] : memref<40x128xi32, #tpu.memory_space<vmem>> -> memref<1x128xi32, #tpu.memory_space<vmem>>
      %dma_start3A_203 = tpu.memref_squeeze %dma_start3A_202 : memref<1x128xi32, #tpu.memory_space<vmem>> -> memref<128xi32, #tpu.memory_space<vmem>>
      %dma_start3A_204 = arith.constant 0 : i32
      %dma_start3A_205 = arith.constant 0 : i32
      %dma_start3A_206 = tpu.memref_slice %arg2[%dma_start3A_204, %dma_start3A_205] : memref<10240x128xf32, #tpu.memory_space<hbm>> -> memref<10240x128xf32, #tpu.memory_space<hbm>>
      tpu.enqueue_indirect_dma source(%dma_start3A_206 : memref<10240x128xf32, #tpu.memory_space<hbm>>) target(%arg9 : memref<128x128xf32, #tpu.memory_space<vmem>>) offsets(%dma_start3A_203 : memref<128xi32, #tpu.memory_space<vmem>>) semaphore(%arg15 : memref<!tpu.dma_semaphore, #tpu.memory_space<semaphore_mem>>)
      %sub3A_207 = arith.constant 1 : i32
      %sub3A_208 = arith.subi %add3A_192, %sub3A_207 : i32
      %dma_wait3A_209 = arith.constant 0 : i32
      %dma_wait3A_210 = tpu.memref_slice %arg6[%sub3A_208, %dma_wait3A_209] : memref<40x128xi32, #tpu.memory_space<vmem>> -> memref<1x128xi32, #tpu.memory_space<vmem>>
      %dma_wait3A_211 = tpu.memref_squeeze %dma_wait3A_210 : memref<1x128xi32, #tpu.memory_space<vmem>> -> memref<128xi32, #tpu.memory_space<vmem>>
      %dma_wait3A_212 = arith.constant 0 : i32
      %dma_wait3A_213 = arith.constant 0 : i32
      %dma_wait3A_214 = tpu.memref_slice %arg2[%dma_wait3A_212, %dma_wait3A_213] : memref<10240x128xf32, #tpu.memory_space<hbm>> -> memref<10240x128xf32, #tpu.memory_space<hbm>>
      tpu.wait_indirect_dma semaphore(%arg14 : memref<!tpu.dma_semaphore, #tpu.memory_space<semaphore_mem>>) src(%dma_wait3A_214 : memref<10240x128xf32, #tpu.memory_space<hbm>>) dst(%arg8 : memref<128x128xf32, #tpu.memory_space<vmem>>)
      %sub3A_215 = arith.constant 1 : i32
      %sub3A_216 = arith.subi %add3A_192, %sub3A_215 : i32
      %dma_start3A_217 = arith.constant 0 : i32
      %dma_start3A_218 = tpu.memref_slice %arg7[%sub3A_216, %dma_start3A_217] : memref<40x128xi32, #tpu.memory_space<vmem>> -> memref<1x128xi32, #tpu.memory_space<vmem>>
      %dma_start3A_219 = tpu.memref_squeeze %dma_start3A_218 : memref<1x128xi32, #tpu.memory_space<vmem>> -> memref<128xi32, #tpu.memory_space<vmem>>
      %dma_start3A_220 = arith.constant 0 : i32
      %dma_start3A_221 = arith.constant 0 : i32
      %dma_start3A_222 = tpu.memref_slice %arg12[%dma_start3A_220, %dma_start3A_221] : memref<10240x128xf32, #tpu.memory_space<vmem_shared>> -> memref<10240x128xf32, #tpu.memory_space<vmem_shared>>
      tpu.enqueue_indirect_dma source(%arg8 : memref<128x128xf32, #tpu.memory_space<vmem>>) target(%dma_start3A_222 : memref<10240x128xf32, #tpu.memory_space<vmem_shared>>) offsets(%dma_start3A_219 : memref<128xi32, #tpu.memory_space<vmem>>) semaphore(%arg16 : memref<!tpu.dma_semaphore, #tpu.memory_space<semaphore_mem>>) {add = true}
    }
    %scan3A_122 = arith.constant 19 : i32
    %dma_wait3A_123 = arith.constant 39 : i32
    %dma_wait3A_124 = arith.constant 0 : i32
    %dma_wait3A_125 = tpu.memref_slice %arg6[%dma_wait3A_123, %dma_wait3A_124] : memref<40x128xi32, #tpu.memory_space<vmem>> -> memref<1x128xi32, #tpu.memory_space<vmem>>
    %dma_wait3A_126 = tpu.memref_squeeze %dma_wait3A_125 : memref<1x128xi32, #tpu.memory_space<vmem>> -> memref<128xi32, #tpu.memory_space<vmem>>
    %dma_wait3A_127 = arith.constant 0 : i32
    %dma_wait3A_128 = arith.constant 0 : i32
    %dma_wait3A_129 = tpu.memref_slice %arg2[%dma_wait3A_127, %dma_wait3A_128] : memref<10240x128xf32, #tpu.memory_space<hbm>> -> memref<10240x128xf32, #tpu.memory_space<hbm>>
    tpu.wait_indirect_dma semaphore(%arg15 : memref<!tpu.dma_semaphore, #tpu.memory_space<semaphore_mem>>) src(%dma_wait3A_129 : memref<10240x128xf32, #tpu.memory_space<hbm>>) dst(%arg9 : memref<128x128xf32, #tpu.memory_space<vmem>>)
    %dma_start3A_130 = arith.constant 39 : i32
    %dma_start3A_131 = arith.constant 0 : i32
    %dma_start3A_132 = tpu.memref_slice %arg7[%dma_start3A_130, %dma_start3A_131] : memref<40x128xi32, #tpu.memory_space<vmem>> -> memref<1x128xi32, #tpu.memory_space<vmem>>
    %dma_start3A_133 = tpu.memref_squeeze %dma_start3A_132 : memref<1x128xi32, #tpu.memory_space<vmem>> -> memref<128xi32, #tpu.memory_space<vmem>>
    %dma_start3A_134 = arith.constant 0 : i32
    %dma_start3A_135 = arith.constant 0 : i32
    %dma_start3A_136 = tpu.memref_slice %arg12[%dma_start3A_134, %dma_start3A_135] : memref<10240x128xf32, #tpu.memory_space<vmem_shared>> -> memref<10240x128xf32, #tpu.memory_space<vmem_shared>>
    tpu.enqueue_indirect_dma source(%arg9 : memref<128x128xf32, #tpu.memory_space<vmem>>) target(%dma_start3A_136 : memref<10240x128xf32, #tpu.memory_space<vmem_shared>>) offsets(%dma_start3A_133 : memref<128xi32, #tpu.memory_space<vmem>>) semaphore(%arg17 : memref<!tpu.dma_semaphore, #tpu.memory_space<semaphore_mem>>) {add = true}
    %dma_wait3A_137 = arith.constant 38 : i32
    %dma_wait3A_138 = arith.constant 0 : i32
    %dma_wait3A_139 = tpu.memref_slice %arg7[%dma_wait3A_137, %dma_wait3A_138] : memref<40x128xi32, #tpu.memory_space<vmem>> -> memref<1x128xi32, #tpu.memory_space<vmem>>
    %dma_wait3A_140 = tpu.memref_squeeze %dma_wait3A_139 : memref<1x128xi32, #tpu.memory_space<vmem>> -> memref<128xi32, #tpu.memory_space<vmem>>
    %dma_wait3A_141 = arith.constant 0 : i32
    %dma_wait3A_142 = arith.constant 0 : i32
    %dma_wait3A_143 = tpu.memref_slice %arg12[%dma_wait3A_141, %dma_wait3A_142] : memref<10240x128xf32, #tpu.memory_space<vmem_shared>> -> memref<10240x128xf32, #tpu.memory_space<vmem_shared>>
    tpu.wait_indirect_dma semaphore(%arg16 : memref<!tpu.dma_semaphore, #tpu.memory_space<semaphore_mem>>) src(%arg8 : memref<128x128xf32, #tpu.memory_space<vmem>>) dst(%dma_wait3A_143 : memref<10240x128xf32, #tpu.memory_space<vmem_shared>>)
    %dma_wait3A_144 = arith.constant 39 : i32
    %dma_wait3A_145 = arith.constant 0 : i32
    %dma_wait3A_146 = tpu.memref_slice %arg7[%dma_wait3A_144, %dma_wait3A_145] : memref<40x128xi32, #tpu.memory_space<vmem>> -> memref<1x128xi32, #tpu.memory_space<vmem>>
    %dma_wait3A_147 = tpu.memref_squeeze %dma_wait3A_146 : memref<1x128xi32, #tpu.memory_space<vmem>> -> memref<128xi32, #tpu.memory_space<vmem>>
    %dma_wait3A_148 = arith.constant 0 : i32
    %dma_wait3A_149 = arith.constant 0 : i32
    %dma_wait3A_150 = tpu.memref_slice %arg12[%dma_wait3A_148, %dma_wait3A_149] : memref<10240x128xf32, #tpu.memory_space<vmem_shared>> -> memref<10240x128xf32, #tpu.memory_space<vmem_shared>>
    tpu.wait_indirect_dma semaphore(%arg17 : memref<!tpu.dma_semaphore, #tpu.memory_space<semaphore_mem>>) src(%arg9 : memref<128x128xf32, #tpu.memory_space<vmem>>) dst(%dma_wait3A_150 : memref<10240x128xf32, #tpu.memory_space<vmem_shared>>)
    %barrier3A_151 = arith.constant 0 : index
    tpu.barrier barrier_id(%barrier3A_151)
    %mul3A_152 = arith.constant 10240 : i32
    %mul3A_153 = arith.muli %arg0, %mul3A_152 : i32
    %add3A_154 = arith.addi %mul3A_153, %mul3A_10 : i32
    "tpu.region"() ({
      %run_scoped3A = tpu.sem_alloc : memref<!tpu.dma_semaphore, #tpu.memory_space<semaphore_mem>>
      %dma_start3A_155 = arith.constant 0 : i32
      %dma_start3A_156 = tpu.memref_slice %arg5[%add3A_154, %dma_start3A_155] : memref<20480x128xf32, #tpu.memory_space<hbm>> -> memref<640x128xf32, #tpu.memory_space<hbm>>
      %dma_start3A_157 = arith.constant 0 : i32
      %dma_start3A_158 = tpu.memref_slice %arg12[%mul3A_10, %dma_start3A_157] : memref<10240x128xf32, #tpu.memory_space<vmem_shared>> -> memref<640x128xf32, #tpu.memory_space<vmem_shared>>
      tpu.enqueue_dma source(%dma_start3A_158 : memref<640x128xf32, #tpu.memory_space<vmem_shared>>) target(%dma_start3A_156 : memref<640x128xf32, #tpu.memory_space<hbm>>) target_semaphore(%run_scoped3A : memref<!tpu.dma_semaphore, #tpu.memory_space<semaphore_mem>>)
      %dma_wait3A_159 = arith.constant 0 : i32
      %dma_wait3A_160 = tpu.memref_slice %arg5[%add3A_154, %dma_wait3A_159] : memref<20480x128xf32, #tpu.memory_space<hbm>> -> memref<640x128xf32, #tpu.memory_space<hbm>>
      %dma_wait3A_161 = arith.constant 0 : i32
      %dma_wait3A_162 = tpu.memref_slice %arg12[%mul3A_10, %dma_wait3A_161] : memref<10240x128xf32, #tpu.memory_space<vmem_shared>> -> memref<640x128xf32, #tpu.memory_space<vmem_shared>>
      tpu.wait_dma2 semaphore(%run_scoped3A : memref<!tpu.dma_semaphore, #tpu.memory_space<semaphore_mem>>) src(%dma_wait3A_162 : memref<640x128xf32, #tpu.memory_space<vmem_shared>>) dst(%dma_wait3A_160 : memref<640x128xf32, #tpu.memory_space<hbm>>)
      tpu.yield
    }) : () -> ()
    return
  }
}

module attributes {stable_mosaic.version = 14 : i64} {
  func.func @_tc_mid_body(%arg0: i32, %arg1: memref<2x512x128xf32, #tpu.memory_space<vmem>>, %arg2: memref<2x512x1xf32, #tpu.memory_space<vmem>>, %arg3: memref<128x128xf32, #tpu.memory_space<vmem>>, %arg4: memref<1x128xf32, #tpu.memory_space<vmem>>, %arg5: memref<512x128xf32, #tpu.memory_space<vmem>>) attributes {dimension_semantics = [#tpu.dimension_semantics<arbitrary>], iteration_bounds = array<i64: 20>, scalar_prefetch = 0 : i64, scratch_operands = 0 : i64, tpu.core_type = #tpu.core_type<tc>, window_params = [{transform_indices = @transform_0, window_bounds = array<i64: 2, 512, 128>}, {transform_indices = @transform_1, window_bounds = array<i64: 2, 512, 1>}, {pipeline_mode = #tpu.pipeline_mode<synchronous>, transform_indices = @transform_2, window_bounds = array<i64: 128, 128>}, {pipeline_mode = #tpu.pipeline_mode<synchronous>, transform_indices = @transform_3, window_bounds = array<i64: 1, 128>}, {transform_indices = @transform_4, window_bounds = array<i64: 512, 128>}]} {
    %get3A = arith.constant 0 : index
    %get3A_0 = arith.constant 0 : index
    %get3A_1 = arith.constant 0 : index
    %get3A_2 = vector.load %arg1[%get3A, %get3A_0, %get3A_1] : memref<2x512x128xf32, #tpu.memory_space<vmem>>, vector<1x512x128xf32>
    %get3A_3 = vector.shape_cast %get3A_2 : vector<1x512x128xf32> to vector<512x128xf32>
    %get3A_4 = arith.constant 1 : index
    %get3A_5 = arith.constant 0 : index
    %get3A_6 = arith.constant 0 : index
    %get3A_7 = vector.load %arg1[%get3A_4, %get3A_5, %get3A_6] : memref<2x512x128xf32, #tpu.memory_space<vmem>>, vector<1x512x128xf32>
    %get3A_8 = vector.shape_cast %get3A_7 : vector<1x512x128xf32> to vector<512x128xf32>
    %add3A = arith.addf %get3A_3, %get3A_8 : vector<512x128xf32>
    %get3A_9 = arith.constant 0 : index
    %get3A_10 = arith.constant 0 : index
    %get3A_11 = arith.constant 0 : index
    %get3A_12 = vector.load %arg2[%get3A_9, %get3A_10, %get3A_11] : memref<2x512x1xf32, #tpu.memory_space<vmem>>, vector<1x512x1xf32>
    %get3A_13 = vector.shape_cast %get3A_12 : vector<1x512x1xf32> to vector<512x1xf32>
    %get3A_14 = arith.constant 1 : index
    %get3A_15 = arith.constant 0 : index
    %get3A_16 = arith.constant 0 : index
    %get3A_17 = vector.load %arg2[%get3A_14, %get3A_15, %get3A_16] : memref<2x512x1xf32, #tpu.memory_space<vmem>>, vector<1x512x1xf32>
    %get3A_18 = vector.shape_cast %get3A_17 : vector<1x512x1xf32> to vector<512x1xf32>
    %add3A_19 = arith.addf %get3A_13, %get3A_18 : vector<512x1xf32>
    %jit3A = arith.constant 1.000000e+00 : f32
    %max3A = vector.broadcast %jit3A : f32 to vector<512x1xf32>
    %max3A_20 = arith.maximumf %max3A, %add3A_19 : vector<512x1xf32>
    %div3A = vector.broadcast %max3A_20 : vector<512x1xf32> to vector<512x128xf32>
    %div3A_21 = arith.divf %add3A, %div3A : vector<512x128xf32>
    %get3A_22 = arith.constant 0 : index
    %get3A_23 = arith.constant 0 : index
    %get3A_24 = vector.load %arg3[%get3A_22, %get3A_23] : memref<128x128xf32, #tpu.memory_space<vmem>>, vector<128x128xf32>
    %dot_general3A = arith.constant dense<0.000000e+00> : vector<512x128xf32>
    %dot_general3A_25 = tpu.matmul %div3A_21, %get3A_24, %dot_general3A {dimension_numbers = #tpu.dot_dimension_numbers<[1], [0], [0], [1], [0, 0, 1, 1], [], []>, precision = #tpu.contract_precision<fp32>, transpose_lhs_hint = false} : vector<512x128xf32>, vector<128x128xf32>, vector<512x128xf32> -> vector<512x128xf32>
    %get3A_26 = arith.constant 0 : index
    %get3A_27 = arith.constant 0 : index
    %get3A_28 = vector.load %arg4[%get3A_26, %get3A_27] : memref<1x128xf32, #tpu.memory_space<vmem>>, vector<1x128xf32>
    %add3A_29 = vector.broadcast %get3A_28 : vector<1x128xf32> to vector<512x128xf32>
    %add3A_30 = arith.addf %dot_general3A_25, %add3A_29 : vector<512x128xf32>
    %tanh3A = math.tanh %add3A_30 : vector<512x128xf32>
    %swap3A = arith.constant 0 : index
    %swap3A_31 = arith.constant 0 : index
    %swap3A_32 = vector.load %arg5[%swap3A, %swap3A_31] : memref<512x128xf32, #tpu.memory_space<vmem>>, vector<512x128xf32>
    tpu.vector_store %arg5[%swap3A, %swap3A_31], %tanh3A {strides = array<i32>} : memref<512x128xf32, #tpu.memory_space<vmem>>, vector<512x128xf32>,
    return
  }
  func.func @transform_0(%arg0: i32) -> (i32, i32, i32) {
    %c0_i32 = arith.constant 0 : i32
    %c0_i32_0 = arith.constant 0 : i32
    %c0_i32_1 = arith.constant 0 : i32
    return %c0_i32, %arg0, %c0_i32_0 : i32, i32, i32
  }
  func.func @transform_1(%arg0: i32) -> (i32, i32, i32) {
    %c0_i32 = arith.constant 0 : i32
    %c0_i32_0 = arith.constant 0 : i32
    %c0_i32_1 = arith.constant 0 : i32
    return %c0_i32, %arg0, %c0_i32_0 : i32, i32, i32
  }
  func.func @transform_2(%arg0: i32) -> (i32, i32) {
    %c0_i32 = arith.constant 0 : i32
    %c0_i32_0 = arith.constant 0 : i32
    %c0_i32_1 = arith.constant 0 : i32
    return %c0_i32, %c0_i32_0 : i32, i32
  }
  func.func @transform_3(%arg0: i32) -> (i32, i32) {
    %c0_i32 = arith.constant 0 : i32
    %c0_i32_0 = arith.constant 0 : i32
    %c0_i32_1 = arith.constant 0 : i32
    return %c0_i32, %c0_i32_0 : i32, i32
  }
  func.func @transform_4(%arg0: i32) -> (i32, i32) {
    %c0_i32 = arith.constant 0 : i32
    %c0_i32_0 = arith.constant 0 : i32
    return %arg0, %c0_i32 : i32, i32
  }
}

module attributes {stable_mosaic.version = 14 : i64} {
  func.func @_tc_final_body(%arg0: i32, %arg1: memref<2x400x128xf32, #tpu.memory_space<vmem>>, %arg2: memref<2x400x1xf32, #tpu.memory_space<vmem>>, %arg3: memref<128x128xf32, #tpu.memory_space<vmem>>, %arg4: memref<1x128xf32, #tpu.memory_space<vmem>>, %arg5: memref<400x128xf32, #tpu.memory_space<vmem>>, %arg6: memref<1x128xf32, #tpu.memory_space<vmem>>, %arg7: memref<1x128xf32, #tpu.memory_space<vmem>>, %arg8: memref<400x128xf32, #tpu.memory_space<vmem>>) attributes {dimension_semantics = [#tpu.dimension_semantics<arbitrary>], iteration_bounds = array<i64: 25>, scalar_prefetch = 0 : i64, scratch_operands = 0 : i64, tpu.core_type = #tpu.core_type<tc>, window_params = [{transform_indices = @transform_0, window_bounds = array<i64: 2, 400, 128>}, {transform_indices = @transform_1, window_bounds = array<i64: 2, 400, 1>}, {pipeline_mode = #tpu.pipeline_mode<synchronous>, transform_indices = @transform_2, window_bounds = array<i64: 128, 128>}, {pipeline_mode = #tpu.pipeline_mode<synchronous>, transform_indices = @transform_3, window_bounds = array<i64: 1, 128>}, {transform_indices = @transform_4, window_bounds = array<i64: 400, 128>}, {pipeline_mode = #tpu.pipeline_mode<synchronous>, transform_indices = @transform_5, window_bounds = array<i64: 1, 128>}, {pipeline_mode = #tpu.pipeline_mode<synchronous>, transform_indices = @transform_6, window_bounds = array<i64: 1, 128>}, {transform_indices = @transform_7, window_bounds = array<i64: 400, 128>}]} {
    %get3A = arith.constant 0 : index
    %get3A_0 = arith.constant 0 : index
    %get3A_1 = arith.constant 0 : index
    %get3A_2 = vector.load %arg1[%get3A, %get3A_0, %get3A_1] : memref<2x400x128xf32, #tpu.memory_space<vmem>>, vector<1x400x128xf32>
    %get3A_3 = vector.shape_cast %get3A_2 : vector<1x400x128xf32> to vector<400x128xf32>
    %get3A_4 = arith.constant 1 : index
    %get3A_5 = arith.constant 0 : index
    %get3A_6 = arith.constant 0 : index
    %get3A_7 = vector.load %arg1[%get3A_4, %get3A_5, %get3A_6] : memref<2x400x128xf32, #tpu.memory_space<vmem>>, vector<1x400x128xf32>
    %get3A_8 = vector.shape_cast %get3A_7 : vector<1x400x128xf32> to vector<400x128xf32>
    %add3A = arith.addf %get3A_3, %get3A_8 : vector<400x128xf32>
    %get3A_9 = arith.constant 0 : index
    %get3A_10 = arith.constant 0 : index
    %get3A_11 = arith.constant 0 : index
    %get3A_12 = vector.load %arg2[%get3A_9, %get3A_10, %get3A_11] : memref<2x400x1xf32, #tpu.memory_space<vmem>>, vector<1x400x1xf32>
    %get3A_13 = vector.shape_cast %get3A_12 : vector<1x400x1xf32> to vector<400x1xf32>
    %get3A_14 = arith.constant 1 : index
    %get3A_15 = arith.constant 0 : index
    %get3A_16 = arith.constant 0 : index
    %get3A_17 = vector.load %arg2[%get3A_14, %get3A_15, %get3A_16] : memref<2x400x1xf32, #tpu.memory_space<vmem>>, vector<1x400x1xf32>
    %get3A_18 = vector.shape_cast %get3A_17 : vector<1x400x1xf32> to vector<400x1xf32>
    %add3A_19 = arith.addf %get3A_13, %get3A_18 : vector<400x1xf32>
    %jit3A = arith.constant 1.000000e+00 : f32
    %max3A = vector.broadcast %jit3A : f32 to vector<400x1xf32>
    %max3A_20 = arith.maximumf %max3A, %add3A_19 : vector<400x1xf32>
    %div3A = vector.broadcast %max3A_20 : vector<400x1xf32> to vector<400x128xf32>
    %div3A_21 = arith.divf %add3A, %div3A : vector<400x128xf32>
    %get3A_22 = arith.constant 0 : index
    %get3A_23 = arith.constant 0 : index
    %get3A_24 = vector.load %arg3[%get3A_22, %get3A_23] : memref<128x128xf32, #tpu.memory_space<vmem>>, vector<128x128xf32>
    %dot_general3A = arith.constant dense<0.000000e+00> : vector<400x128xf32>
    %dot_general3A_25 = tpu.matmul %div3A_21, %get3A_24, %dot_general3A {dimension_numbers = #tpu.dot_dimension_numbers<[1], [0], [0], [1], [0, 0, 1, 1], [], []>, precision = #tpu.contract_precision<fp32>, transpose_lhs_hint = false} : vector<400x128xf32>, vector<128x128xf32>, vector<400x128xf32> -> vector<400x128xf32>
    %get3A_26 = arith.constant 0 : index
    %get3A_27 = arith.constant 0 : index
    %get3A_28 = vector.load %arg4[%get3A_26, %get3A_27] : memref<1x128xf32, #tpu.memory_space<vmem>>, vector<1x128xf32>
    %add3A_29 = vector.broadcast %get3A_28 : vector<1x128xf32> to vector<400x128xf32>
    %add3A_30 = arith.addf %dot_general3A_25, %add3A_29 : vector<400x128xf32>
    %tanh3A = math.tanh %add3A_30 : vector<400x128xf32>
    %get3A_31 = arith.constant 0 : index
    %get3A_32 = arith.constant 0 : index
    %get3A_33 = vector.load %arg5[%get3A_31, %get3A_32] : memref<400x128xf32, #tpu.memory_space<vmem>>, vector<400x128xf32>
    %add3A_34 = arith.addf %get3A_33, %tanh3A : vector<400x128xf32>
    %reduce_sum3A = arith.constant dense<0.000000e+00> : vector<400xf32>
    %reduce_sum3A_35 = vector.multi_reduction <add>, %add3A_34, %reduce_sum3A [1] : vector<400x128xf32> to vector<400xf32>
    %broadcast_in_dim3A = vector.shape_cast %reduce_sum3A_35 : vector<400xf32> to vector<400x1xf32>
    %div3A_36 = arith.constant 1.280000e+02 : f32
    %div3A_37 = vector.broadcast %div3A_36 : f32 to vector<400x1xf32>
    %div3A_38 = arith.divf %broadcast_in_dim3A, %div3A_37 : vector<400x1xf32>
    %sub3A = vector.broadcast %div3A_38 : vector<400x1xf32> to vector<400x128xf32>
    %sub3A_39 = arith.subf %add3A_34, %sub3A : vector<400x128xf32>
    %mul3A = arith.mulf %sub3A_39, %sub3A_39 : vector<400x128xf32>
    %reduce_sum3A_40 = arith.constant dense<0.000000e+00> : vector<400xf32>
    %reduce_sum3A_41 = vector.multi_reduction <add>, %mul3A, %reduce_sum3A_40 [1] : vector<400x128xf32> to vector<400xf32>
    %broadcast_in_dim3A_42 = vector.shape_cast %reduce_sum3A_41 : vector<400xf32> to vector<400x1xf32>
    %div3A_43 = arith.constant 1.280000e+02 : f32
    %div3A_44 = vector.broadcast %div3A_43 : f32 to vector<400x1xf32>
    %div3A_45 = arith.divf %broadcast_in_dim3A_42, %div3A_44 : vector<400x1xf32>
    %add3A_46 = arith.constant 9.99999974E-6 : f32
    %add3A_47 = vector.broadcast %add3A_46 : f32 to vector<400x1xf32>
    %add3A_48 = arith.addf %div3A_45, %add3A_47 : vector<400x1xf32>
    %rsqrt3A = math.rsqrt %add3A_48 : vector<400x1xf32>
    %mul3A_49 = vector.broadcast %rsqrt3A : vector<400x1xf32> to vector<400x128xf32>
    %mul3A_50 = arith.mulf %sub3A_39, %mul3A_49 : vector<400x128xf32>
    %get3A_51 = arith.constant 0 : index
    %get3A_52 = arith.constant 0 : index
    %get3A_53 = vector.load %arg6[%get3A_51, %get3A_52] : memref<1x128xf32, #tpu.memory_space<vmem>>, vector<1x128xf32>
    %mul3A_54 = vector.broadcast %get3A_53 : vector<1x128xf32> to vector<400x128xf32>
    %mul3A_55 = arith.mulf %mul3A_50, %mul3A_54 : vector<400x128xf32>
    %get3A_56 = arith.constant 0 : index
    %get3A_57 = arith.constant 0 : index
    %get3A_58 = vector.load %arg7[%get3A_56, %get3A_57] : memref<1x128xf32, #tpu.memory_space<vmem>>, vector<1x128xf32>
    %add3A_59 = vector.broadcast %get3A_58 : vector<1x128xf32> to vector<400x128xf32>
    %add3A_60 = arith.addf %mul3A_55, %add3A_59 : vector<400x128xf32>
    %swap3A = arith.constant 0 : index
    %swap3A_61 = arith.constant 0 : index
    %swap3A_62 = vector.load %arg8[%swap3A, %swap3A_61] : memref<400x128xf32, #tpu.memory_space<vmem>>, vector<400x128xf32>
    tpu.vector_store %arg8[%swap3A, %swap3A_61], %add3A_60 {strides = array<i32>} : memref<400x128xf32, #tpu.memory_space<vmem>>, vector<400x128xf32>,
    return
  }
  func.func @transform_0(%arg0: i32) -> (i32, i32, i32) {
    %c0_i32 = arith.constant 0 : i32
    %c0_i32_0 = arith.constant 0 : i32
    %c0_i32_1 = arith.constant 0 : i32
    return %c0_i32, %arg0, %c0_i32_0 : i32, i32, i32
  }
  func.func @transform_1(%arg0: i32) -> (i32, i32, i32) {
    %c0_i32 = arith.constant 0 : i32
    %c0_i32_0 = arith.constant 0 : i32
    %c0_i32_1 = arith.constant 0 : i32
    return %c0_i32, %arg0, %c0_i32_0 : i32, i32, i32
  }
  func.func @transform_2(%arg0: i32) -> (i32, i32) {
    %c0_i32 = arith.constant 0 : i32
    %c0_i32_0 = arith.constant 0 : i32
    %c0_i32_1 = arith.constant 0 : i32
    return %c0_i32, %c0_i32_0 : i32, i32
  }
  func.func @transform_3(%arg0: i32) -> (i32, i32) {
    %c0_i32 = arith.constant 0 : i32
    %c0_i32_0 = arith.constant 0 : i32
    %c0_i32_1 = arith.constant 0 : i32
    return %c0_i32, %c0_i32_0 : i32, i32
  }
  func.func @transform_4(%arg0: i32) -> (i32, i32) {
    %c0_i32 = arith.constant 0 : i32
    %c0_i32_0 = arith.constant 0 : i32
    return %arg0, %c0_i32 : i32, i32
  }
  func.func @transform_5(%arg0: i32) -> (i32, i32) {
    %c0_i32 = arith.constant 0 : i32
    %c0_i32_0 = arith.constant 0 : i32
    %c0_i32_1 = arith.constant 0 : i32
    return %c0_i32, %c0_i32_0 : i32, i32
  }
  func.func @transform_6(%arg0: i32) -> (i32, i32) {
    %c0_i32 = arith.constant 0 : i32
    %c0_i32_0 = arith.constant 0 : i32
    %c0_i32_1 = arith.constant 0 : i32
    return %c0_i32, %c0_i32_0 : i32, i32
  }
  func.func @transform_7(%arg0: i32) -> (i32, i32) {
    %c0_i32 = arith.constant 0 : i32
    %c0_i32_0 = arith.constant 0 : i32
    return %arg0, %c0_i32 : i32, i32
  }
}

</mosaic_0001>

<sc_bundles>
// kernel: kernel.6.cloned.1.call-start
scs
__scs_entry_jumppad:
0x0: {  	(pc) =	sbr.rel $0x88, $3  }
0x1: {  	(tag) =	ssettag $0x0;
	lr =	simm.s32 $0x1  }
0x2: {  	[smem:$0x3F99] =	sst lr;
	_ =	strace $0xD0000000  }
0x3: {  	_ = 	snop  }
0x4: {  	_ = 	snop  }
0x5: {  	_ = 	snop  }
0x6: {  	_ = 	snop  }
0x7: {  	_ = 	snop  }
__scs_overlays_trampoline_lowered:
0x8: {  	[smem:$0x3FA8] =	sst s0  }
0x9: {  	[smem:$0x3FA9] =	sst s1  }
0xa: {  	[smem:$0x3FAA] =	sst s2  }
0xb: {  	[smem:$0x3FAB] =	sst s3  }
0xc: {  	[smem:$0x3FAC] =	sst s4  }
0xd: {  	[smem:$0x3FAD] =	sst s5  }
0xe: {  	[smem:$0x3FAE] =	sst s6  }
0xf: {  	[smem:$0x3FAF] =	sst s7  }
0x10: {  	[smem:$0x3FB0] =	sst s8  }
0x11: {  	[smem:$0x3FB1] =	sst s9;
	s0 =	simm.s32 @!p0 $0x0  }
0x12: {  	s1 =	sld [smem:$0x3F97];
	s0 =	simm.s32 @p0 $0x1  }
0x13: {  	[smem:$0x3FB2] =	sst s0;
	s0 =	simm.s32 @!p1 $0x0  }
0x14: {  	s2 =	sld [smem:$0x3F96];
	s0 =	simm.s32 @p1 $0x1  }
0x15: {  	[smem:$0x3FB3] =	sst s0;
	s0 =	simm.s32 @!p2 $0x0  }
0x16: {  	s3 =	sld [smem:$0x3FDB];
	s0 =	simm.s32 @p2 $0x1  }
0x17: {  	s4 =	simm.s32 $0x1BF5;
	[smem:$0x3FB5] =	sst s0  }
0x18: {  	s0 =	sld [smem:$0x3F98];
	_ =	swait.ge [sflag:s4], $0x0  }
0x19: {  	s7 =	sld [smem:$0x3F99]  }
0x1a: {  	s8 =	sadd.s32 $0xFFFFE003, lr  }
0x1b: {  	s9 =	sadd.s32 $0xFFFFFEF7, lr;
	s5 =	simm.s32 $0xFFFFFFFF;
	p2 =	slt.u32 s8, $0xFFFFF086  }
0x1c: {  	p1 =	slt.u32 s9, $0xF7A;
	s5 =	simm.s32 @!p2 $0x0  }
0x1d: {  	s5 =	simm.s32 @p1 $0x1;
	p0 =	seq.s32 s7, s2  }
0x1e: {  	s7 =	smul.u32 @!p0 $0xF7A, s2;
	p2 =	seq.s32 @!p0 s5, $0x0  }
0x1f: {  	s9 =	smul.u32 $0xF7A, s1;
	s8 =	simm.s32 @!p0 $0x1BF5;
	p2 =	por !p2, p0  }
0x20: {  	[sflag:s8] =	ssyncset.s32 @!p0 $0xFFFFF086;
	s6 =	sadd.s32 @!p0 s3, s7;
	s7 =	simm.s32 @!p0 $0x108  }
0x21: {  	s3 =	sadd.s32 s3, s9;
	s6 =	sadd.s32 @!p0 $0x88, s6;
	s7 =	simm.s32 @p2 $0x1082  }
0x22: {  	[simem:s7], [sflag:s8] =	dma.local @!p0 [hbm:s6], $0xF7A  }
0x23: {  	s9 =	sor.u32 $0xD0000000, s2;
	s6 =	simm.s32 $0x108;
	_ =	swait.ge @!p0 [sflag:s8], $0x0  }
0x24: {  	s3 =	sadd.s32 $0x88, s3;
	s6 =	simm.s32 @!p1 $0x1082;
	[sflag:s4] =	ssyncset.s32 $0xFFFFF086  }
0x25: {  	[simem:s6], [sflag:s4] =	dma.local [hbm:s3], $0xF7A  }
0x26: {  	[smem:$0x3F99] =	sst s1;
	(tag) =	ssettag s2;
	_ =	strace s9  }
0x27: {  	s1 =	sld [smem:$0x3FA9]  }
0x28: {  	s2 =	sld [smem:$0x3FAA]  }
0x29: {  	s4 =	sld [smem:$0x3FAC]  }
0x2a: {  	p0 =	seq.s32 s5, $0x0;
	s5 =	sld [smem:$0x3FAD]  }
0x2b: {  	s6 =	sld [smem:$0x3FAE]  }
0x2c: {  	s7 =	sld [smem:$0x3FAF]  }
0x2d: {  	s3 =	simm.s32 $0x108;
	s8 =	sld [smem:$0x3FB0]  }
0x2e: {  	s3 =	simm.s32 @!p0 $0x1082;
	s9 =	sld [smem:$0x3FB1]  }
0x2f: {  	lr =	sadd.s32 s0, s3;
	s0 =	sld [smem:$0x3FA8]  }
0x30: {  	s3 =	sld [smem:$0x3FAB]  }
0x31: {  	[smem:$0x3FB4] =	sst s10  }
0x32: {  	s10 =	sld [smem:$0x3FB2];
	_ =	sdelay $0x3  }
0x33: {  	p0 =	seq.s32 s10, $0x1;
	s10 =	sld [smem:$0x3FB4];
	_ =	sdelay $0x3  }
0x34: {  	[smem:$0x3FB4] =	sst s10  }
0x35: {  	s10 =	sld [smem:$0x3FB3];
	_ =	sdelay $0x3  }
0x36: {  	p1 =	seq.s32 s10, $0x1;
	s10 =	sld [smem:$0x3FB4];
	_ =	sdelay $0x3  }
0x37: {  	[smem:$0x3FB4] =	sst s10  }
0x38: {  	s10 =	sld [smem:$0x3FB5]  }
0x39: {  	_ = 	snop;
	(pc) =	sbr.ind lr, $3  }
0x3a: {  	_ = 	snop  }
0x3b: {  	_ = 	snop  }
0x3c: {  	p2 =	seq.s32 s10, $0x1;
	s10 =	sld [smem:$0x3FB4]  }
0x3d: {  	_ =	shalt  }
0x3e: {  	_ =	shalt  }
0x3f: {  	_ =	shalt  }
0x40: {  	_ =	shalt  }
0x41: {  	_ =	shalt  }
0x42: {  	_ =	shalt  }
0x43: {  	_ =	shalt  }
0x44: {  	_ =	shalt  }
0x45: {  	_ =	shalt  }
0x46: {  	_ =	shalt  }
0x47: {  	_ =	shalt  }
0x48: {  	_ =	shalt  }
0x49: {  	_ =	shalt  }
0x4a: {  	_ =	shalt  }
0x4b: {  	_ =	shalt  }
0x4c: {  	_ =	shalt  }
0x4d: {  	_ =	shalt  }
0x4e: {  	_ =	shalt  }
0x4f: {  	_ =	shalt  }
0x50: {  	_ =	shalt  }
0x51: {  	_ =	shalt  }
0x52: {  	_ =	shalt  }
0x53: {  	_ =	shalt  }
0x54: {  	_ =	shalt  }
0x55: {  	_ =	shalt  }
0x56: {  	_ =	shalt  }
0x57: {  	_ =	shalt  }
0x58: {  	_ =	shalt  }
0x59: {  	_ =	shalt  }
0x5a: {  	_ =	shalt  }
0x5b: {  	_ =	shalt  }
0x5c: {  	_ =	shalt  }
0x5d: {  	_ =	shalt  }
0x5e: {  	_ =	shalt  }
0x5f: {  	_ =	shalt  }
0x60: {  	_ =	shalt  }
0x61: {  	_ =	shalt  }
0x62: {  	_ =	shalt  }
0x63: {  	_ =	shalt  }
0x64: {  	_ =	shalt  }
0x65: {  	_ =	shalt  }
0x66: {  	_ =	shalt  }
0x67: {  	_ =	shalt  }
0x68: {  	_ =	shalt  }
0x69: {  	_ =	shalt  }
0x6a: {  	_ =	shalt  }
0x6b: {  	_ =	shalt  }
0x6c: {  	_ =	shalt  }
0x6d: {  	_ =	shalt  }
0x6e: {  	_ =	shalt  }
0x6f: {  	_ =	shalt  }
0x70: {  	_ =	shalt  }
0x71: {  	_ =	shalt  }
0x72: {  	_ =	shalt  }
0x73: {  	_ =	shalt  }
0x74: {  	_ =	shalt  }
0x75: {  	_ =	shalt  }
0x76: {  	_ =	shalt  }
0x77: {  	_ =	shalt  }
0x78: {  	_ =	shalt  }
0x79: {  	_ =	shalt  }
0x7a: {  	_ =	shalt  }
0x7b: {  	_ =	shalt  }
0x7c: {  	_ =	shalt  }
0x7d: {  	_ =	shalt  }
0x7e: {  	_ =	shalt  }
0x7f: {  	_ =	shalt  }
0x80: {  	_ =	shalt  }
0x81: {  	_ =	shalt  }
0x82: {  	_ =	shalt  }
0x83: {  	_ =	shalt  }
0x84: {  	_ =	shalt  }
0x85: {  	_ =	shalt  }
0x86: {  	_ =	shalt  }
0x87: {  	_ =	shalt  }
.Lfunc_end0:
.L_simem_size_0:
called_computation_lowered:
.L_overlay_start_0:
0x88: {  	s2 =	sld [smem:$0x3FD9]  }
0x89: {  	s3 =	sld [smem:$0x3FFE];
	_ =	sdelay $0x1  }
0x8a: {  	s1 =	srdreg.scid  }
0x8b: {  	s0 =	sand.u32 $0x1, s1  }
0x8c: {  	s17 =	sshll.u32 s0, $0xA;
	s2 =	sadd.s32 s3, s2  }
0x8d: {  	s2 =	sadd.s32 s2, s17  }
0x8e: {  	[smem:$0x3FC0] =	sst s2  }
0x8f: {  	_ = 	snop  }
0x90: {  	s2 =	sld [smem:$0x3FC9]  }
0x91: {  	s18 =	sld [smem:$0x3FD0];
	(tm) =	ssettm $0x1  }
0x92: {  	s4 =	sld [smem:$0x3FFB];
	_ =	sdelay $0x3  }
0x93: {  	_ =	strace s4  }
0x94: {  	s4 =	sld [smem:$0x3FFC];
	_ =	sdelay $0x3  }
0x95: {  	_ =	strace s4  }
0x96: {  	s4 =	sld [smem:$0x3FFD];
	_ =	sdelay $0x3  }
0x97: {  	_ =	strace s4  }
0x98: {  	_ =	strace $0x8FFFFFFF  }
0x99: {  	s19 =	sld [smem:$0x3FDB];
	_ =	sdelay $0x1  }
0x9a: {  	s5 =	simm.s32 $_scs_section_size  }
0x9b: {  	s6 =	simm.s32 $_size__tile_overlayer_lowered;
	s7 =	simm.s32 $_tile_overlayer_lowered  }
0x9c: {  	s22 =	simm.s32 $0x1BFF;
	s21 =	sshll.u32 s7, $0x1;
	s4 =	sadd.s32 s5, s19  }
0x9d: {  	s8 =	simm.s32 $0x0;
	s20 =	sshll.u32 s6, $0x1;
	s6 =	sadd.s32 s21, s4  }
0x9e: {  	[timem:s8], [sflag:s22] =	dma.local [hbm:s6], s20  }
0x9f: {  	_ =	swait.ge [sflag:s22], s20  }
0xa0: {  	s5 =	ssub.s32 $0x0, s20;
	[sflag:s22] =	ssyncset.done $0x0  }
0xa1: {  	[sflag:s22] =	ssyncadd.s32 s5;
	_ =	sdelay $0x1  }
0xa2: {  	s23 =	simm.s32 $0x1B8B  }
0xa3: {  	_ =	swait.ge [sflag:s23], $0x1  }
0xa4: {  	[sflag:s23] =	ssyncset.done $0x0  }
0xa5: {  	s25 =	simm.s32 $0x1B8E;
	s24 =	sld [smem:$0x3FFE];
	[sflag:s23] =	ssyncadd.s32 $0xFFFFFFFF  }
0xa6: {  	s26 =	simm.s32 $execute0_lowered;
	[smem:$0x3FD2] =	sst s25  }
0xa7: {  	s6 =	sshll.u32 s26, $0x1;
	_ =	strace $0x80000046;
	[dreg:$0x1] =	wrdreg $0xFFFFFFFF  }
0xa8: {  	s28 =	simm.s32 $_size_execute0_lowered;
	s4 =	sadd.s32 s4, s6;
	[dreg:$0x0] =	wrdreg $0x0  }
0xa9: {  	s6 =	sshll.u32 s28, $0x1;
	[dreg:$0x2] =	wrdreg s4  }
0xaa: {  	[dreg:$0x3] =	wrdreg s6  }
0xab: {  	[dreg:$0x4] =	wrdreg $0xC0  }
0xac: {  	_ =	task [dreg:s8], $0x5FFFF  }
0xad: {  	[dreg:$0x1] =	wrdreg $0xFFFFFFFF  }
0xae: {  	[dreg:$0x0] =	wrdreg $0x60  }
0xaf: {  	[dreg:$0x2] =	wrdreg s2  }
0xb0: {  	[dreg:$0x3] =	wrdreg s18  }
0xb1: {  	[dreg:$0x4] =	wrdreg s24  }
0xb2: {  	[dreg:$0x5] =	wrdreg $0xA9000  }
0xb3: {  	[dreg:$0x6] =	wrdreg $0x1E9000  }
0xb4: {  	[dreg:$0x7] =	wrdreg $0x9  }
0xb5: {  	_ =	task.clear_ibuf [dreg:s8], $0x8FFFF;
	_ =	strace $0x90000046  }
0xb6: {  	s29 =	simm.s32 $0x9;
	_ =	strace $0x80000048  }
0xb7: {  	_ =	swait.ge [sflag:s29], $0x1  }
0xb8: {  	[sflag:s29] =	ssyncadd.s32 $0xFFFFFFFF  }
0xb9: {  	_ =	strace $0x90000048  }
0xba: {  	_ =	sfence  }
0xbb: {  	s30 =	sld [smem:$0x0];
	_ =	sdelay $0x2  }
0xbc: {  	s31 =	sshll.u32 s1, $0xD;
	s1 =	sshrl.u32 s1, $0x2  }
0xbd: {  	s3 =	sand.u32 $0x4000, s31;
	s1 =	sadd.s32 s1, s30  }
0xbe: {  	s0 =	sor.u32 s3, s0;
	s1 =	sshll.u32 s1, $0x11  }
0xbf: {  	s0 =	sor.u32 s1, s0  }
0xc0: {  	s0 =	sadd.s32 $0x8F2B, s0  }
0xc1: {  	[sflag:s0] =	ssyncadd.remote.s32 $0x1  }
0xc2: {  	_ =	sfence.sel $0xFFFF  }
0xc3: {  	[dreg:$0x0] =	wrdreg $0xFFFFFFFF;
	(pc) =	sbr.abs _section_cstart, $3  }
0xc4: {  	[dreg:$0x1] =	wrdreg $0xFFFFFFFF  }
0xc5: {  	_ =	task.clear_ibuf [dreg:s8], $0x2FFFF;
	_ =	strace $0x9FFFFFFF  }
0xc6: {  	(tm) =	ssettm $0x7FFFFFFF  }
0xc7: {  	_ =	shalt  }
tec
execute0_lowered:
.L_overlay_start_1:
0x0: {  	(tag) =	ssettag $0x1  }
0x1: {  	s1 =	rddreg [dreg:$0x0]  }
0x2: {  	s0 =	rddreg [dreg:$0x1]  }
0x3: {  	s2 =	rddreg [dreg:$0x2];
	s4 =	srdreg.scid  }
0x4: {  	s14 =	stileid.u32;
	s3 =	rddreg [dreg:$0x3];
	s5 =	simm.s32 $0x0  }
0x5: {  	s28 =	simm.s32 $0x80;
	s29 =	simm.s32 $0x6800;
	s30 =	simm.s32 $0x1  }
0x6: {  	s6 =	sand.u32 $0x1, s4;
	s8 =	smul.u32 $0x280, s14;
	s4 =	rddreg [dreg:$0x4]  }
0x7: {  	s31 =	simm.s32 $0xA800;
	[smem:$0x7FF] =	sst s5;
	s13 =	smul.u32 $0x50000, s14  }
0x8: {  	s10 =	sadd.s32 $0x1E00, s2;
	s7 =	smul.u32 $0x2800, s6;
	s11 =	ssub.s32 $0x2, s6  }
0x9: {  	_ =	strace $0x80000047;
	s6 =	sshll.u32 s6, $0x4;
	s12 =	sshrl.u32 s11, $0x1  }
0xa: {  	s26 =	sor.u32 s14, s6;
	s16 =	sshrl.u32 s13, $0x2;
	s17 =	sadd.s32 $0x80, s8  }
0xb: {  	s15 =	sadd.s32 $0x100, s8;
	s21 =	sadd.s32 $0x180, s8;
	s7 =	sadd.s32 s8, s7  }
0xc: {  	s11 =	ssub.s32 s11, s12;
	s6 =	sadd.s32 s16, s3;
	s18 =	sshll.u32 s17, $0x7  }
0xd: {  	s19 =	sshll.u32 s15, $0x7;
	s13 =	sadd.s32 s17, s4;
	s24 =	smul.u32 $0x2800, s26  }
0xe: {  	s22 =	sadd.s32 s15, s4;
	s23 =	sshll.u32 s21, $0x7;
	s12 =	smul.u32 $0x500, s26  }
0xf: {  	s9 =	sshll.u32 s7, $0x4;
	s7 =	sshrl.u32 s7, $0x3;
	[dreg:$0x7] =	wrdreg s13  }
0x10: {  	s14 =	sadd.s32 s18, s3;
	s20 =	sadd.s32 s19, s3;
	[dreg:$0x9] =	wrdreg s22  }
0x11: {  	s13 =	sadd.s32 s21, s4;
	s22 =	smax.u32 s11, $0x1;
	s11 =	simm.s32 $0x0  }
0x12: {  	s9 =	sadd.s32 s9, s2;
	s2 =	sadd.s32 s7, s2;
	[dreg:$0x6] =	wrdreg s14  }
0x13: {  	s7 =	sadd.s32 s8, s4;
	[dreg:$0x8] =	wrdreg s20;
	s14 =	sadd.s32 s23, s3  }
0x14: {  	[dreg:$0xb] =	wrdreg s13;
	s8 =	sadd.s32 $0x200, s8;
	s16 =	sshrl.u32 s24, $0x3  }
0x15: {  	s17 =	sadd.s32 s10, s12;
	s23 =	simm.s32 $0x2800;
	s24 =	simm.s32 $0x6  }
0x16: {  	[dreg:$0xa] =	wrdreg s14;
	s25 =	sshll.u32 s8, $0x7;
	s15 =	sadd.s32 s8, s4  }
0x17: {  	s26 =	sadd.s32 $0x280, s16;
	s16 =	sadd.s32 s0, s12;
	s20 =	sadd.s32 $0xC800, s9  }
0x18: {  	s21 =	sadd.s32 $0xBE00, s2;
	s2 =	simm.s32 $0x3;
	s8 =	simm.s32 $0x4  }
0x19: {  	s9 =	simm.s32 $0x2780;
	s13 =	sadd.s32 s25, s3;
	s18 =	sadd.s32 s0, s26  }
0x1a: {  	s19 =	sadd.s32 s10, s26;
	s25 =	simm.s32 $0xA880;
	s26 =	simm.s32 $0x1400  }
0x1b: {  	v0 =	vimm.f32 $0.0e+00;
	v1 =	vimm.f32 $1.000000000e+00;
	s0 =	simm.s32 $0x2;
	s10 =	simm.s32 $0x5;
	[dreg:$0xc] =	wrdreg s13  }
.LBB2_1:
0x1c: {  	s12 =	simm.s32 $0x0;
	s13 =	simm.s32 $0x200  }
.LBB2_2:
0x1d: {  	p0 =	sne.s32 s13, $0xFE00;
	[tilespmem:s12+$0x2870] =	vst v0  }
0x1e: {  	[tilespmem:s12+$0x2800] =	vst v0  }
0x1f: {  	[tilespmem:s12+$0x2810] =	vst v0  }
.Ltmp0:
0x20: {  	[tilespmem:s12+$0x2820] =	vst v0;
	(pc) =	sbr.rel @p0 .LBB2_2-.Ltmp0, $4  }
0x21: {  	[tilespmem:s12+$0x2830] =	vst v0  }
0x22: {  	[tilespmem:s12+$0x2840] =	vst v0  }
0x23: {  	[tilespmem:s12+$0x2850] =	vst v0  }
0x24: {  	[tilespmem:s12+$0x2860] =	vst v0;
	s12 =	sshra.s32 s13, $0x2;
	s13 =	sadd.s32 $0x200, s13  }
0x25: {  	[tilespmem:s12+$0x2870] =	vst v0  }
0x26: {  	[tilespmem:s12+$0x2800] =	vst v0  }
0x27: {  	[tilespmem:s12+$0x2810] =	vst v0  }
0x28: {  	[tilespmem:s12+$0x2820] =	vst v0  }
0x29: {  	[tilespmem:s12+$0x2830] =	vst v0  }
0x2a: {  	[tilespmem:s12+$0x2840] =	vst v0  }
0x2b: {  	[tilespmem:s12+$0x2850] =	vst v0  }
0x2c: {  	[tilespmem:s12+$0x2860] =	vst v0  }
0x2d: {  	[tilespmem:$0xA800] =	vst v1  }
0x2e: {  	[tilespmem:$0xA880] =	vst v0  }
0x2f: {  	[tilespmem:$0xA810] =	vst v1  }
0x30: {  	[tilespmem:$0xA890] =	vst v0  }
0x31: {  	[tilespmem:$0xA820] =	vst v1  }
0x32: {  	[tilespmem:$0xA8A0] =	vst v0  }
0x33: {  	[tilespmem:$0xA830] =	vst v1  }
0x34: {  	[tilespmem:$0xA8B0] =	vst v0  }
0x35: {  	[tilespmem:$0xA840] =	vst v1  }
0x36: {  	[tilespmem:$0xA8C0] =	vst v0  }
0x37: {  	[tilespmem:$0xA850] =	vst v1  }
0x38: {  	[tilespmem:$0xA8D0] =	vst v0  }
0x39: {  	[tilespmem:$0xA860] =	vst v1  }
0x3a: {  	[tilespmem:$0xA8E0] =	vst v0  }
0x3b: {  	[tilespmem:$0xA870] =	vst v1  }
0x3c: {  	[tilespmem:$0xA8F0] =	vst v0  }
0x3d: {  	[spmem:s6] =	stream.linear.scatter [tilespmem:s23], [sflag:$0x6], $0x4000, $0x38;
	[tilespmem:$0x1EB80] =	vst v63  }
0x3e: {  	_ =	swait.ge [sflag:s24], $0x4000  }
0x3f: {  	[sflag:s24] =	ssyncset.done $0x0  }
0x40: {  	[sflag:s24] =	ssyncadd.s32 $0xFFFFC000  }
0x41: {  	[spmem:s7] =	stream.linear.scatter [tilespmem:s25], [sflag:$0x6], $0x80, $0x38;
	[tilespmem:$0x1EB80] =	vst v63  }
0x42: {  	_ =	swait.ge [sflag:s24], $0x80  }
0x43: {  	[sflag:s24] =	ssyncset.done $0x0  }
0x44: {  	s13 =	rddreg [dreg:$0x6];
	[sflag:s24] =	ssyncadd.s32 $0xFFFFFF80  }
0x45: {  	[spmem:s13] =	stream.linear.scatter [tilespmem:s23], [sflag:$0x6], $0x4000, $0x38;
	[tilespmem:$0x1EB80] =	vst v63  }
0x46: {  	_ =	swait.ge [sflag:s24], $0x4000  }
0x47: {  	[sflag:s24] =	ssyncset.done $0x0  }
0x48: {  	s14 =	rddreg [dreg:$0x7];
	[sflag:s24] =	ssyncadd.s32 $0xFFFFC000  }
0x49: {  	[spmem:s14] =	stream.linear.scatter [tilespmem:s25], [sflag:$0x6], $0x80, $0x38;
	[tilespmem:$0x1EB80] =	vst v63  }
0x4a: {  	_ =	swait.ge [sflag:s24], $0x80  }
0x4b: {  	[sflag:s24] =	ssyncset.done $0x0  }
0x4c: {  	s13 =	rddreg [dreg:$0x8];
	[sflag:s24] =	ssyncadd.s32 $0xFFFFFF80  }
0x4d: {  	[spmem:s13] =	stream.linear.scatter [tilespmem:s23], [sflag:$0x6], $0x4000, $0x38;
	[tilespmem:$0x1EB80] =	vst v63  }
0x4e: {  	_ =	swait.ge [sflag:s24], $0x4000  }
0x4f: {  	[sflag:s24] =	ssyncset.done $0x0  }
0x50: {  	s14 =	rddreg [dreg:$0x9];
	[sflag:s24] =	ssyncadd.s32 $0xFFFFC000  }
0x51: {  	[spmem:s14] =	stream.linear.scatter [tilespmem:s25], [sflag:$0x6], $0x80, $0x38;
	[tilespmem:$0x1EB80] =	vst v63  }
0x52: {  	_ =	swait.ge [sflag:s24], $0x80  }
0x53: {  	[sflag:s24] =	ssyncset.done $0x0  }
0x54: {  	s13 =	rddreg [dreg:$0xa];
	[sflag:s24] =	ssyncadd.s32 $0xFFFFFF80  }
0x55: {  	[spmem:s13] =	stream.linear.scatter [tilespmem:s23], [sflag:$0x6], $0x4000, $0x38;
	[tilespmem:$0x1EB80] =	vst v63  }
0x56: {  	_ =	swait.ge [sflag:s24], $0x4000  }
0x57: {  	[sflag:s24] =	ssyncset.done $0x0  }
0x58: {  	s14 =	rddreg [dreg:$0xb];
	[sflag:s24] =	ssyncadd.s32 $0xFFFFC000  }
0x59: {  	[spmem:s14] =	stream.linear.scatter [tilespmem:s25], [sflag:$0x6], $0x80, $0x38;
	[tilespmem:$0x1EB80] =	vst v63  }
0x5a: {  	_ =	swait.ge [sflag:s24], $0x80  }
0x5b: {  	[sflag:s24] =	ssyncset.done $0x0  }
0x5c: {  	s13 =	rddreg [dreg:$0xc];
	[sflag:s24] =	ssyncadd.s32 $0xFFFFFF80  }
0x5d: {  	[spmem:s13] =	stream.linear.scatter [tilespmem:s23], [sflag:$0x6], $0x4000, $0x38;
	[tilespmem:$0x1EB80] =	vst v63  }
0x5e: {  	_ =	swait.ge [sflag:s24], $0x4000  }
0x5f: {  	[sflag:s24] =	ssyncset.done $0x0  }
0x60: {  	[sflag:s24] =	ssyncadd.s32 $0xFFFFC000  }
0x61: {  	[spmem:s15] =	stream.linear.scatter [tilespmem:s25], [sflag:$0x6], $0x80, $0x38;
	[tilespmem:$0x1EB80] =	vst v63  }
0x62: {  	_ =	swait.ge [sflag:s24], $0x80  }
0x63: {  	[sflag:s24] =	ssyncset.done $0x0  }
0x64: {  	[sflag:s24] =	ssyncadd.s32 $0xFFFFFF80  }
0x65: {  	[bflag:$0x0] =	sbarrier.arrive $0xFFFF  }
0x66: {  	[tilespmem:s5], [sflag:$0x6] =	stream.linear.gather [hbm4b:s16+s5], $0x1400, $0x38;
	[tilespmem:$0x1EB80] =	vst v63  }
0x67: {  	_ =	swait.ge [sflag:s24], $0x1400  }
0x68: {  	[sflag:s24] =	ssyncset.done $0x0  }
0x69: {  	[sflag:s24] =	ssyncadd.s32 $0xFFFFEC00  }
0x6a: {  	[tilespmem:s26], [sflag:$0x6] =	stream.linear.gather [hbm4b:s17+s5], $0x1400, $0x38;
	[tilespmem:$0x1EB80] =	vst v63  }
0x6b: {  	_ =	swait.ge [sflag:s24], $0x1400  }
0x6c: {  	[sflag:s24] =	ssyncset.done $0x0  }
0x6d: {  	[sflag:s24] =	ssyncadd.s32 $0xFFFFEC00  }
0x6e: {  	[tilespmem:s23], [sflag:$0x1] =	stream.indirect.gather [hbm4b:s1+s28], $0x80, s5, s28, $0xb8;
	[tilespmem:$0x1EB80] =	vst v63  }
0x6f: {  	_ = 	snop  }
0x70: {  	[tilespmem:s29], [sflag:$0x2] =	stream.indirect.gather [hbm4b:s1+s28], $0x80, s28, s28, $0xb8;
	[tilespmem:$0x1EB80] =	vst v63  }
0x71: {  	_ =	swait.ge [sflag:s30], $0x4000  }
0x72: {  	[sflag:s30] =	ssyncset.done $0x0  }
0x73: {  	[sflag:s30] =	ssyncadd.s32 $0xFFFFC000  }
0x74: {  	[spmem:s3] =	stream.indirect.scatter.add.f32 [tilespmem:s23], [sflag:$0x3], $0x80, s26, s28, $0xb8;
	[tilespmem:$0x1EB80] =	vst v63  }
0x75: {  	_ = 	snop  }
0x76: {  	[spmem:s4] =	stream.indirect.scatter.add.f32 [tilespmem:s31], [sflag:$0x5], $0x1, s26, s28, $0xb8;
	[tilespmem:$0x1EB80] =	vst v63  }
0x77: {  	_ =	swait.ge [sflag:s2], $0x4000  }
0x78: {  	[sflag:s2] =	ssyncset.done $0x0  }
0x79: {  	s14 =	simm.s32 $0x100;
	[sflag:s2] =	ssyncadd.s32 $0xFFFFC000  }
0x7a: {  	[tilespmem:s23], [sflag:$0x1] =	stream.indirect.gather [hbm4b:s1+s28], $0x80, s14, s28, $0xb8;
	[tilespmem:$0x1EB80] =	vst v63  }
0x7b: {  	_ =	swait.ge [sflag:s0], $0x4000  }
0x7c: {  	[sflag:s0] =	ssyncset.done $0x0  }
0x7d: {  	s13 =	simm.s32 $0x1480;
	[sflag:s0] =	ssyncadd.s32 $0xFFFFC000  }
0x7e: {  	[spmem:s3] =	stream.indirect.scatter.add.f32 [tilespmem:s29], [sflag:$0x4], $0x80, s13, s28, $0xb8;
	[tilespmem:$0x1EB80] =	vst v63  }
0x7f: {  	_ = 	snop  }
0x80: {  	[spmem:s4] =	stream.indirect.scatter.add.f32 [tilespmem:s31], [sflag:$0x5], $0x1, s13, s28, $0xb8;
	[tilespmem:$0x1EB80] =	vst v63  }
0x81: {  	_ =	swait.ge [sflag:s8], $0x4000  }
0x82: {  	[sflag:s8] =	ssyncset.done $0x0  }
0x83: {  	s14 =	simm.s32 $0x180;
	[sflag:s8] =	ssyncadd.s32 $0xFFFFC000  }
0x84: {  	[tilespmem:s29], [sflag:$0x2] =	stream.indirect.gather [hbm4b:s1+s28], $0x80, s14, s28, $0xb8;
	[tilespmem:$0x1EB80] =	vst v63  }
0x85: {  	_ =	swait.ge [sflag:s30], $0x4000  }
0x86: {  	[sflag:s30] =	ssyncset.done $0x0  }
0x87: {  	s12 =	simm.s32 $0xFFFFB800;
	s13 =	simm.s32 $0x1500;
	[sflag:s30] =	ssyncadd.s32 $0xFFFFC000  }
0x88: {  	[spmem:s3] =	stream.indirect.scatter.add.f32 [tilespmem:s23], [sflag:$0x3], $0x80, s13, s28, $0xb8;
	[tilespmem:$0x1EB80] =	vst v63  }
.LBB2_4:
0x89: {  	[spmem:s4] =	stream.indirect.scatter.add.f32 [tilespmem:s31], [sflag:$0x5], $0x1, s13, s28, $0xb8;
	[tilespmem:$0x1EB80] =	vst v63  }
0x8a: {  	s13 =	smov.u32 s12  }
0x8b: {  	p0 =	sne.s32 s12, $0xFFFFFC00;
	s12 =	sadd.s32 $0x400, s12;
	_ =	swait.ge [sflag:s2], $0x4000  }
0x8c: {  	s13 =	sshra.s32 s13, $0x2;
	[sflag:s2] =	ssyncset.done $0x0  }
0x8d: {  	s14 =	sadd.s32 $0x1400, s13;
	[sflag:s2] =	ssyncadd.s32 $0xFFFFC000  }
0x8e: {  	[tilespmem:s23], [sflag:$0x1] =	stream.indirect.gather [hbm4b:s1+s28], $0x80, s14, s28, $0xb8;
	[tilespmem:$0x1EB80] =	vst v63  }
0x8f: {  	_ =	swait.ge [sflag:s0], $0x4000  }
0x90: {  	[sflag:s0] =	ssyncset.done $0x0  }
0x91: {  	s14 =	sadd.s32 $0x2780, s13;
	[sflag:s0] =	ssyncadd.s32 $0xFFFFC000  }
0x92: {  	[spmem:s3] =	stream.indirect.scatter.add.f32 [tilespmem:s29], [sflag:$0x4], $0x80, s14, s28, $0xb8;
	[tilespmem:$0x1EB80] =	vst v63  }
0x93: {  	_ = 	snop  }
0x94: {  	[spmem:s4] =	stream.indirect.scatter.add.f32 [tilespmem:s31], [sflag:$0x5], $0x1, s14, s28, $0xb8;
	[tilespmem:$0x1EB80] =	vst v63  }
0x95: {  	_ =	swait.ge [sflag:s8], $0x4000  }
0x96: {  	[sflag:s8] =	ssyncset.done $0x0  }
0x97: {  	s14 =	sadd.s32 $0x1480, s13;
	[sflag:s8] =	ssyncadd.s32 $0xFFFFC000  }
0x98: {  	[tilespmem:s29], [sflag:$0x2] =	stream.indirect.gather [hbm4b:s1+s28], $0x80, s14, s28, $0xb8;
	[tilespmem:$0x1EB80] =	vst v63  }
.Ltmp1:
0x99: {  	_ = 	snop;
	(pc) =	sbr.rel @p0 .LBB2_4-.Ltmp1, $4  }
0x9a: {  	_ =	swait.ge [sflag:s30], $0x4000  }
0x9b: {  	[sflag:s30] =	ssyncset.done $0x0  }
0x9c: {  	s13 =	sadd.s32 $0x2800, s13;
	[sflag:s30] =	ssyncadd.s32 $0xFFFFC000  }
0x9d: {  	[spmem:s3] =	stream.indirect.scatter.add.f32 [tilespmem:s23], [sflag:$0x3], $0x80, s13, s28, $0xb8;
	[tilespmem:$0x1EB80] =	vst v63  }
0x9e: {  	[spmem:s4] =	stream.indirect.scatter.add.f32 [tilespmem:s31], [sflag:$0x5], $0x1, s13, s28, $0xb8;
	[tilespmem:$0x1EB80] =	vst v63  }
0x9f: {  	_ =	swait.ge [sflag:s0], $0x4000  }
0xa0: {  	[sflag:s0] =	ssyncset.done $0x0  }
0xa1: {  	[sflag:s0] =	ssyncadd.s32 $0xFFFFC000  }
0xa2: {  	[spmem:s3] =	stream.indirect.scatter.add.f32 [tilespmem:s29], [sflag:$0x4], $0x80, s9, s28, $0xb8;
	[tilespmem:$0x1EB80] =	vst v63  }
0xa3: {  	_ = 	snop  }
0xa4: {  	[spmem:s4] =	stream.indirect.scatter.add.f32 [tilespmem:s31], [sflag:$0x5], $0x1, s9, s28, $0xb8;
	[tilespmem:$0x1EB80] =	vst v63  }
0xa5: {  	_ =	swait.ge [sflag:s2], $0x4000  }
0xa6: {  	[sflag:s2] =	ssyncset.done $0x0  }
0xa7: {  	[sflag:s2] =	ssyncadd.s32 $0xFFFFC000  }
0xa8: {  	_ =	swait.ge [sflag:s8], $0x4000  }
0xa9: {  	[sflag:s8] =	ssyncset.done $0x0  }
0xaa: {  	[sflag:s8] =	ssyncadd.s32 $0xFFFFC000  }
0xab: {  	_ =	swait.ge [sflag:s10], $0x80  }
0xac: {  	s12 =	simm.s32 $0x27;
	[sflag:s10] =	ssyncset.done $0x0  }
.LBB2_6:
0xad: {  	p0 =	sne.s32 s12, $0x1;
	s12 =	sadd.s32 $0xFFFFFFFF, s12;
	[sflag:s10] =	ssyncadd.s32 $0xFFFFFF80  }
.Ltmp2:
0xae: {  	(pc) =	sbr.rel @p0 .LBB2_6-.Ltmp2, $3  }
0xaf: {  	_ =	sdelay $0x1  }
0xb0: {  	_ =	swait.ge [sflag:s10], $0x80  }
0xb1: {  	[sflag:s10] =	ssyncset.done $0x0  }
0xb2: {  	[sflag:s10] =	ssyncadd.s32 $0xFFFFFF80  }
0xb3: {  	[tilespmem:s5], [sflag:$0x6] =	stream.linear.gather [hbm4b:s18+s5], $0x1400, $0x38;
	[tilespmem:$0x1EB80] =	vst v63  }
0xb4: {  	_ =	swait.ge [sflag:s24], $0x1400  }
0xb5: {  	[sflag:s24] =	ssyncset.done $0x0  }
0xb6: {  	[sflag:s24] =	ssyncadd.s32 $0xFFFFEC00  }
0xb7: {  	[tilespmem:s26], [sflag:$0x6] =	stream.linear.gather [hbm4b:s19+s5], $0x1400, $0x38;
	[tilespmem:$0x1EB80] =	vst v63  }
0xb8: {  	_ =	swait.ge [sflag:s24], $0x1400  }
0xb9: {  	[sflag:s24] =	ssyncset.done $0x0  }
0xba: {  	[sflag:s24] =	ssyncadd.s32 $0xFFFFEC00  }
0xbb: {  	[tilespmem:s23], [sflag:$0x1] =	stream.indirect.gather [hbm4b:s1+s28], $0x80, s5, s28, $0xb8;
	[tilespmem:$0x1EB80] =	vst v63  }
0xbc: {  	_ = 	snop  }
0xbd: {  	[tilespmem:s29], [sflag:$0x2] =	stream.indirect.gather [hbm4b:s1+s28], $0x80, s28, s28, $0xb8;
	[tilespmem:$0x1EB80] =	vst v63  }
0xbe: {  	_ =	swait.ge [sflag:s30], $0x4000  }
0xbf: {  	[sflag:s30] =	ssyncset.done $0x0  }
0xc0: {  	[sflag:s30] =	ssyncadd.s32 $0xFFFFC000  }
0xc1: {  	[spmem:s3] =	stream.indirect.scatter.add.f32 [tilespmem:s23], [sflag:$0x3], $0x80, s26, s28, $0xb8;
	[tilespmem:$0x1EB80] =	vst v63  }
0xc2: {  	_ = 	snop  }
0xc3: {  	[spmem:s4] =	stream.indirect.scatter.add.f32 [tilespmem:s31], [sflag:$0x5], $0x1, s26, s28, $0xb8;
	[tilespmem:$0x1EB80] =	vst v63  }
0xc4: {  	_ =	swait.ge [sflag:s2], $0x4000  }
0xc5: {  	[sflag:s2] =	ssyncset.done $0x0  }
0xc6: {  	s12 =	simm.s32 $0x100;
	[sflag:s2] =	ssyncadd.s32 $0xFFFFC000  }
0xc7: {  	[tilespmem:s23], [sflag:$0x1] =	stream.indirect.gather [hbm4b:s1+s28], $0x80, s12, s28, $0xb8;
	[tilespmem:$0x1EB80] =	vst v63  }
0xc8: {  	_ =	swait.ge [sflag:s0], $0x4000  }
0xc9: {  	[sflag:s0] =	ssyncset.done $0x0  }
0xca: {  	s13 =	simm.s32 $0x1480;
	[sflag:s0] =	ssyncadd.s32 $0xFFFFC000  }
0xcb: {  	[spmem:s3] =	stream.indirect.scatter.add.f32 [tilespmem:s29], [sflag:$0x4], $0x80, s13, s28, $0xb8;
	[tilespmem:$0x1EB80] =	vst v63  }
0xcc: {  	_ = 	snop  }
0xcd: {  	[spmem:s4] =	stream.indirect.scatter.add.f32 [tilespmem:s31], [sflag:$0x5], $0x1, s13, s28, $0xb8;
	[tilespmem:$0x1EB80] =	vst v63  }
0xce: {  	_ =	swait.ge [sflag:s8], $0x4000  }
0xcf: {  	[sflag:s8] =	ssyncset.done $0x0  }
0xd0: {  	s14 =	simm.s32 $0x180;
	[sflag:s8] =	ssyncadd.s32 $0xFFFFC000  }
0xd1: {  	[tilespmem:s29], [sflag:$0x2] =	stream.indirect.gather [hbm4b:s1+s28], $0x80, s14, s28, $0xb8;
	[tilespmem:$0x1EB80] =	vst v63  }
0xd2: {  	_ =	swait.ge [sflag:s30], $0x4000  }
0xd3: {  	[sflag:s30] =	ssyncset.done $0x0  }
0xd4: {  	s12 =	simm.s32 $0xFFFFB800;
	s13 =	simm.s32 $0x1500;
	[sflag:s30] =	ssyncadd.s32 $0xFFFFC000  }
0xd5: {  	[spmem:s3] =	stream.indirect.scatter.add.f32 [tilespmem:s23], [sflag:$0x3], $0x80, s13, s28, $0xb8;
	[tilespmem:$0x1EB80] =	vst v63  }
.LBB2_8:
0xd6: {  	[spmem:s4] =	stream.indirect.scatter.add.f32 [tilespmem:s31], [sflag:$0x5], $0x1, s13, s28, $0xb8;
	[tilespmem:$0x1EB80] =	vst v63  }
0xd7: {  	s13 =	smov.u32 s12  }
0xd8: {  	p0 =	sne.s32 s12, $0xFFFFFC00;
	s12 =	sadd.s32 $0x400, s12;
	_ =	swait.ge [sflag:s2], $0x4000  }
0xd9: {  	s13 =	sshra.s32 s13, $0x2;
	[sflag:s2] =	ssyncset.done $0x0  }
0xda: {  	s14 =	sadd.s32 $0x1400, s13;
	[sflag:s2] =	ssyncadd.s32 $0xFFFFC000  }
0xdb: {  	[tilespmem:s23], [sflag:$0x1] =	stream.indirect.gather [hbm4b:s1+s28], $0x80, s14, s28, $0xb8;
	[tilespmem:$0x1EB80] =	vst v63  }
0xdc: {  	_ =	swait.ge [sflag:s0], $0x4000  }
0xdd: {  	[sflag:s0] =	ssyncset.done $0x0  }
0xde: {  	s14 =	sadd.s32 $0x2780, s13;
	[sflag:s0] =	ssyncadd.s32 $0xFFFFC000  }
0xdf: {  	[spmem:s3] =	stream.indirect.scatter.add.f32 [tilespmem:s29], [sflag:$0x4], $0x80, s14, s28, $0xb8;
	[tilespmem:$0x1EB80] =	vst v63  }
0xe0: {  	_ = 	snop  }
0xe1: {  	[spmem:s4] =	stream.indirect.scatter.add.f32 [tilespmem:s31], [sflag:$0x5], $0x1, s14, s28, $0xb8;
	[tilespmem:$0x1EB80] =	vst v63  }
0xe2: {  	_ =	swait.ge [sflag:s8], $0x4000  }
0xe3: {  	[sflag:s8] =	ssyncset.done $0x0  }
0xe4: {  	s14 =	sadd.s32 $0x1480, s13;
	[sflag:s8] =	ssyncadd.s32 $0xFFFFC000  }
0xe5: {  	[tilespmem:s29], [sflag:$0x2] =	stream.indirect.gather [hbm4b:s1+s28], $0x80, s14, s28, $0xb8;
	[tilespmem:$0x1EB80] =	vst v63  }
.Ltmp3:
0xe6: {  	_ = 	snop;
	(pc) =	sbr.rel @p0 .LBB2_8-.Ltmp3, $4  }
0xe7: {  	_ =	swait.ge [sflag:s30], $0x4000  }
0xe8: {  	[sflag:s30] =	ssyncset.done $0x0  }
0xe9: {  	s13 =	sadd.s32 $0x2800, s13;
	[sflag:s30] =	ssyncadd.s32 $0xFFFFC000  }
0xea: {  	[spmem:s3] =	stream.indirect.scatter.add.f32 [tilespmem:s23], [sflag:$0x3], $0x80, s13, s28, $0xb8;
	[tilespmem:$0x1EB80] =	vst v63  }
0xeb: {  	[spmem:s4] =	stream.indirect.scatter.add.f32 [tilespmem:s31], [sflag:$0x5], $0x1, s13, s28, $0xb8;
	[tilespmem:$0x1EB80] =	vst v63  }
0xec: {  	_ =	swait.ge [sflag:s0], $0x4000  }
0xed: {  	[sflag:s0] =	ssyncset.done $0x0  }
0xee: {  	[sflag:s0] =	ssyncadd.s32 $0xFFFFC000  }
0xef: {  	[spmem:s3] =	stream.indirect.scatter.add.f32 [tilespmem:s29], [sflag:$0x4], $0x80, s9, s28, $0xb8;
	[tilespmem:$0x1EB80] =	vst v63  }
0xf0: {  	_ = 	snop  }
0xf1: {  	[spmem:s4] =	stream.indirect.scatter.add.f32 [tilespmem:s31], [sflag:$0x5], $0x1, s9, s28, $0xb8;
	[tilespmem:$0x1EB80] =	vst v63  }
0xf2: {  	_ =	swait.ge [sflag:s2], $0x4000  }
0xf3: {  	[sflag:s2] =	ssyncset.done $0x0  }
0xf4: {  	[sflag:s2] =	ssyncadd.s32 $0xFFFFC000  }
0xf5: {  	_ =	swait.ge [sflag:s8], $0x4000  }
0xf6: {  	[sflag:s8] =	ssyncset.done $0x0  }
0xf7: {  	[sflag:s8] =	ssyncadd.s32 $0xFFFFC000  }
0xf8: {  	_ =	swait.ge [sflag:s10], $0x80  }
0xf9: {  	s12 =	simm.s32 $0x27;
	[sflag:s10] =	ssyncset.done $0x0  }
.LBB2_10:
0xfa: {  	p0 =	sne.s32 s12, $0x1;
	s12 =	sadd.s32 $0xFFFFFFFF, s12;
	[sflag:s10] =	ssyncadd.s32 $0xFFFFFF80  }
.Ltmp4:
0xfb: {  	(pc) =	sbr.rel @p0 .LBB2_10-.Ltmp4, $3  }
0xfc: {  	_ =	sdelay $0x1  }
0xfd: {  	_ =	swait.ge [sflag:s10], $0x80  }
0xfe: {  	[sflag:s10] =	ssyncset.done $0x0  }
0xff: {  	s12 =	stileid.u32  }
0x100: {  	[sflag:s10] =	ssyncadd.s32 $0xFFFFFF80;
	s12 =	sshll.u32 s12, $0x6  }
0x101: {  	s13 =	sshrl.u32 s6, $0x3;
	[bflag:$0x0] =	sbarrier.arrive $0xFFFF;
	s12 =	sor.u32 $0x1C06, s12  }
0x102: {  	[hbm:s20], [sflag:s12] =	dma.local [spmem:s13], $0x2800  }
0x103: {  	s11 =	sadd.s32 $0x1, s11;
	_ =	swait.ge [sflag:s24], $0x2800  }
0x104: {  	p0 =	sne.s32 s11, s22;
	[sflag:s24] =	ssyncset.done $0x0  }
.Ltmp5:
0x105: {  	s14 =	sshrl.u32 s7, $0x3;
	[sflag:s24] =	ssyncadd.s32 $0xFFFFD800;
	(pc) =	sbr.rel @p0 .LBB2_1-.Ltmp5, $4  }
0x106: {  	[hbm:s21], [sflag:s12] =	dma.local [spmem:s14], $0x50  }
0x107: {  	_ =	swait.ge [sflag:s24], $0x50  }
0x108: {  	[sflag:s24] =	ssyncset.done $0x0  }
0x109: {  	[sflag:s24] =	ssyncadd.s32 $0xFFFFFFB0  }
0x10a: {  	_ =	sfence.sel $0x180000  }
0x10b: {  	[bflag:$0x0] =	sbarrier.arrive $0xFFFF  }
0x10c: {  	_ =	strace $0x90000047  }
0x10d: {  	s0 =	stileid.u32;
	[bflag:$0x2] =	sbarrier.arrive $0xFFFF  }
0x10e: {  	p0 =	sne.s32 s0, $0x0;
	s0 =	rddreg [dreg:$0x5]  }
0x10f: {  	s0 =	sadd.s32 @!p0 $0x100000, s0  }
0x110: {  	[sflag:s0] =	ssyncadd.tile.s32 @!p0 $0x1;
	_ =	shalt  }
.Lfunc_end2:
_tile_overlayer_lowered:
.L_overlay_start_2:
0x111: {  	(tag) =	ssettag $0x2  }
0x112: {  	s0 =	rddreg [dreg:$0x0];
	s2 =	stileid.u32  }
0x113: {  	s1 =	rddreg [dreg:$0x1];
	p0 =	sne.s32 s2, $0x0  }
0x114: {  	s3 =	rddreg [dreg:$0x2];
	[bflag:$0x3] =	sbarrier.arrive $0xFFFF;
	s2 =	simm.s32 @!p0 $0x1C06  }
0x115: {  	[timem:s3], [sflag:s2] =	dma.local @!p0 [hbm:s0], s1  }
0x116: {  	s0 =	simm.s32 @!p0 $0x6  }
0x117: {  	_ =	swait.ge @!p0 [sflag:s0], s1  }
0x118: {  	s1 =	ssub.s32 @!p0 $0x0, s1;
	[sflag:s0] =	ssyncset.done @!p0 $0x0  }
0x119: {  	[sflag:s0] =	ssyncadd.s32 @!p0 s1  }
0x11a: {  	[bflag:$0x3] =	sbarrier.arrive $0xFFFF  }
0x11b: {  	_ =	shalt  }

// kernel: kernel.9.cloned.1.call-start
scs
__scs_entry_jumppad:
0x0: {  	(pc) =	sbr.rel $0x88, $3  }
0x1: {  	(tag) =	ssettag $0x0;
	lr =	simm.s32 $0x1  }
0x2: {  	[smem:$0x3F99] =	sst lr;
	_ =	strace $0xD0000000  }
0x3: {  	_ = 	snop  }
0x4: {  	_ = 	snop  }
0x5: {  	_ = 	snop  }
0x6: {  	_ = 	snop  }
0x7: {  	_ = 	snop  }
__scs_overlays_trampoline_lowered:
0x8: {  	[smem:$0x3FA8] =	sst s0  }
0x9: {  	[smem:$0x3FA9] =	sst s1  }
0xa: {  	[smem:$0x3FAA] =	sst s2  }
0xb: {  	[smem:$0x3FAB] =	sst s3  }
0xc: {  	[smem:$0x3FAC] =	sst s4  }
0xd: {  	[smem:$0x3FAD] =	sst s5  }
0xe: {  	[smem:$0x3FAE] =	sst s6  }
0xf: {  	[smem:$0x3FAF] =	sst s7  }
0x10: {  	[smem:$0x3FB0] =	sst s8  }
0x11: {  	[smem:$0x3FB1] =	sst s9;
	s0 =	simm.s32 @!p0 $0x0  }
0x12: {  	s1 =	sld [smem:$0x3F97];
	s0 =	simm.s32 @p0 $0x1  }
0x13: {  	[smem:$0x3FB2] =	sst s0;
	s0 =	simm.s32 @!p1 $0x0  }
0x14: {  	s2 =	sld [smem:$0x3F96];
	s0 =	simm.s32 @p1 $0x1  }
0x15: {  	[smem:$0x3FB3] =	sst s0;
	s0 =	simm.s32 @!p2 $0x0  }
0x16: {  	s3 =	sld [smem:$0x3FDB];
	s0 =	simm.s32 @p2 $0x1  }
0x17: {  	s4 =	simm.s32 $0x1BF5;
	[smem:$0x3FB5] =	sst s0  }
0x18: {  	s0 =	sld [smem:$0x3F98];
	_ =	swait.ge [sflag:s4], $0x0  }
0x19: {  	s7 =	sld [smem:$0x3F99]  }
0x1a: {  	s8 =	sadd.s32 $0xFFFFE003, lr  }
0x1b: {  	s9 =	sadd.s32 $0xFFFFFEF7, lr;
	s5 =	simm.s32 $0xFFFFFFFF;
	p2 =	slt.u32 s8, $0xFFFFF086  }
0x1c: {  	p1 =	slt.u32 s9, $0xF7A;
	s5 =	simm.s32 @!p2 $0x0  }
0x1d: {  	s5 =	simm.s32 @p1 $0x1;
	p0 =	seq.s32 s7, s2  }
0x1e: {  	s7 =	smul.u32 @!p0 $0xF7A, s2;
	p2 =	seq.s32 @!p0 s5, $0x0  }
0x1f: {  	s9 =	smul.u32 $0xF7A, s1;
	s8 =	simm.s32 @!p0 $0x1BF5;
	p2 =	por !p2, p0  }
0x20: {  	[sflag:s8] =	ssyncset.s32 @!p0 $0xFFFFF086;
	s6 =	sadd.s32 @!p0 s3, s7;
	s7 =	simm.s32 @!p0 $0x108  }
0x21: {  	s3 =	sadd.s32 s3, s9;
	s6 =	sadd.s32 @!p0 $0x88, s6;
	s7 =	simm.s32 @p2 $0x1082  }
0x22: {  	[simem:s7], [sflag:s8] =	dma.local @!p0 [hbm:s6], $0xF7A  }
0x23: {  	s9 =	sor.u32 $0xD0000000, s2;
	s6 =	simm.s32 $0x108;
	_ =	swait.ge @!p0 [sflag:s8], $0x0  }
0x24: {  	s3 =	sadd.s32 $0x88, s3;
	s6 =	simm.s32 @!p1 $0x1082;
	[sflag:s4] =	ssyncset.s32 $0xFFFFF086  }
0x25: {  	[simem:s6], [sflag:s4] =	dma.local [hbm:s3], $0xF7A  }
0x26: {  	[smem:$0x3F99] =	sst s1;
	(tag) =	ssettag s2;
	_ =	strace s9  }
0x27: {  	s1 =	sld [smem:$0x3FA9]  }
0x28: {  	s2 =	sld [smem:$0x3FAA]  }
0x29: {  	s4 =	sld [smem:$0x3FAC]  }
0x2a: {  	p0 =	seq.s32 s5, $0x0;
	s5 =	sld [smem:$0x3FAD]  }
0x2b: {  	s6 =	sld [smem:$0x3FAE]  }
0x2c: {  	s7 =	sld [smem:$0x3FAF]  }
0x2d: {  	s3 =	simm.s32 $0x108;
	s8 =	sld [smem:$0x3FB0]  }
0x2e: {  	s3 =	simm.s32 @!p0 $0x1082;
	s9 =	sld [smem:$0x3FB1]  }
0x2f: {  	lr =	sadd.s32 s0, s3;
	s0 =	sld [smem:$0x3FA8]  }
0x30: {  	s3 =	sld [smem:$0x3FAB]  }
0x31: {  	[smem:$0x3FB4] =	sst s10  }
0x32: {  	s10 =	sld [smem:$0x3FB2];
	_ =	sdelay $0x3  }
0x33: {  	p0 =	seq.s32 s10, $0x1;
	s10 =	sld [smem:$0x3FB4];
	_ =	sdelay $0x3  }
0x34: {  	[smem:$0x3FB4] =	sst s10  }
0x35: {  	s10 =	sld [smem:$0x3FB3];
	_ =	sdelay $0x3  }
0x36: {  	p1 =	seq.s32 s10, $0x1;
	s10 =	sld [smem:$0x3FB4];
	_ =	sdelay $0x3  }
0x37: {  	[smem:$0x3FB4] =	sst s10  }
0x38: {  	s10 =	sld [smem:$0x3FB5]  }
0x39: {  	_ = 	snop;
	(pc) =	sbr.ind lr, $3  }
0x3a: {  	_ = 	snop  }
0x3b: {  	_ = 	snop  }
0x3c: {  	p2 =	seq.s32 s10, $0x1;
	s10 =	sld [smem:$0x3FB4]  }
0x3d: {  	_ =	shalt  }
0x3e: {  	_ =	shalt  }
0x3f: {  	_ =	shalt  }
0x40: {  	_ =	shalt  }
0x41: {  	_ =	shalt  }
0x42: {  	_ =	shalt  }
0x43: {  	_ =	shalt  }
0x44: {  	_ =	shalt  }
0x45: {  	_ =	shalt  }
0x46: {  	_ =	shalt  }
0x47: {  	_ =	shalt  }
0x48: {  	_ =	shalt  }
0x49: {  	_ =	shalt  }
0x4a: {  	_ =	shalt  }
0x4b: {  	_ =	shalt  }
0x4c: {  	_ =	shalt  }
0x4d: {  	_ =	shalt  }
0x4e: {  	_ =	shalt  }
0x4f: {  	_ =	shalt  }
0x50: {  	_ =	shalt  }
0x51: {  	_ =	shalt  }
0x52: {  	_ =	shalt  }
0x53: {  	_ =	shalt  }
0x54: {  	_ =	shalt  }
0x55: {  	_ =	shalt  }
0x56: {  	_ =	shalt  }
0x57: {  	_ =	shalt  }
0x58: {  	_ =	shalt  }
0x59: {  	_ =	shalt  }
0x5a: {  	_ =	shalt  }
0x5b: {  	_ =	shalt  }
0x5c: {  	_ =	shalt  }
0x5d: {  	_ =	shalt  }
0x5e: {  	_ =	shalt  }
0x5f: {  	_ =	shalt  }
0x60: {  	_ =	shalt  }
0x61: {  	_ =	shalt  }
0x62: {  	_ =	shalt  }
0x63: {  	_ =	shalt  }
0x64: {  	_ =	shalt  }
0x65: {  	_ =	shalt  }
0x66: {  	_ =	shalt  }
0x67: {  	_ =	shalt  }
0x68: {  	_ =	shalt  }
0x69: {  	_ =	shalt  }
0x6a: {  	_ =	shalt  }
0x6b: {  	_ =	shalt  }
0x6c: {  	_ =	shalt  }
0x6d: {  	_ =	shalt  }
0x6e: {  	_ =	shalt  }
0x6f: {  	_ =	shalt  }
0x70: {  	_ =	shalt  }
0x71: {  	_ =	shalt  }
0x72: {  	_ =	shalt  }
0x73: {  	_ =	shalt  }
0x74: {  	_ =	shalt  }
0x75: {  	_ =	shalt  }
0x76: {  	_ =	shalt  }
0x77: {  	_ =	shalt  }
0x78: {  	_ =	shalt  }
0x79: {  	_ =	shalt  }
0x7a: {  	_ =	shalt  }
0x7b: {  	_ =	shalt  }
0x7c: {  	_ =	shalt  }
0x7d: {  	_ =	shalt  }
0x7e: {  	_ =	shalt  }
0x7f: {  	_ =	shalt  }
0x80: {  	_ =	shalt  }
0x81: {  	_ =	shalt  }
0x82: {  	_ =	shalt  }
0x83: {  	_ =	shalt  }
0x84: {  	_ =	shalt  }
0x85: {  	_ =	shalt  }
0x86: {  	_ =	shalt  }
0x87: {  	_ =	shalt  }
.Lfunc_end0:
.L_simem_size_0:
called_computation.1_lowered:
.L_overlay_start_0:
0x88: {  	s2 =	sld [smem:$0x3FD9]  }
0x89: {  	s3 =	sld [smem:$0x3FFE];
	_ =	sdelay $0x1  }
0x8a: {  	s1 =	srdreg.scid  }
0x8b: {  	s0 =	sand.u32 $0x1, s1  }
0x8c: {  	s17 =	sshll.u32 s0, $0xA;
	s2 =	sadd.s32 s3, s2  }
0x8d: {  	s2 =	sadd.s32 s2, s17  }
0x8e: {  	[smem:$0x3FC0] =	sst s2  }
0x8f: {  	_ = 	snop  }
0x90: {  	s2 =	sld [smem:$0x3FD0];
	(tm) =	ssettm $0x1  }
0x91: {  	s18 =	sld [smem:$0x3FFB];
	_ =	sdelay $0x3  }
0x92: {  	_ =	strace s18  }
0x93: {  	s3 =	sld [smem:$0x3FFC];
	_ =	sdelay $0x3  }
0x94: {  	_ =	strace s3  }
0x95: {  	s3 =	sld [smem:$0x3FFD];
	_ =	sdelay $0x3  }
0x96: {  	_ =	strace s3  }
0x97: {  	_ =	strace $0x8FFFFFFF  }
0x98: {  	s19 =	sld [smem:$0x3FDB];
	_ =	sdelay $0x1  }
0x99: {  	s4 =	simm.s32 $_scs_section_size  }
0x9a: {  	s5 =	simm.s32 $_size__tile_overlayer_lowered;
	s6 =	simm.s32 $_tile_overlayer_lowered  }
0x9b: {  	s22 =	simm.s32 $0x1BFF;
	s21 =	sshll.u32 s6, $0x1;
	s3 =	sadd.s32 s4, s19  }
0x9c: {  	s7 =	simm.s32 $0x0;
	s20 =	sshll.u32 s5, $0x1;
	s5 =	sadd.s32 s21, s3  }
0x9d: {  	[timem:s7], [sflag:s22] =	dma.local [hbm:s5], s20  }
0x9e: {  	_ =	swait.ge [sflag:s22], s20  }
0x9f: {  	s4 =	ssub.s32 $0x0, s20;
	[sflag:s22] =	ssyncset.done $0x0  }
0xa0: {  	[sflag:s22] =	ssyncadd.s32 s4;
	_ =	sdelay $0x1  }
0xa1: {  	s23 =	simm.s32 $0x1B8B  }
0xa2: {  	_ =	swait.ge [sflag:s23], $0x1  }
0xa3: {  	[sflag:s23] =	ssyncset.done $0x0  }
0xa4: {  	s25 =	simm.s32 $0x1B8E;
	s24 =	sld [smem:$0x3FFE];
	[sflag:s23] =	ssyncadd.s32 $0xFFFFFFFF  }
0xa5: {  	s26 =	simm.s32 $execute0_lowered;
	[smem:$0x3FD2] =	sst s25  }
0xa6: {  	s5 =	sshll.u32 s26, $0x1;
	_ =	strace $0x80000049;
	[dreg:$0x1] =	wrdreg $0xFFFFFFFF  }
0xa7: {  	s28 =	simm.s32 $_size_execute0_lowered;
	s3 =	sadd.s32 s3, s5;
	[dreg:$0x0] =	wrdreg $0x0  }
0xa8: {  	s5 =	sshll.u32 s28, $0x1;
	[dreg:$0x2] =	wrdreg s3  }
0xa9: {  	[dreg:$0x3] =	wrdreg s5  }
0xaa: {  	[dreg:$0x4] =	wrdreg $0xC0  }
0xab: {  	_ =	task [dreg:s7], $0x5FFFF  }
0xac: {  	[dreg:$0x1] =	wrdreg $0xFFFFFFFF  }
0xad: {  	[dreg:$0x0] =	wrdreg $0x60  }
0xae: {  	[dreg:$0x2] =	wrdreg s24  }
0xaf: {  	[dreg:$0x3] =	wrdreg s2  }
0xb0: {  	[dreg:$0x4] =	wrdreg $0xA8000  }
0xb1: {  	[dreg:$0x5] =	wrdreg $0x9  }
0xb2: {  	_ =	task.clear_ibuf [dreg:s7], $0x6FFFF;
	_ =	strace $0x90000049  }
0xb3: {  	s29 =	simm.s32 $0x9;
	_ =	strace $0x8000004B  }
0xb4: {  	_ =	swait.ge [sflag:s29], $0x1  }
0xb5: {  	[sflag:s29] =	ssyncadd.s32 $0xFFFFFFFF  }
0xb6: {  	_ =	strace $0x9000004B  }
0xb7: {  	_ =	sfence  }
0xb8: {  	s30 =	sld [smem:$0x0];
	_ =	sdelay $0x2  }
0xb9: {  	s31 =	sshll.u32 s1, $0xD;
	s1 =	sshrl.u32 s1, $0x2  }
0xba: {  	s3 =	sand.u32 $0x4000, s31;
	s1 =	sadd.s32 s1, s30  }
0xbb: {  	s0 =	sor.u32 s3, s0;
	s1 =	sshll.u32 s1, $0x11  }
0xbc: {  	s0 =	sor.u32 s1, s0  }
0xbd: {  	s0 =	sadd.s32 $0x8F2B, s0  }
0xbe: {  	[sflag:s0] =	ssyncadd.remote.s32 $0x1  }
0xbf: {  	_ =	sfence.sel $0xFFFF  }
0xc0: {  	[dreg:$0x0] =	wrdreg $0xFFFFFFFF;
	(pc) =	sbr.abs _section_cstart, $3  }
0xc1: {  	[dreg:$0x1] =	wrdreg $0xFFFFFFFF  }
0xc2: {  	_ =	task.clear_ibuf [dreg:s7], $0x2FFFF;
	_ =	strace $0x9FFFFFFF  }
0xc3: {  	(tm) =	ssettm $0x7FFFFFFF  }
tec
execute0_lowered:
.L_overlay_start_1:
0x0: {  	(tag) =	ssettag $0x1  }
0x1: {  	s5 =	rddreg [dreg:$0x0]  }
0x2: {  	s12 =	rddreg [dreg:$0x1]  }
0x3: {  	s2 =	rddreg [dreg:$0x2]  }
0x4: {  	s0 =	rddreg [dreg:$0x3]  }
0x5: {  	s4 =	srdreg.scid;
	s1 =	stileid.u32;
	s3 =	simm.s32 $0x0  }
0x6: {  	s17 =	simm.s32 $0x5;
	s18 =	simm.s32 $0x1400;
	s19 =	simm.s32 $0x80  }
0x7: {  	s20 =	simm.s32 $0x6800;
	s21 =	simm.s32 $0x1;
	s22 =	simm.s32 $0x3  }
0x8: {  	s23 =	simm.s32 $0x2;
	s24 =	simm.s32 $0x4;
	s25 =	simm.s32 $0x2780  }
0x9: {  	s26 =	simm.s32 $0x0;
	s6 =	sand.u32 $0x1, s4;
	s7 =	smul.u32 $0x2800, s1  }
0xa: {  	[smem:$0x7FF] =	sst s3;
	s4 =	sadd.s32 $0xBE00, s5;
	s28 =	smul.u32 $0x50000, s1  }
0xb: {  	s8 =	smul.u32 $0x28000, s6;
	s29 =	ssub.s32 $0x2, s6;
	s6 =	sshll.u32 s6, $0x4  }
0xc: {  	s13 =	sadd.s32 $0x1E00, s5;
	_ =	strace $0x8000004A;
	s9 =	sor.u32 s1, s6  }
0xd: {  	s30 =	sshrl.u32 s29, $0x1;
	s31 =	sshrl.u32 s28, $0x2;
	s10 =	smul.u32 $0x2800, s9  }
0xe: {  	s7 =	sadd.s32 s7, s8;
	s15 =	ssub.s32 s29, s30;
	s11 =	smul.u32 $0x500, s9  }
0xf: {  	s14 =	sadd.s32 s7, s5;
	s5 =	sadd.s32 s31, s2;
	s15 =	smax.u32 s15, $0x1  }
0x10: {  	s6 =	sadd.s32 $0x4000, s5;
	s7 =	sadd.s32 $0x8000, s5;
	s8 =	sadd.s32 $0xC000, s5  }
0x11: {  	s9 =	sadd.s32 $0x10000, s5;
	s16 =	sshrl.u32 s10, $0x3;
	s10 =	sadd.s32 s12, s11  }
0x12: {  	s11 =	sadd.s32 s13, s11;
	s14 =	sadd.s32 $0xAC800, s14;
	s16 =	sadd.s32 $0x280, s16  }
0x13: {  	v0 =	vimm.f32 $0.0e+00;
	s12 =	sadd.s32 s12, s16;
	s13 =	sadd.s32 s13, s16;
	s16 =	simm.s32 $0x2800  }
.LBB2_1:
0x14: {  	s28 =	simm.s32 $0x0;
	s29 =	simm.s32 $0x200  }
.LBB2_2:
0x15: {  	p0 =	sne.s32 s29, $0xFE00;
	[tilespmem:s28+$0x2870] =	vst v0  }
0x16: {  	[tilespmem:s28+$0x2800] =	vst v0  }
0x17: {  	[tilespmem:s28+$0x2810] =	vst v0  }
.Ltmp0:
0x18: {  	[tilespmem:s28+$0x2820] =	vst v0;
	(pc) =	sbr.rel @p0 .LBB2_2-.Ltmp0, $4  }
0x19: {  	[tilespmem:s28+$0x2830] =	vst v0  }
0x1a: {  	[tilespmem:s28+$0x2840] =	vst v0  }
0x1b: {  	[tilespmem:s28+$0x2850] =	vst v0  }
0x1c: {  	[tilespmem:s28+$0x2860] =	vst v0;
	s28 =	sshra.s32 s29, $0x2;
	s29 =	sadd.s32 $0x200, s29  }
0x1d: {  	[tilespmem:s28+$0x2870] =	vst v0  }
0x1e: {  	[tilespmem:s28+$0x2800] =	vst v0  }
0x1f: {  	[tilespmem:s28+$0x2810] =	vst v0  }
0x20: {  	[tilespmem:s28+$0x2820] =	vst v0  }
0x21: {  	[tilespmem:s28+$0x2830] =	vst v0  }
0x22: {  	[tilespmem:s28+$0x2840] =	vst v0  }
0x23: {  	[tilespmem:s28+$0x2850] =	vst v0  }
0x24: {  	[tilespmem:s28+$0x2860] =	vst v0  }
0x25: {  	[spmem:s5] =	stream.linear.scatter [tilespmem:s16], [sflag:$0x5], $0x4000, $0x38;
	[tilespmem:$0x1E800] =	vst v63  }
0x26: {  	_ =	swait.ge [sflag:s17], $0x4000  }
0x27: {  	[sflag:s17] =	ssyncset.done $0x0  }
0x28: {  	[sflag:s17] =	ssyncadd.s32 $0xFFFFC000  }
0x29: {  	[spmem:s6] =	stream.linear.scatter [tilespmem:s16], [sflag:$0x5], $0x4000, $0x38;
	[tilespmem:$0x1E800] =	vst v63  }
0x2a: {  	_ =	swait.ge [sflag:s17], $0x4000  }
0x2b: {  	[sflag:s17] =	ssyncset.done $0x0  }
0x2c: {  	[sflag:s17] =	ssyncadd.s32 $0xFFFFC000  }
0x2d: {  	[spmem:s7] =	stream.linear.scatter [tilespmem:s16], [sflag:$0x5], $0x4000, $0x38;
	[tilespmem:$0x1E800] =	vst v63  }
0x2e: {  	_ =	swait.ge [sflag:s17], $0x4000  }
0x2f: {  	[sflag:s17] =	ssyncset.done $0x0  }
0x30: {  	[sflag:s17] =	ssyncadd.s32 $0xFFFFC000  }
0x31: {  	[spmem:s8] =	stream.linear.scatter [tilespmem:s16], [sflag:$0x5], $0x4000, $0x38;
	[tilespmem:$0x1E800] =	vst v63  }
0x32: {  	_ =	swait.ge [sflag:s17], $0x4000  }
0x33: {  	[sflag:s17] =	ssyncset.done $0x0  }
0x34: {  	[sflag:s17] =	ssyncadd.s32 $0xFFFFC000  }
0x35: {  	[spmem:s9] =	stream.linear.scatter [tilespmem:s16], [sflag:$0x5], $0x4000, $0x38;
	[tilespmem:$0x1E800] =	vst v63  }
0x36: {  	_ =	swait.ge [sflag:s17], $0x4000  }
0x37: {  	[sflag:s17] =	ssyncset.done $0x0  }
0x38: {  	[sflag:s17] =	ssyncadd.s32 $0xFFFFC000  }
0x39: {  	[bflag:$0x0] =	sbarrier.arrive $0xFFFF  }
0x3a: {  	[tilespmem:s3], [sflag:$0x5] =	stream.linear.gather [hbm4b:s10+s3], $0x1400, $0x38;
	[tilespmem:$0x1E800] =	vst v63  }
0x3b: {  	_ =	swait.ge [sflag:s17], $0x1400  }
0x3c: {  	[sflag:s17] =	ssyncset.done $0x0  }
0x3d: {  	[sflag:s17] =	ssyncadd.s32 $0xFFFFEC00  }
0x3e: {  	[tilespmem:s18], [sflag:$0x5] =	stream.linear.gather [hbm4b:s11+s3], $0x1400, $0x38;
	[tilespmem:$0x1E800] =	vst v63  }
0x3f: {  	_ =	swait.ge [sflag:s17], $0x1400  }
0x40: {  	[sflag:s17] =	ssyncset.done $0x0  }
0x41: {  	[sflag:s17] =	ssyncadd.s32 $0xFFFFEC00  }
0x42: {  	[tilespmem:s16], [sflag:$0x1] =	stream.indirect.gather [hbm4b:s4+s19], $0x80, s3, s19, $0xb8;
	[tilespmem:$0x1E800] =	vst v63  }
0x43: {  	_ = 	snop  }
0x44: {  	[tilespmem:s20], [sflag:$0x2] =	stream.indirect.gather [hbm4b:s4+s19], $0x80, s19, s19, $0xb8;
	[tilespmem:$0x1E800] =	vst v63  }
0x45: {  	_ =	swait.ge [sflag:s21], $0x4000  }
0x46: {  	[sflag:s21] =	ssyncset.done $0x0  }
0x47: {  	[sflag:s21] =	ssyncadd.s32 $0xFFFFC000  }
0x48: {  	[spmem:s2] =	stream.indirect.scatter.add.f32 [tilespmem:s16], [sflag:$0x3], $0x80, s18, s19, $0xb8;
	[tilespmem:$0x1E800] =	vst v63  }
0x49: {  	_ =	swait.ge [sflag:s22], $0x4000  }
0x4a: {  	[sflag:s22] =	ssyncset.done $0x0  }
0x4b: {  	s28 =	simm.s32 $0x100;
	[sflag:s22] =	ssyncadd.s32 $0xFFFFC000  }
0x4c: {  	[tilespmem:s16], [sflag:$0x1] =	stream.indirect.gather [hbm4b:s4+s19], $0x80, s28, s19, $0xb8;
	[tilespmem:$0x1E800] =	vst v63  }
0x4d: {  	_ =	swait.ge [sflag:s23], $0x4000  }
0x4e: {  	[sflag:s23] =	ssyncset.done $0x0  }
0x4f: {  	s28 =	simm.s32 $0x1480;
	[sflag:s23] =	ssyncadd.s32 $0xFFFFC000  }
0x50: {  	[spmem:s2] =	stream.indirect.scatter.add.f32 [tilespmem:s20], [sflag:$0x4], $0x80, s28, s19, $0xb8;
	[tilespmem:$0x1E800] =	vst v63  }
0x51: {  	_ =	swait.ge [sflag:s24], $0x4000  }
0x52: {  	[sflag:s24] =	ssyncset.done $0x0  }
0x53: {  	s28 =	simm.s32 $0x180;
	[sflag:s24] =	ssyncadd.s32 $0xFFFFC000  }
0x54: {  	[tilespmem:s20], [sflag:$0x2] =	stream.indirect.gather [hbm4b:s4+s19], $0x80, s28, s19, $0xb8;
	[tilespmem:$0x1E800] =	vst v63  }
0x55: {  	_ =	swait.ge [sflag:s21], $0x4000  }
0x56: {  	[sflag:s21] =	ssyncset.done $0x0  }
0x57: {  	s29 =	simm.s32 $0x1500;
	s28 =	simm.s32 $0xFFFFB800;
	[sflag:s21] =	ssyncadd.s32 $0xFFFFC000  }
.LBB2_4:
0x58: {  	[spmem:s2] =	stream.indirect.scatter.add.f32 [tilespmem:s16], [sflag:$0x3], $0x80, s29, s19, $0xb8;
	[tilespmem:$0x1E800] =	vst v63  }
0x59: {  	s29 =	smov.u32 s28  }
0x5a: {  	p0 =	sne.s32 s28, $0xFFFFFC00;
	s28 =	sadd.s32 $0x400, s28;
	_ =	swait.ge [sflag:s22], $0x4000  }
0x5b: {  	s29 =	sshra.s32 s29, $0x2;
	[sflag:s22] =	ssyncset.done $0x0  }
0x5c: {  	s30 =	sadd.s32 $0x1400, s29;
	[sflag:s22] =	ssyncadd.s32 $0xFFFFC000  }
0x5d: {  	[tilespmem:s16], [sflag:$0x1] =	stream.indirect.gather [hbm4b:s4+s19], $0x80, s30, s19, $0xb8;
	[tilespmem:$0x1E800] =	vst v63  }
0x5e: {  	_ =	swait.ge [sflag:s23], $0x4000  }
0x5f: {  	[sflag:s23] =	ssyncset.done $0x0  }
0x60: {  	s30 =	sadd.s32 $0x2780, s29;
	[sflag:s23] =	ssyncadd.s32 $0xFFFFC000  }
0x61: {  	[spmem:s2] =	stream.indirect.scatter.add.f32 [tilespmem:s20], [sflag:$0x4], $0x80, s30, s19, $0xb8;
	[tilespmem:$0x1E800] =	vst v63  }
0x62: {  	_ =	swait.ge [sflag:s24], $0x4000  }
0x63: {  	[sflag:s24] =	ssyncset.done $0x0  }
.Ltmp1:
0x64: {  	s30 =	sadd.s32 $0x1480, s29;
	[sflag:s24] =	ssyncadd.s32 $0xFFFFC000;
	(pc) =	sbr.rel @p0 .LBB2_4-.Ltmp1, $4  }
0x65: {  	[tilespmem:s20], [sflag:$0x2] =	stream.indirect.gather [hbm4b:s4+s19], $0x80, s30, s19, $0xb8;
	[tilespmem:$0x1E800] =	vst v63  }
0x66: {  	_ =	swait.ge [sflag:s21], $0x4000  }
0x67: {  	[sflag:s21] =	ssyncset.done $0x0  }
0x68: {  	s29 =	sadd.s32 $0x2800, s29;
	[sflag:s21] =	ssyncadd.s32 $0xFFFFC000  }
0x69: {  	[spmem:s2] =	stream.indirect.scatter.add.f32 [tilespmem:s16], [sflag:$0x3], $0x80, s29, s19, $0xb8;
	[tilespmem:$0x1E800] =	vst v63  }
0x6a: {  	_ =	swait.ge [sflag:s23], $0x4000  }
0x6b: {  	[sflag:s23] =	ssyncset.done $0x0  }
0x6c: {  	[sflag:s23] =	ssyncadd.s32 $0xFFFFC000  }
0x6d: {  	[spmem:s2] =	stream.indirect.scatter.add.f32 [tilespmem:s20], [sflag:$0x4], $0x80, s25, s19, $0xb8;
	[tilespmem:$0x1E800] =	vst v63  }
0x6e: {  	_ =	swait.ge [sflag:s22], $0x4000  }
0x6f: {  	[sflag:s22] =	ssyncset.done $0x0  }
0x70: {  	[sflag:s22] =	ssyncadd.s32 $0xFFFFC000  }
0x71: {  	_ =	swait.ge [sflag:s24], $0x4000  }
0x72: {  	[sflag:s24] =	ssyncset.done $0x0  }
0x73: {  	[sflag:s24] =	ssyncadd.s32 $0xFFFFC000  }
0x74: {  	[tilespmem:s3], [sflag:$0x5] =	stream.linear.gather [hbm4b:s12+s3], $0x1400, $0x38;
	[tilespmem:$0x1E800] =	vst v63  }
0x75: {  	_ =	swait.ge [sflag:s17], $0x1400  }
0x76: {  	[sflag:s17] =	ssyncset.done $0x0  }
0x77: {  	[sflag:s17] =	ssyncadd.s32 $0xFFFFEC00  }
0x78: {  	[tilespmem:s18], [sflag:$0x5] =	stream.linear.gather [hbm4b:s13+s3], $0x1400, $0x38;
	[tilespmem:$0x1E800] =	vst v63  }
0x79: {  	_ =	swait.ge [sflag:s17], $0x1400  }
0x7a: {  	[sflag:s17] =	ssyncset.done $0x0  }
0x7b: {  	[sflag:s17] =	ssyncadd.s32 $0xFFFFEC00  }
0x7c: {  	[tilespmem:s16], [sflag:$0x1] =	stream.indirect.gather [hbm4b:s4+s19], $0x80, s3, s19, $0xb8;
	[tilespmem:$0x1E800] =	vst v63  }
0x7d: {  	_ = 	snop  }
0x7e: {  	[tilespmem:s20], [sflag:$0x2] =	stream.indirect.gather [hbm4b:s4+s19], $0x80, s19, s19, $0xb8;
	[tilespmem:$0x1E800] =	vst v63  }
0x7f: {  	_ =	swait.ge [sflag:s21], $0x4000  }
0x80: {  	[sflag:s21] =	ssyncset.done $0x0  }
0x81: {  	[sflag:s21] =	ssyncadd.s32 $0xFFFFC000  }
0x82: {  	[spmem:s2] =	stream.indirect.scatter.add.f32 [tilespmem:s16], [sflag:$0x3], $0x80, s18, s19, $0xb8;
	[tilespmem:$0x1E800] =	vst v63  }
0x83: {  	_ =	swait.ge [sflag:s22], $0x4000  }
0x84: {  	[sflag:s22] =	ssyncset.done $0x0  }
0x85: {  	s28 =	simm.s32 $0x100;
	[sflag:s22] =	ssyncadd.s32 $0xFFFFC000  }
0x86: {  	[tilespmem:s16], [sflag:$0x1] =	stream.indirect.gather [hbm4b:s4+s19], $0x80, s28, s19, $0xb8;
	[tilespmem:$0x1E800] =	vst v63  }
0x87: {  	_ =	swait.ge [sflag:s23], $0x4000  }
0x88: {  	[sflag:s23] =	ssyncset.done $0x0  }
0x89: {  	s28 =	simm.s32 $0x1480;
	[sflag:s23] =	ssyncadd.s32 $0xFFFFC000  }
0x8a: {  	[spmem:s2] =	stream.indirect.scatter.add.f32 [tilespmem:s20], [sflag:$0x4], $0x80, s28, s19, $0xb8;
	[tilespmem:$0x1E800] =	vst v63  }
0x8b: {  	_ =	swait.ge [sflag:s24], $0x4000  }
0x8c: {  	[sflag:s24] =	ssyncset.done $0x0  }
0x8d: {  	s28 =	simm.s32 $0x180;
	[sflag:s24] =	ssyncadd.s32 $0xFFFFC000  }
0x8e: {  	[tilespmem:s20], [sflag:$0x2] =	stream.indirect.gather [hbm4b:s4+s19], $0x80, s28, s19, $0xb8;
	[tilespmem:$0x1E800] =	vst v63  }
0x8f: {  	_ =	swait.ge [sflag:s21], $0x4000  }
0x90: {  	[sflag:s21] =	ssyncset.done $0x0  }
0x91: {  	s29 =	simm.s32 $0x1500;
	s28 =	simm.s32 $0xFFFFB800;
	[sflag:s21] =	ssyncadd.s32 $0xFFFFC000  }
.LBB2_6:
0x92: {  	[spmem:s2] =	stream.indirect.scatter.add.f32 [tilespmem:s16], [sflag:$0x3], $0x80, s29, s19, $0xb8;
	[tilespmem:$0x1E800] =	vst v63  }
0x93: {  	s29 =	smov.u32 s28  }
0x94: {  	p0 =	sne.s32 s28, $0xFFFFFC00;
	s28 =	sadd.s32 $0x400, s28;
	_ =	swait.ge [sflag:s22], $0x4000  }
0x95: {  	s29 =	sshra.s32 s29, $0x2;
	[sflag:s22] =	ssyncset.done $0x0  }
0x96: {  	s30 =	sadd.s32 $0x1400, s29;
	[sflag:s22] =	ssyncadd.s32 $0xFFFFC000  }
0x97: {  	[tilespmem:s16], [sflag:$0x1] =	stream.indirect.gather [hbm4b:s4+s19], $0x80, s30, s19, $0xb8;
	[tilespmem:$0x1E800] =	vst v63  }
0x98: {  	_ =	swait.ge [sflag:s23], $0x4000  }
0x99: {  	[sflag:s23] =	ssyncset.done $0x0  }
0x9a: {  	s30 =	sadd.s32 $0x2780, s29;
	[sflag:s23] =	ssyncadd.s32 $0xFFFFC000  }
0x9b: {  	[spmem:s2] =	stream.indirect.scatter.add.f32 [tilespmem:s20], [sflag:$0x4], $0x80, s30, s19, $0xb8;
	[tilespmem:$0x1E800] =	vst v63  }
0x9c: {  	_ =	swait.ge [sflag:s24], $0x4000  }
0x9d: {  	[sflag:s24] =	ssyncset.done $0x0  }
.Ltmp2:
0x9e: {  	s30 =	sadd.s32 $0x1480, s29;
	[sflag:s24] =	ssyncadd.s32 $0xFFFFC000;
	(pc) =	sbr.rel @p0 .LBB2_6-.Ltmp2, $4  }
0x9f: {  	[tilespmem:s20], [sflag:$0x2] =	stream.indirect.gather [hbm4b:s4+s19], $0x80, s30, s19, $0xb8;
	[tilespmem:$0x1E800] =	vst v63  }
0xa0: {  	_ =	swait.ge [sflag:s21], $0x4000  }
0xa1: {  	[sflag:s21] =	ssyncset.done $0x0  }
0xa2: {  	s29 =	sadd.s32 $0x2800, s29;
	[sflag:s21] =	ssyncadd.s32 $0xFFFFC000  }
0xa3: {  	[spmem:s2] =	stream.indirect.scatter.add.f32 [tilespmem:s16], [sflag:$0x3], $0x80, s29, s19, $0xb8;
	[tilespmem:$0x1E800] =	vst v63  }
0xa4: {  	_ =	swait.ge [sflag:s23], $0x4000  }
0xa5: {  	[sflag:s23] =	ssyncset.done $0x0  }
0xa6: {  	[sflag:s23] =	ssyncadd.s32 $0xFFFFC000  }
0xa7: {  	[spmem:s2] =	stream.indirect.scatter.add.f32 [tilespmem:s20], [sflag:$0x4], $0x80, s25, s19, $0xb8;
	[tilespmem:$0x1E800] =	vst v63  }
0xa8: {  	_ =	swait.ge [sflag:s22], $0x4000  }
0xa9: {  	[sflag:s22] =	ssyncset.done $0x0  }
0xaa: {  	[sflag:s22] =	ssyncadd.s32 $0xFFFFC000  }
0xab: {  	_ =	swait.ge [sflag:s24], $0x4000  }
0xac: {  	s28 =	sshll.u32 s1, $0x6;
	s26 =	sadd.s32 $0x1, s26;
	[sflag:s24] =	ssyncset.done $0x0  }
0xad: {  	s31 =	sshrl.u32 s5, $0x3;
	p0 =	sne.s32 s26, s15;
	[sflag:s24] =	ssyncadd.s32 $0xFFFFC000  }
.Ltmp3:
0xae: {  	s28 =	sor.u32 $0x1C05, s28;
	[bflag:$0x0] =	sbarrier.arrive $0xFFFF;
	(pc) =	sbr.rel @p0 .LBB2_1-.Ltmp3, $4  }
0xaf: {  	[hbm:s14], [sflag:s28] =	dma.local [spmem:s31], $0x2800  }
0xb0: {  	_ =	swait.ge [sflag:s17], $0x2800  }
0xb1: {  	[sflag:s17] =	ssyncset.done $0x0  }
0xb2: {  	[sflag:s17] =	ssyncadd.s32 $0xFFFFD800  }
0xb3: {  	_ =	sfence.sel $0x180000  }
0xb4: {  	[bflag:$0x0] =	sbarrier.arrive $0xFFFF  }
0xb5: {  	p0 =	sne.s32 s1, $0x0;
	_ =	strace $0x9000004A  }
0xb6: {  	s0 =	sadd.s32 @!p0 $0x100000, s0;
	[bflag:$0x2] =	sbarrier.arrive $0xFFFF  }
0xb7: {  	[sflag:s0] =	ssyncadd.tile.s32 @!p0 $0x1;
	_ =	shalt  }
.Lfunc_end2:
_tile_overlayer_lowered:
.L_overlay_start_2:
0xb8: {  	(tag) =	ssettag $0x2  }
0xb9: {  	s0 =	rddreg [dreg:$0x0];
	s2 =	stileid.u32  }
0xba: {  	s1 =	rddreg [dreg:$0x1];
	p0 =	sne.s32 s2, $0x0  }
0xbb: {  	s3 =	rddreg [dreg:$0x2];
	[bflag:$0x3] =	sbarrier.arrive $0xFFFF;
	s2 =	simm.s32 @!p0 $0x1C05  }
0xbc: {  	[timem:s3], [sflag:s2] =	dma.local @!p0 [hbm:s0], s1  }
0xbd: {  	s0 =	simm.s32 @!p0 $0x5  }
0xbe: {  	_ =	swait.ge @!p0 [sflag:s0], s1  }
0xbf: {  	s1 =	ssub.s32 @!p0 $0x0, s1;
	[sflag:s0] =	ssyncset.done @!p0 $0x0  }
0xc0: {  	[sflag:s0] =	ssyncadd.s32 @!p0 s1  }
0xc1: {  	[bflag:$0x3] =	sbarrier.arrive $0xFFFF  }
0xc2: {  	_ =	shalt  }

</sc_bundles>
